<compile_context>
chip_gen: v7x
topology: tpu7x:2x2x1
jax: 0.10.2.dev20260603
libtpu: 0.0.44.dev20260713+nightly
codegen_flags: <defaults>
</compile_context>

<pallas_src>
import functools

import jax
import jax.numpy as jnp
from jax import lax
from jax.experimental import pallas as pl
from jax.experimental.pallas import tpu as pltpu
from jax.experimental.pallas import tpu_sc as plsc

NUM_HEADS = 32
NUM_SPATIAL = 512
B, N = 64, 128
N1 = N + 1
JP = 256
JW = 136
SPF = N * N
ABF = N1 * N1
GUARD = 16
K = 4
RSEG = 16
NSEG = (NUM_HEADS // K) * (N // RSEG)

_info = plsc.get_sparse_core_info()
NC, NS = _info.num_cores, _info.num_subcores
NW = NC * NS
B_PER_W = B // NW


def _sc_kernel(ab_hbm, sp_hbm, tab_hbm, vd_hbm, out_hbm,
               table_v, sp_v, ab2_v, t_v, r0_v, int_v, sem0, sem1, semr):
    wid = lax.axis_index("s") * NC + lax.axis_index("c")
    pltpu.sync_copy(tab_hbm, table_v)
    pltpu.sync_copy(vd_hbm, t_v)
    iota = lax.iota(jnp.int32, 16)
    m0 = jnp.where(iota == 0, 1.0, 0.0).astype(jnp.float32)
    minv = jnp.where(iota == 0, 0.0, 1.0).astype(jnp.float32)

    def seg_body(s, carry):
        b = wid * B_PER_W + s // NSEG
        rem = lax.rem(s, NSEG)
        hblk = rem // (N // RSEG)
        rseg = lax.rem(rem, N // RSEG)
        parity = lax.rem(s, 2)

        @pl.when(jnp.logical_and(s >= NSEG, rem == 0))
        def _drain_r0():
            pltpu.make_async_copy(
                r0_v.at[:, pl.ds(0, JW)],
                out_hbm.at[b, 0, :, pl.ds(0, JW)], semr).wait()

        @pl.when(rem == 0)
        def _setup():
            pltpu.sync_copy(sp_hbm.at[b], sp_v.at[pl.ds(GUARD, SPF)])
            pltpu.sync_copy(ab_hbm.at[b], ab2_v.at[pl.ds(0, ABF)])
            sp_v[pl.ds(0, GUARD)] = jnp.zeros((16,), jnp.int32)
            sp_v[pl.ds(GUARD + SPF, 16)] = jnp.zeros((16,), jnp.int32)

            @plsc.parallel_loop(0, (ABF + 15) // 16, unroll=4)
            def _dbl(c):
                sl = pl.ds(c * 16, 16)
                v = ab2_v[sl]
                ab2_v[sl] = v + v

            @plsc.parallel_loop(0, NUM_HEADS, unroll=2)
            def _edge(h):
                tval = plsc.load_gather(t_v, [jnp.full((16,), h, jnp.int32)])
                for c in range(9):
                    sl = pl.ds(c * 16, 16)
                    r0_v[h, sl] = ab2_v[sl] + tval

            pltpu.make_async_copy(
                r0_v.at[:, pl.ds(0, JW)],
                out_hbm.at[b, 0, :, pl.ds(0, JW)], semr).start()

        h0 = hblk * K
        i0 = 1 + rseg * RSEG
        dst = out_hbm.at[b, pl.ds(i0, RSEG), pl.ds(h0, K), pl.ds(0, JW)]
        src0 = int_v.at[0, :, :, pl.ds(0, JW)]
        src1 = int_v.at[1, :, :, pl.ds(0, JW)]

        @pl.when(jnp.logical_and(s >= 2, parity == 0))
        def _wait0():
            pltpu.make_async_copy(src0, dst, sem0).wait()

        @pl.when(jnp.logical_and(s >= 2, parity == 1))
        def _wait1():
            pltpu.make_async_copy(src1, dst, sem1).wait()

        tmk = [plsc.load_gather(t_v, [jnp.full((16,), h0 + k, jnp.int32)]) * m0
               for k in range(K)]

        @plsc.parallel_loop(0, RSEG, unroll=2)
        def _row(li):
            i = i0 + li
            spb = GUARD + (i - 1) * N - 1
            abb = i * N1
            for c in range(9):
                sl16 = c * 16 if c < 8 else 120
                spv = sp_v[pl.ds(spb + sl16, 16)]
                a2 = ab2_v[pl.ds(abb + sl16, 16)]
                sp32 = spv * 32
                for k in range(K):
                    tv = plsc.load_gather(table_v, [sp32 + (h0 + k)])
                    if c == 0:
                        val = a2 + tv * minv + tmk[k]
                    else:
                        val = a2 + tv
                    int_v[parity, li, k, pl.ds(sl16, 16)] = val

        @pl.when(parity == 0)
        def _fire0():
            pltpu.make_async_copy(src0, dst, sem0).start()

        @pl.when(parity == 1)
        def _fire1():
            pltpu.make_async_copy(src1, dst, sem1).start()

        return carry

    lax.fori_loop(0, B_PER_W * NSEG, seg_body, 0)

    b_last = wid * B_PER_W + (B_PER_W - 1)
    dstf = out_hbm.at[b_last, pl.ds(1, RSEG), pl.ds(0, K), pl.ds(0, JW)]
    pltpu.make_async_copy(int_v.at[0, :, :, pl.ds(0, JW)], dstf, sem0).wait()
    pltpu.make_async_copy(int_v.at[1, :, :, pl.ds(0, JW)], dstf, sem1).wait()
    pltpu.make_async_copy(r0_v.at[:, pl.ds(0, JW)],
                          out_hbm.at[b_last, 0, :, pl.ds(0, JW)], semr).wait()


def kernel(attn_bias, spatial_pos, x, spatial_table, virtual_dist):
    del x
    sp = spatial_pos.astype(jnp.int32).reshape(B, SPF)
    ab = attn_bias.reshape(B, ABF)
    tab = spatial_table.astype(jnp.float32).reshape(NUM_SPATIAL * NUM_HEADS)
    vd = virtual_dist.reshape(NUM_HEADS)

    mesh = plsc.VectorSubcoreMesh(core_axis_name="c", subcore_axis_name="s")
    run = functools.partial(
        pl.kernel,
        mesh=mesh,
        out_type=jax.ShapeDtypeStruct((B, N1, NUM_HEADS, JP), jnp.float32),
        compiler_params=pltpu.CompilerParams(
            needs_layout_passes=False, use_tc_tiling_on_sc=False),
        scratch_types=[
            pltpu.VMEM((NUM_SPATIAL * NUM_HEADS,), jnp.float32),
            pltpu.VMEM((GUARD + SPF + 16,), jnp.int32),
            pltpu.VMEM((ABF + 15,), jnp.float32),
            pltpu.VMEM((NUM_HEADS,), jnp.float32),
            pltpu.VMEM((NUM_HEADS, JW + 8), jnp.float32),
            pltpu.VMEM((2, RSEG, K, JW + 8), jnp.float32),
            pltpu.SemaphoreType.DMA,
            pltpu.SemaphoreType.DMA,
            pltpu.SemaphoreType.DMA,
        ],
    )(_sc_kernel)
    padded = run(ab, sp, tab, vd)
    return jnp.transpose(padded, (0, 2, 1, 3))[:, :, :, :N1]

# --- scband reference (transcript-rebuilt; emitter-appended) ---
"""Pipeline reference for scband-graph-attn-spatial-bias-57552561766472 (READ-ONLY COPY).

The authoritative reference and input builder live on the scoring server;
editing this copy changes nothing except your own understanding.
"""

import jax, jax.numpy as jnp
import numpy as np

NUM_HEADS = 32
NUM_SPATIAL = 512
USE_SUPER_NODE = True
B, N = 64, 128


def setup_inputs(seed: int = 0) -> dict:
    key = jax.random.key(seed)
    k1, k2, k3, k4, k5 = jax.random.split(key, 5)
    attn_bias = jax.random.normal(k1, (B, N + 1, N + 1), dtype=jnp.float32)
    spatial_pos = jax.random.randint(k2, (B, N, N), 0, NUM_SPATIAL, dtype=jnp.int64 if jax.config.jax_enable_x64 else jnp.int32)
    x = jax.random.randint(k3, (B, N, 1), 0, NUM_SPATIAL, dtype=jnp.int64 if jax.config.jax_enable_x64 else jnp.int32)
    spatial_table = jax.random.normal(k4, (NUM_SPATIAL, NUM_HEADS), dtype=jnp.float32) * 0.02
    spatial_table = spatial_table.at[0].set(0.0)  # padding_idx=0
    virtual_dist = jax.random.normal(k5, (1, NUM_HEADS), dtype=jnp.float32) * 0.02
    return {"attn_bias": attn_bias, "spatial_pos": spatial_pos, "x": x,
            "spatial_table": spatial_table, "virtual_dist": virtual_dist}


def reference(attn_bias, spatial_pos, x, spatial_table, virtual_dist):
    sn = int(USE_SUPER_NODE)
    # graph_attn_bias = attn_bias.unsqueeze(1).repeat(1, H, 1, 1)
    gab = jnp.repeat(attn_bias[:, None, :, :], NUM_HEADS, axis=1)
    # spatial_pos_bias = Embedding(spatial_pos).permute(0, 3, 1, 2)
    spb = jnp.take(spatial_table, spatial_pos, axis=0)  # [B, N, N, H]
    spb = jnp.transpose(spb, (0, 3, 1, 2))              # [B, H, N, N]
    gab = gab.at[:, :, sn:, sn:].add(spb)
    if USE_SUPER_NODE:
        t = virtual_dist.reshape(1, NUM_HEADS, 1)
        gab = gab.at[:, :, 1:, 0].add(t)
        gab = gab.at[:, :, 0, :].add(t)
    gab = gab + attn_bias[:, None, :, :]
    return gab

if __name__ == "__main__":
    import jax
    _d = setup_inputs()
    print(jax.jit(kernel)(*tuple(_d.values())))

</pallas_src>

<mosaic_0001>
#map = affine_map<(d0, d1) -> (0, 0)>
#map1 = affine_map<(d0, d1) -> (0)>
#map2 = affine_map<(d0, d1) -> (0, 0, 0, 0)>
module attributes {stable_mosaic.version = 14 : i64} {
  func.func @_sc_kernel(%arg0: i32, %arg1: i32, %arg2: memref<64x16641xf32, #tpu.memory_space<hbm>>, %arg3: memref<64x16384xi32, #tpu.memory_space<hbm>>, %arg4: memref<16384xf32, #tpu.memory_space<hbm>>, %arg5: memref<32xf32, #tpu.memory_space<hbm>>, %arg6: memref<64x129x32x256xf32, #tpu.memory_space<hbm>>, %arg7: memref<16384xf32, #tpu.memory_space<vmem>>, %arg8: memref<16416xi32, #tpu.memory_space<vmem>>, %arg9: memref<16656xf32, #tpu.memory_space<vmem>>, %arg10: memref<32xf32, #tpu.memory_space<vmem>>, %arg11: memref<32x144xf32, #tpu.memory_space<vmem>>, %arg12: memref<2x16x4x144xf32, #tpu.memory_space<vmem>>, %arg13: memref<!tpu.dma_semaphore, #tpu.memory_space<semaphore_mem>>, %arg14: memref<!tpu.dma_semaphore, #tpu.memory_space<semaphore_mem>>, %arg15: memref<!tpu.dma_semaphore, #tpu.memory_space<semaphore_mem>>) attributes {dimension_semantics = [#tpu.dimension_semantics<core_parallel>, #tpu.dimension_semantics<subcore_parallel>], iteration_bounds = array<i64: 2, 16>, scalar_prefetch = 0 : i64, scratch_operands = 9 : i64, tpu.core_type = #tpu.core_type<sc_vector_subcore>, window_params = [{transform_indices = #map}, {transform_indices = #map}, {transform_indices = #map1}, {transform_indices = #map1}, {transform_indices = #map2}]} {
    %mul3A = arith.constant 2 : i32
    %mul3A_0 = arith.muli %arg1, %mul3A : i32
    %add3A = arith.addi %mul3A_0, %arg0 : i32
    "tpu.region"() ({
      %run_scoped3A = tpu.sem_alloc : memref<!tpu.dma_semaphore, #tpu.memory_space<semaphore_mem>>
      tpu.enqueue_dma source(%arg4 : memref<16384xf32, #tpu.memory_space<hbm>>) target(%arg7 : memref<16384xf32, #tpu.memory_space<vmem>>) target_semaphore(%run_scoped3A : memref<!tpu.dma_semaphore, #tpu.memory_space<semaphore_mem>>)
      tpu.wait_dma2 semaphore(%run_scoped3A : memref<!tpu.dma_semaphore, #tpu.memory_space<semaphore_mem>>) src(%arg4 : memref<16384xf32, #tpu.memory_space<hbm>>) dst(%arg7 : memref<16384xf32, #tpu.memory_space<vmem>>)
      tpu.yield
    }) : () -> ()
    "tpu.region"() ({
      %run_scoped3A = tpu.sem_alloc : memref<!tpu.dma_semaphore, #tpu.memory_space<semaphore_mem>>
      tpu.enqueue_dma source(%arg5 : memref<32xf32, #tpu.memory_space<hbm>>) target(%arg10 : memref<32xf32, #tpu.memory_space<vmem>>) target_semaphore(%run_scoped3A : memref<!tpu.dma_semaphore, #tpu.memory_space<semaphore_mem>>)
      tpu.wait_dma2 semaphore(%run_scoped3A : memref<!tpu.dma_semaphore, #tpu.memory_space<semaphore_mem>>) src(%arg5 : memref<32xf32, #tpu.memory_space<hbm>>) dst(%arg10 : memref<32xf32, #tpu.memory_space<vmem>>)
      tpu.yield
    }) : () -> ()
    %iota3A = tpu.iota {dimensions = array<i32: 0>} : vector<16xi32>
    %eq3A = arith.constant 0 : i32
    %eq3A_1 = vector.broadcast %eq3A : i32 to vector<16xi32>
    %eq3A_2 = arith.cmpi eq, %iota3A, %eq3A_1 : vector<16xi32>
    %jit3A = arith.constant 1.000000e+00 : f32
    %jit3A_3 = arith.constant 0.000000e+00 : f32
    %broadcast_in_dim3A = vector.broadcast %jit3A : f32 to vector<16xf32>
    %broadcast_in_dim3A_4 = vector.broadcast %jit3A_3 : f32 to vector<16xf32>
    %select_n3A = arith.select %eq3A_2, %broadcast_in_dim3A, %broadcast_in_dim3A_4 : vector<16xi1>, vector<16xf32>
    %eq3A_5 = arith.constant 0 : i32
    %eq3A_6 = vector.broadcast %eq3A_5 : i32 to vector<16xi32>
    %eq3A_7 = arith.cmpi eq, %iota3A, %eq3A_6 : vector<16xi32>
    %jit3A_8 = arith.constant 0.000000e+00 : f32
    %jit3A_9 = arith.constant 1.000000e+00 : f32
    %broadcast_in_dim3A_10 = vector.broadcast %jit3A_8 : f32 to vector<16xf32>
    %broadcast_in_dim3A_11 = vector.broadcast %jit3A_9 : f32 to vector<16xf32>
    %select_n3A_12 = arith.select %eq3A_7, %broadcast_in_dim3A_10, %broadcast_in_dim3A_11 : vector<16xi1>, vector<16xf32>
    %scan3A = arith.constant 0 : i32
    %scan3A_13 = arith.constant 0 : i32
    %scan3A_14 = arith.constant 128 : i32
    %scan3A_15 = arith.addi %scan3A_13, %scan3A_14 : i32
    %scan3A_16 = arith.constant 1 : i32
    scf.for %scan3A_78 = %scan3A_13 to %scan3A_15 step %scan3A_16  : i32 {
      %mul3A_79 = arith.constant 2 : i32
      %mul3A_80 = arith.muli %add3A, %mul3A_79 : i32
      %jit3A_81 = arith.constant 64 : i32
      %div3A = arith.divsi %scan3A_78, %jit3A_81 : i32
      %sign3A = arith.constant 0 : i32
      %sign3A_82 = arith.cmpi sgt, %scan3A_78, %sign3A : i32
      %sign3A_83 = arith.extui %sign3A_82 : i1 to i32
      %sign3A_84 = arith.constant 0 : i32
      %sign3A_85 = arith.cmpi slt, %scan3A_78, %sign3A_84 : i32
      %sign3A_86 = arith.extui %sign3A_85 : i1 to i32
      %sign3A_87 = arith.subi %sign3A_83, %sign3A_86 : i32
      %sign3A_88 = arith.constant 0 : i32
      %sign3A_89 = arith.cmpi sgt, %jit3A_81, %sign3A_88 : i32
      %sign3A_90 = arith.extui %sign3A_89 : i1 to i32
      %sign3A_91 = arith.constant 0 : i32
      %sign3A_92 = arith.cmpi slt, %jit3A_81, %sign3A_91 : i32
      %sign3A_93 = arith.extui %sign3A_92 : i1 to i32
      %sign3A_94 = arith.subi %sign3A_90, %sign3A_93 : i32
      %ne3A = arith.cmpi ne, %sign3A_87, %sign3A_94 : i32
      %rem3A = arith.remsi %scan3A_78, %jit3A_81 : i32
      %ne3A_95 = arith.constant 0 : i32
      %ne3A_96 = arith.cmpi ne, %rem3A, %ne3A_95 : i32
      %and3A = arith.andi %ne3A, %ne3A_96 : i1
      %sub3A = arith.constant 1 : i32
      %sub3A_97 = arith.subi %div3A, %sub3A : i32
      %select_n3A_98 = arith.select %and3A, %sub3A_97, %div3A : i32
      %add3A_99 = arith.addi %mul3A_80, %select_n3A_98 : i32
      %rem3A_100 = arith.constant 64 : i32
      %rem3A_101 = arith.remsi %scan3A_78, %rem3A_100 : i32
      %jit3A_102 = arith.constant 8 : i32
      %div3A_103 = arith.divsi %rem3A_101, %jit3A_102 : i32
      %sign3A_104 = arith.constant 0 : i32
      %sign3A_105 = arith.cmpi sgt, %rem3A_101, %sign3A_104 : i32
      %sign3A_106 = arith.extui %sign3A_105 : i1 to i32
      %sign3A_107 = arith.constant 0 : i32
      %sign3A_108 = arith.cmpi slt, %rem3A_101, %sign3A_107 : i32
      %sign3A_109 = arith.extui %sign3A_108 : i1 to i32
      %sign3A_110 = arith.subi %sign3A_106, %sign3A_109 : i32
      %sign3A_111 = arith.constant 0 : i32
      %sign3A_112 = arith.cmpi sgt, %jit3A_102, %sign3A_111 : i32
      %sign3A_113 = arith.extui %sign3A_112 : i1 to i32
      %sign3A_114 = arith.constant 0 : i32
      %sign3A_115 = arith.cmpi slt, %jit3A_102, %sign3A_114 : i32
      %sign3A_116 = arith.extui %sign3A_115 : i1 to i32
      %sign3A_117 = arith.subi %sign3A_113, %sign3A_116 : i32
      %ne3A_118 = arith.cmpi ne, %sign3A_110, %sign3A_117 : i32
      %rem3A_119 = arith.remsi %rem3A_101, %jit3A_102 : i32
      %ne3A_120 = arith.constant 0 : i32
      %ne3A_121 = arith.cmpi ne, %rem3A_119, %ne3A_120 : i32
      %and3A_122 = arith.andi %ne3A_118, %ne3A_121 : i1
      %sub3A_123 = arith.constant 1 : i32
      %sub3A_124 = arith.subi %div3A_103, %sub3A_123 : i32
      %select_n3A_125 = arith.select %and3A_122, %sub3A_124, %div3A_103 : i32
      %rem3A_126 = arith.constant 8 : i32
      %rem3A_127 = arith.remsi %rem3A_101, %rem3A_126 : i32
      %rem3A_128 = arith.constant 2 : i32
      %rem3A_129 = arith.remsi %scan3A_78, %rem3A_128 : i32
      %ge3A = arith.constant 64 : i32
      %ge3A_130 = arith.cmpi sge, %scan3A_78, %ge3A : i32
      %eq3A_131 = arith.constant 0 : i32
      %eq3A_132 = arith.cmpi eq, %rem3A_101, %eq3A_131 : i32
      %and3A_133 = arith.andi %ge3A_130, %eq3A_132 : i1
      %convert_element_type3A = arith.extui %and3A_133 : i1 to i32
      %cond3A = arith.constant 0 : i32
      %cond3A_134 = arith.cmpi ne, %convert_element_type3A, %cond3A : i32
      scf.if %cond3A_134 {
        %dma_wait3A_197 = arith.constant 0 : i32
        %dma_wait3A_198 = arith.constant 0 : i32
        %dma_wait3A_199 = arith.constant 0 : i32
        %dma_wait3A_200 = tpu.memref_slice %arg11[%dma_wait3A_198, %dma_wait3A_199] : memref<32x144xf32, #tpu.memory_space<vmem>> -> memref<32x136xf32, #tpu.memory_space<vmem>>
        %dma_wait3A_201 = arith.constant 0 : i32
        %dma_wait3A_202 = arith.constant 0 : i32
        %dma_wait3A_203 = tpu.memref_slice %arg6[%add3A_99, %dma_wait3A_197, %dma_wait3A_201, %dma_wait3A_202] : memref<64x129x32x256xf32, #tpu.memory_space<hbm>> -> memref<1x1x32x136xf32, #tpu.memory_space<hbm>>
        %dma_wait3A_204 = tpu.memref_squeeze %dma_wait3A_203 : memref<1x1x32x136xf32, #tpu.memory_space<hbm>> -> memref<32x136xf32, #tpu.memory_space<hbm>>
        %dma_wait3A_205 = arith.constant 0 : i32
        %dma_wait3A_206 = arith.constant 0 : i32
        %dma_wait3A_207 = tpu.memref_slice %arg6[%add3A_99, %dma_wait3A_197, %dma_wait3A_205, %dma_wait3A_206] : memref<64x129x32x256xf32, #tpu.memory_space<hbm>> -> memref<1x1x32x136xf32, #tpu.memory_space<hbm>>
        %dma_wait3A_208 = tpu.memref_squeeze %dma_wait3A_207 : memref<1x1x32x136xf32, #tpu.memory_space<hbm>> -> memref<32x136xf32, #tpu.memory_space<hbm>>
        %dma_wait3A_209 = arith.constant 0 : i32
        %dma_wait3A_210 = arith.constant 0 : i32
        %dma_wait3A_211 = tpu.memref_slice %arg11[%dma_wait3A_209, %dma_wait3A_210] : memref<32x144xf32, #tpu.memory_space<vmem>> -> memref<32x136xf32, #tpu.memory_space<vmem>>
        tpu.wait_dma2 semaphore(%arg15 : memref<!tpu.dma_semaphore, #tpu.memory_space<semaphore_mem>>) src(%dma_wait3A_211 : memref<32x136xf32, #tpu.memory_space<vmem>>) dst(%dma_wait3A_208 : memref<32x136xf32, #tpu.memory_space<hbm>>)
      } else {
      }
      %eq3A_135 = arith.constant 0 : i32
      %eq3A_136 = arith.cmpi eq, %rem3A_101, %eq3A_135 : i32
      %convert_element_type3A_137 = arith.extui %eq3A_136 : i1 to i32
      %cond3A_138 = arith.constant 0 : i32
      %cond3A_139 = arith.cmpi ne, %convert_element_type3A_137, %cond3A_138 : i32
      scf.if %cond3A_139 {
        "tpu.region"() ({
          %run_scoped3A = tpu.sem_alloc : memref<!tpu.dma_semaphore, #tpu.memory_space<semaphore_mem>>
          %dma_start3A_224 = arith.constant 16 : i32
          %dma_start3A_225 = tpu.memref_slice %arg8[%dma_start3A_224] : memref<16416xi32, #tpu.memory_space<vmem>> -> memref<16384xi32, #tpu.memory_space<vmem>>
          %dma_start3A_226 = arith.constant 0 : i32
          %dma_start3A_227 = tpu.memref_slice %arg3[%add3A_99, %dma_start3A_226] : memref<64x16384xi32, #tpu.memory_space<hbm>> -> memref<1x16384xi32, #tpu.memory_space<hbm>>
          %dma_start3A_228 = tpu.memref_squeeze %dma_start3A_227 : memref<1x16384xi32, #tpu.memory_space<hbm>> -> memref<16384xi32, #tpu.memory_space<hbm>>
          %dma_start3A_229 = arith.constant 16 : i32
          %dma_start3A_230 = tpu.memref_slice %arg8[%dma_start3A_229] : memref<16416xi32, #tpu.memory_space<vmem>> -> memref<16384xi32, #tpu.memory_space<vmem>>
          %dma_start3A_231 = arith.constant 0 : i32
          %dma_start3A_232 = tpu.memref_slice %arg3[%add3A_99, %dma_start3A_231] : memref<64x16384xi32, #tpu.memory_space<hbm>> -> memref<1x16384xi32, #tpu.memory_space<hbm>>
          %dma_start3A_233 = tpu.memref_squeeze %dma_start3A_232 : memref<1x16384xi32, #tpu.memory_space<hbm>> -> memref<16384xi32, #tpu.memory_space<hbm>>
          tpu.enqueue_dma source(%dma_start3A_233 : memref<16384xi32, #tpu.memory_space<hbm>>) target(%dma_start3A_230 : memref<16384xi32, #tpu.memory_space<vmem>>) target_semaphore(%run_scoped3A : memref<!tpu.dma_semaphore, #tpu.memory_space<semaphore_mem>>)
          %dma_wait3A_234 = arith.constant 16 : i32
          %dma_wait3A_235 = tpu.memref_slice %arg8[%dma_wait3A_234] : memref<16416xi32, #tpu.memory_space<vmem>> -> memref<16384xi32, #tpu.memory_space<vmem>>
          %dma_wait3A_236 = arith.constant 0 : i32
          %dma_wait3A_237 = tpu.memref_slice %arg3[%add3A_99, %dma_wait3A_236] : memref<64x16384xi32, #tpu.memory_space<hbm>> -> memref<1x16384xi32, #tpu.memory_space<hbm>>
          %dma_wait3A_238 = tpu.memref_squeeze %dma_wait3A_237 : memref<1x16384xi32, #tpu.memory_space<hbm>> -> memref<16384xi32, #tpu.memory_space<hbm>>
          %dma_wait3A_239 = arith.constant 16 : i32
          %dma_wait3A_240 = tpu.memref_slice %arg8[%dma_wait3A_239] : memref<16416xi32, #tpu.memory_space<vmem>> -> memref<16384xi32, #tpu.memory_space<vmem>>
          %dma_wait3A_241 = arith.constant 0 : i32
          %dma_wait3A_242 = tpu.memref_slice %arg3[%add3A_99, %dma_wait3A_241] : memref<64x16384xi32, #tpu.memory_space<hbm>> -> memref<1x16384xi32, #tpu.memory_space<hbm>>
          %dma_wait3A_243 = tpu.memref_squeeze %dma_wait3A_242 : memref<1x16384xi32, #tpu.memory_space<hbm>> -> memref<16384xi32, #tpu.memory_space<hbm>>
          tpu.wait_dma2 semaphore(%run_scoped3A : memref<!tpu.dma_semaphore, #tpu.memory_space<semaphore_mem>>) src(%dma_wait3A_243 : memref<16384xi32, #tpu.memory_space<hbm>>) dst(%dma_wait3A_240 : memref<16384xi32, #tpu.memory_space<vmem>>)
          tpu.yield
        }) : () -> ()
        "tpu.region"() ({
          %run_scoped3A = tpu.sem_alloc : memref<!tpu.dma_semaphore, #tpu.memory_space<semaphore_mem>>
          %dma_start3A_224 = arith.constant 0 : i32
          %dma_start3A_225 = tpu.memref_slice %arg9[%dma_start3A_224] : memref<16656xf32, #tpu.memory_space<vmem>> -> memref<16641xf32, #tpu.memory_space<vmem>>
          %dma_start3A_226 = arith.constant 0 : i32
          %dma_start3A_227 = tpu.memref_slice %arg2[%add3A_99, %dma_start3A_226] : memref<64x16641xf32, #tpu.memory_space<hbm>> -> memref<1x16641xf32, #tpu.memory_space<hbm>>
          %dma_start3A_228 = tpu.memref_squeeze %dma_start3A_227 : memref<1x16641xf32, #tpu.memory_space<hbm>> -> memref<16641xf32, #tpu.memory_space<hbm>>
          %dma_start3A_229 = arith.constant 0 : i32
          %dma_start3A_230 = tpu.memref_slice %arg9[%dma_start3A_229] : memref<16656xf32, #tpu.memory_space<vmem>> -> memref<16641xf32, #tpu.memory_space<vmem>>
          %dma_start3A_231 = arith.constant 0 : i32
          %dma_start3A_232 = tpu.memref_slice %arg2[%add3A_99, %dma_start3A_231] : memref<64x16641xf32, #tpu.memory_space<hbm>> -> memref<1x16641xf32, #tpu.memory_space<hbm>>
          %dma_start3A_233 = tpu.memref_squeeze %dma_start3A_232 : memref<1x16641xf32, #tpu.memory_space<hbm>> -> memref<16641xf32, #tpu.memory_space<hbm>>
          tpu.enqueue_dma source(%dma_start3A_233 : memref<16641xf32, #tpu.memory_space<hbm>>) target(%dma_start3A_230 : memref<16641xf32, #tpu.memory_space<vmem>>) target_semaphore(%run_scoped3A : memref<!tpu.dma_semaphore, #tpu.memory_space<semaphore_mem>>)
          %dma_wait3A_234 = arith.constant 0 : i32
          %dma_wait3A_235 = tpu.memref_slice %arg9[%dma_wait3A_234] : memref<16656xf32, #tpu.memory_space<vmem>> -> memref<16641xf32, #tpu.memory_space<vmem>>
          %dma_wait3A_236 = arith.constant 0 : i32
          %dma_wait3A_237 = tpu.memref_slice %arg2[%add3A_99, %dma_wait3A_236] : memref<64x16641xf32, #tpu.memory_space<hbm>> -> memref<1x16641xf32, #tpu.memory_space<hbm>>
          %dma_wait3A_238 = tpu.memref_squeeze %dma_wait3A_237 : memref<1x16641xf32, #tpu.memory_space<hbm>> -> memref<16641xf32, #tpu.memory_space<hbm>>
          %dma_wait3A_239 = arith.constant 0 : i32
          %dma_wait3A_240 = tpu.memref_slice %arg9[%dma_wait3A_239] : memref<16656xf32, #tpu.memory_space<vmem>> -> memref<16641xf32, #tpu.memory_space<vmem>>
          %dma_wait3A_241 = arith.constant 0 : i32
          %dma_wait3A_242 = tpu.memref_slice %arg2[%add3A_99, %dma_wait3A_241] : memref<64x16641xf32, #tpu.memory_space<hbm>> -> memref<1x16641xf32, #tpu.memory_space<hbm>>
          %dma_wait3A_243 = tpu.memref_squeeze %dma_wait3A_242 : memref<1x16641xf32, #tpu.memory_space<hbm>> -> memref<16641xf32, #tpu.memory_space<hbm>>
          tpu.wait_dma2 semaphore(%run_scoped3A : memref<!tpu.dma_semaphore, #tpu.memory_space<semaphore_mem>>) src(%dma_wait3A_243 : memref<16641xf32, #tpu.memory_space<hbm>>) dst(%dma_wait3A_240 : memref<16641xf32, #tpu.memory_space<vmem>>)
          tpu.yield
        }) : () -> ()
        %broadcast_in_dim3A_197 = arith.constant 0 : i32
        %broadcast_in_dim3A_198 = vector.broadcast %broadcast_in_dim3A_197 : i32 to vector<16xi32>
        %swap3A = arith.constant 0 : index
        %swap3A_199 = tpu.vector_load %arg8[%swap3A] {strides = array<i32>} : memref<16416xi32, #tpu.memory_space<vmem>>, vector<16xi32>,
        tpu.vector_store %arg8[%swap3A], %broadcast_in_dim3A_198 {strides = array<i32>} : memref<16416xi32, #tpu.memory_space<vmem>>, vector<16xi32>,
        %broadcast_in_dim3A_200 = arith.constant 0 : i32
        %broadcast_in_dim3A_201 = vector.broadcast %broadcast_in_dim3A_200 : i32 to vector<16xi32>
        %swap3A_202 = arith.constant 16400 : index
        %swap3A_203 = tpu.vector_load %arg8[%swap3A_202] {strides = array<i32>} : memref<16416xi32, #tpu.memory_space<vmem>>, vector<16xi32>,
        tpu.vector_store %arg8[%swap3A_202], %broadcast_in_dim3A_201 {strides = array<i32>} : memref<16416xi32, #tpu.memory_space<vmem>>, vector<16xi32>,
        %parallel_loop3A_204 = arith.constant 0 : i32
        %parallel_loop3A_205 = arith.constant 1041 : i32
        %parallel_loop3A_206 = arith.constant 1 : i32
        scf.for %parallel_loop3A_224 = %parallel_loop3A_204 to %parallel_loop3A_205 step %parallel_loop3A_206  : i32 {
          %parallel_loop3A_225 = arith.constant 16 : i32
          %parallel_loop3A_226 = arith.muli %parallel_loop3A_224, %parallel_loop3A_225 : i32
          %parallel_loop3A_227 = arith.index_cast %parallel_loop3A_226 : i32 to index
          %parallel_loop3A_228 = tpu.vector_load %arg9[%parallel_loop3A_227] {strides = array<i32>} : memref<16656xf32, #tpu.memory_space<vmem>>, vector<16xf32>,
          %parallel_loop3A_229 = arith.addf %parallel_loop3A_228, %parallel_loop3A_228 : vector<16xf32>
          %parallel_loop3A_230 = arith.index_cast %parallel_loop3A_226 : i32 to index
          %parallel_loop3A_231 = tpu.vector_load %arg9[%parallel_loop3A_230] {strides = array<i32>} : memref<16656xf32, #tpu.memory_space<vmem>>, vector<16xf32>,
          tpu.vector_store %arg9[%parallel_loop3A_230], %parallel_loop3A_229 {strides = array<i32>} : memref<16656xf32, #tpu.memory_space<vmem>>, vector<16xf32>,
        } {sc.loop_unroll_factor = 4 : i64, sc.parallel_access}
        %parallel_loop3A_207 = arith.constant 0 : i32
        %parallel_loop3A_208 = arith.constant 32 : i32
        %parallel_loop3A_209 = arith.constant 1 : i32
        scf.for %parallel_loop3A_224 = %parallel_loop3A_207 to %parallel_loop3A_208 step %parallel_loop3A_209  : i32 {
          %parallel_loop3A_225 = vector.broadcast %parallel_loop3A_224 : i32 to vector<16xi32>
          %parallel_loop3A_226 = tpu.vector_load_idx %arg10[%parallel_loop3A_225] : memref<32xf32, #tpu.memory_space<vmem>>[vector<16xi32>], vector<16xf32>,
          %parallel_loop3A_227 = arith.constant 0 : index
          %parallel_loop3A_228 = tpu.vector_load %arg9[%parallel_loop3A_227] {strides = array<i32>} : memref<16656xf32, #tpu.memory_space<vmem>>, vector<16xf32>,
          %parallel_loop3A_229 = arith.addf %parallel_loop3A_228, %parallel_loop3A_226 : vector<16xf32>
          %parallel_loop3A_230 = arith.index_cast %parallel_loop3A_224 : i32 to index
          %parallel_loop3A_231 = arith.constant 0 : index
          %parallel_loop3A_232 = tpu.vector_load %arg11[%parallel_loop3A_230, %parallel_loop3A_231] {strides = array<i32>} : memref<32x144xf32, #tpu.memory_space<vmem>>, vector<16xf32>,
          tpu.vector_store %arg11[%parallel_loop3A_230, %parallel_loop3A_231], %parallel_loop3A_229 {strides = array<i32>} : memref<32x144xf32, #tpu.memory_space<vmem>>, vector<16xf32>,
          %parallel_loop3A_233 = arith.constant 16 : index
          %parallel_loop3A_234 = tpu.vector_load %arg9[%parallel_loop3A_233] {strides = array<i32>} : memref<16656xf32, #tpu.memory_space<vmem>>, vector<16xf32>,
          %parallel_loop3A_235 = arith.addf %parallel_loop3A_234, %parallel_loop3A_226 : vector<16xf32>
          %parallel_loop3A_236 = arith.index_cast %parallel_loop3A_224 : i32 to index
          %parallel_loop3A_237 = arith.constant 16 : index
          %parallel_loop3A_238 = tpu.vector_load %arg11[%parallel_loop3A_236, %parallel_loop3A_237] {strides = array<i32>} : memref<32x144xf32, #tpu.memory_space<vmem>>, vector<16xf32>,
          tpu.vector_store %arg11[%parallel_loop3A_236, %parallel_loop3A_237], %parallel_loop3A_235 {strides = array<i32>} : memref<32x144xf32, #tpu.memory_space<vmem>>, vector<16xf32>,
          %parallel_loop3A_239 = arith.constant 32 : index
          %parallel_loop3A_240 = tpu.vector_load %arg9[%parallel_loop3A_239] {strides = array<i32>} : memref<16656xf32, #tpu.memory_space<vmem>>, vector<16xf32>,
          %parallel_loop3A_241 = arith.addf %parallel_loop3A_240, %parallel_loop3A_226 : vector<16xf32>
          %parallel_loop3A_242 = arith.index_cast %parallel_loop3A_224 : i32 to index
          %parallel_loop3A_243 = arith.constant 32 : index
          %parallel_loop3A_244 = tpu.vector_load %arg11[%parallel_loop3A_242, %parallel_loop3A_243] {strides = array<i32>} : memref<32x144xf32, #tpu.memory_space<vmem>>, vector<16xf32>,
          tpu.vector_store %arg11[%parallel_loop3A_242, %parallel_loop3A_243], %parallel_loop3A_241 {strides = array<i32>} : memref<32x144xf32, #tpu.memory_space<vmem>>, vector<16xf32>,
          %parallel_loop3A_245 = arith.constant 48 : index
          %parallel_loop3A_246 = tpu.vector_load %arg9[%parallel_loop3A_245] {strides = array<i32>} : memref<16656xf32, #tpu.memory_space<vmem>>, vector<16xf32>,
          %parallel_loop3A_247 = arith.addf %parallel_loop3A_246, %parallel_loop3A_226 : vector<16xf32>
          %parallel_loop3A_248 = arith.index_cast %parallel_loop3A_224 : i32 to index
          %parallel_loop3A_249 = arith.constant 48 : index
          %parallel_loop3A_250 = tpu.vector_load %arg11[%parallel_loop3A_248, %parallel_loop3A_249] {strides = array<i32>} : memref<32x144xf32, #tpu.memory_space<vmem>>, vector<16xf32>,
          tpu.vector_store %arg11[%parallel_loop3A_248, %parallel_loop3A_249], %parallel_loop3A_247 {strides = array<i32>} : memref<32x144xf32, #tpu.memory_space<vmem>>, vector<16xf32>,
          %parallel_loop3A_251 = arith.constant 64 : index
          %parallel_loop3A_252 = tpu.vector_load %arg9[%parallel_loop3A_251] {strides = array<i32>} : memref<16656xf32, #tpu.memory_space<vmem>>, vector<16xf32>,
          %parallel_loop3A_253 = arith.addf %parallel_loop3A_252, %parallel_loop3A_226 : vector<16xf32>
          %parallel_loop3A_254 = arith.index_cast %parallel_loop3A_224 : i32 to index
          %parallel_loop3A_255 = arith.constant 64 : index
          %parallel_loop3A_256 = tpu.vector_load %arg11[%parallel_loop3A_254, %parallel_loop3A_255] {strides = array<i32>} : memref<32x144xf32, #tpu.memory_space<vmem>>, vector<16xf32>,
          tpu.vector_store %arg11[%parallel_loop3A_254, %parallel_loop3A_255], %parallel_loop3A_253 {strides = array<i32>} : memref<32x144xf32, #tpu.memory_space<vmem>>, vector<16xf32>,
          %parallel_loop3A_257 = arith.constant 80 : index
          %parallel_loop3A_258 = tpu.vector_load %arg9[%parallel_loop3A_257] {strides = array<i32>} : memref<16656xf32, #tpu.memory_space<vmem>>, vector<16xf32>,
          %parallel_loop3A_259 = arith.addf %parallel_loop3A_258, %parallel_loop3A_226 : vector<16xf32>
          %parallel_loop3A_260 = arith.index_cast %parallel_loop3A_224 : i32 to index
          %parallel_loop3A_261 = arith.constant 80 : index
          %parallel_loop3A_262 = tpu.vector_load %arg11[%parallel_loop3A_260, %parallel_loop3A_261] {strides = array<i32>} : memref<32x144xf32, #tpu.memory_space<vmem>>, vector<16xf32>,
          tpu.vector_store %arg11[%parallel_loop3A_260, %parallel_loop3A_261], %parallel_loop3A_259 {strides = array<i32>} : memref<32x144xf32, #tpu.memory_space<vmem>>, vector<16xf32>,
          %parallel_loop3A_263 = arith.constant 96 : index
          %parallel_loop3A_264 = tpu.vector_load %arg9[%parallel_loop3A_263] {strides = array<i32>} : memref<16656xf32, #tpu.memory_space<vmem>>, vector<16xf32>,
          %parallel_loop3A_265 = arith.addf %parallel_loop3A_264, %parallel_loop3A_226 : vector<16xf32>
          %parallel_loop3A_266 = arith.index_cast %parallel_loop3A_224 : i32 to index
          %parallel_loop3A_267 = arith.constant 96 : index
          %parallel_loop3A_268 = tpu.vector_load %arg11[%parallel_loop3A_266, %parallel_loop3A_267] {strides = array<i32>} : memref<32x144xf32, #tpu.memory_space<vmem>>, vector<16xf32>,
          tpu.vector_store %arg11[%parallel_loop3A_266, %parallel_loop3A_267], %parallel_loop3A_265 {strides = array<i32>} : memref<32x144xf32, #tpu.memory_space<vmem>>, vector<16xf32>,
          %parallel_loop3A_269 = arith.constant 112 : index
          %parallel_loop3A_270 = tpu.vector_load %arg9[%parallel_loop3A_269] {strides = array<i32>} : memref<16656xf32, #tpu.memory_space<vmem>>, vector<16xf32>,
          %parallel_loop3A_271 = arith.addf %parallel_loop3A_270, %parallel_loop3A_226 : vector<16xf32>
          %parallel_loop3A_272 = arith.index_cast %parallel_loop3A_224 : i32 to index
          %parallel_loop3A_273 = arith.constant 112 : index
          %parallel_loop3A_274 = tpu.vector_load %arg11[%parallel_loop3A_272, %parallel_loop3A_273] {strides = array<i32>} : memref<32x144xf32, #tpu.memory_space<vmem>>, vector<16xf32>,
          tpu.vector_store %arg11[%parallel_loop3A_272, %parallel_loop3A_273], %parallel_loop3A_271 {strides = array<i32>} : memref<32x144xf32, #tpu.memory_space<vmem>>, vector<16xf32>,
          %parallel_loop3A_275 = arith.constant 128 : index
          %parallel_loop3A_276 = tpu.vector_load %arg9[%parallel_loop3A_275] {strides = array<i32>} : memref<16656xf32, #tpu.memory_space<vmem>>, vector<16xf32>,
          %parallel_loop3A_277 = arith.addf %parallel_loop3A_276, %parallel_loop3A_226 : vector<16xf32>
          %parallel_loop3A_278 = arith.index_cast %parallel_loop3A_224 : i32 to index
          %parallel_loop3A_279 = arith.constant 128 : index
          %parallel_loop3A_280 = tpu.vector_load %arg11[%parallel_loop3A_278, %parallel_loop3A_279] {strides = array<i32>} : memref<32x144xf32, #tpu.memory_space<vmem>>, vector<16xf32>,
          tpu.vector_store %arg11[%parallel_loop3A_278, %parallel_loop3A_279], %parallel_loop3A_277 {strides = array<i32>} : memref<32x144xf32, #tpu.memory_space<vmem>>, vector<16xf32>,
        } {sc.loop_unroll_factor = 2 : i64, sc.parallel_access}
        %dma_start3A = arith.constant 0 : i32
        %dma_start3A_210 = arith.constant 0 : i32
        %dma_start3A_211 = arith.constant 0 : i32
        %dma_start3A_212 = tpu.memref_slice %arg11[%dma_start3A_210, %dma_start3A_211] : memref<32x144xf32, #tpu.memory_space<vmem>> -> memref<32x136xf32, #tpu.memory_space<vmem>>
        %dma_start3A_213 = arith.constant 0 : i32
        %dma_start3A_214 = arith.constant 0 : i32
        %dma_start3A_215 = tpu.memref_slice %arg6[%add3A_99, %dma_start3A, %dma_start3A_213, %dma_start3A_214] : memref<64x129x32x256xf32, #tpu.memory_space<hbm>> -> memref<1x1x32x136xf32, #tpu.memory_space<hbm>>
        %dma_start3A_216 = tpu.memref_squeeze %dma_start3A_215 : memref<1x1x32x136xf32, #tpu.memory_space<hbm>> -> memref<32x136xf32, #tpu.memory_space<hbm>>
        %dma_start3A_217 = arith.constant 0 : i32
        %dma_start3A_218 = arith.constant 0 : i32
        %dma_start3A_219 = tpu.memref_slice %arg6[%add3A_99, %dma_start3A, %dma_start3A_217, %dma_start3A_218] : memref<64x129x32x256xf32, #tpu.memory_space<hbm>> -> memref<1x1x32x136xf32, #tpu.memory_space<hbm>>
        %dma_start3A_220 = tpu.memref_squeeze %dma_start3A_219 : memref<1x1x32x136xf32, #tpu.memory_space<hbm>> -> memref<32x136xf32, #tpu.memory_space<hbm>>
        %dma_start3A_221 = arith.constant 0 : i32
        %dma_start3A_222 = arith.constant 0 : i32
        %dma_start3A_223 = tpu.memref_slice %arg11[%dma_start3A_221, %dma_start3A_222] : memref<32x144xf32, #tpu.memory_space<vmem>> -> memref<32x136xf32, #tpu.memory_space<vmem>>
        tpu.enqueue_dma source(%dma_start3A_223 : memref<32x136xf32, #tpu.memory_space<vmem>>) target(%dma_start3A_220 : memref<32x136xf32, #tpu.memory_space<hbm>>) target_semaphore(%arg15 : memref<!tpu.dma_semaphore, #tpu.memory_space<semaphore_mem>>)
      } else {
      }
      %mul3A_140 = arith.constant 4 : i32
      %mul3A_141 = arith.muli %select_n3A_125, %mul3A_140 : i32
      %mul3A_142 = arith.constant 16 : i32
      %mul3A_143 = arith.muli %rem3A_127, %mul3A_142 : i32
      %add3A_144 = arith.constant 1 : i32
      %add3A_145 = arith.addi %add3A_144, %mul3A_143 : i32
      %ge3A_146 = arith.constant 2 : i32
      %ge3A_147 = arith.cmpi sge, %scan3A_78, %ge3A_146 : i32
      %eq3A_148 = arith.constant 0 : i32
      %eq3A_149 = arith.cmpi eq, %rem3A_129, %eq3A_148 : i32
      %and3A_150 = arith.andi %ge3A_147, %eq3A_149 : i1
      %convert_element_type3A_151 = arith.extui %and3A_150 : i1 to i32
      %cond3A_152 = arith.constant 0 : i32
      %cond3A_153 = arith.constant 0 : i32
      %cond3A_154 = arith.cmpi ne, %convert_element_type3A_151, %cond3A_153 : i32
      scf.if %cond3A_154 {
        %dma_wait3A_197 = arith.constant 0 : i32
        %dma_wait3A_198 = arith.constant 0 : i32
        %dma_wait3A_199 = arith.constant 0 : i32
        %dma_wait3A_200 = tpu.memref_slice %arg12[%cond3A_152, %dma_wait3A_197, %dma_wait3A_198, %dma_wait3A_199] : memref<2x16x4x144xf32, #tpu.memory_space<vmem>> -> memref<1x16x4x136xf32, #tpu.memory_space<vmem>>
        %dma_wait3A_201 = tpu.memref_squeeze %dma_wait3A_200 : memref<1x16x4x136xf32, #tpu.memory_space<vmem>> -> memref<16x4x136xf32, #tpu.memory_space<vmem>>
        %dma_wait3A_202 = arith.constant 0 : i32
        %dma_wait3A_203 = tpu.memref_slice %arg6[%add3A_99, %add3A_145, %mul3A_141, %dma_wait3A_202] : memref<64x129x32x256xf32, #tpu.memory_space<hbm>> -> memref<1x16x4x136xf32, #tpu.memory_space<hbm>>
        %dma_wait3A_204 = tpu.memref_squeeze %dma_wait3A_203 : memref<1x16x4x136xf32, #tpu.memory_space<hbm>> -> memref<16x4x136xf32, #tpu.memory_space<hbm>>
        %dma_wait3A_205 = arith.constant 0 : i32
        %dma_wait3A_206 = tpu.memref_slice %arg6[%add3A_99, %add3A_145, %mul3A_141, %dma_wait3A_205] : memref<64x129x32x256xf32, #tpu.memory_space<hbm>> -> memref<1x16x4x136xf32, #tpu.memory_space<hbm>>
        %dma_wait3A_207 = tpu.memref_squeeze %dma_wait3A_206 : memref<1x16x4x136xf32, #tpu.memory_space<hbm>> -> memref<16x4x136xf32, #tpu.memory_space<hbm>>
        %dma_wait3A_208 = arith.constant 0 : i32
        %dma_wait3A_209 = arith.constant 0 : i32
        %dma_wait3A_210 = arith.constant 0 : i32
        %dma_wait3A_211 = tpu.memref_slice %arg12[%cond3A_152, %dma_wait3A_208, %dma_wait3A_209, %dma_wait3A_210] : memref<2x16x4x144xf32, #tpu.memory_space<vmem>> -> memref<1x16x4x136xf32, #tpu.memory_space<vmem>>
        %dma_wait3A_212 = tpu.memref_squeeze %dma_wait3A_211 : memref<1x16x4x136xf32, #tpu.memory_space<vmem>> -> memref<16x4x136xf32, #tpu.memory_space<vmem>>
        tpu.wait_dma2 semaphore(%arg13 : memref<!tpu.dma_semaphore, #tpu.memory_space<semaphore_mem>>) src(%dma_wait3A_212 : memref<16x4x136xf32, #tpu.memory_space<vmem>>) dst(%dma_wait3A_207 : memref<16x4x136xf32, #tpu.memory_space<hbm>>)
      } else {
      }
      %ge3A_155 = arith.constant 2 : i32
      %ge3A_156 = arith.cmpi sge, %scan3A_78, %ge3A_155 : i32
      %eq3A_157 = arith.constant 1 : i32
      %eq3A_158 = arith.cmpi eq, %rem3A_129, %eq3A_157 : i32
      %and3A_159 = arith.andi %ge3A_156, %eq3A_158 : i1
      %convert_element_type3A_160 = arith.extui %and3A_159 : i1 to i32
      %cond3A_161 = arith.constant 1 : i32
      %cond3A_162 = arith.constant 0 : i32
      %cond3A_163 = arith.cmpi ne, %convert_element_type3A_160, %cond3A_162 : i32
      scf.if %cond3A_163 {
        %dma_wait3A_197 = arith.constant 0 : i32
        %dma_wait3A_198 = arith.constant 0 : i32
        %dma_wait3A_199 = arith.constant 0 : i32
        %dma_wait3A_200 = tpu.memref_slice %arg12[%cond3A_161, %dma_wait3A_197, %dma_wait3A_198, %dma_wait3A_199] : memref<2x16x4x144xf32, #tpu.memory_space<vmem>> -> memref<1x16x4x136xf32, #tpu.memory_space<vmem>>
        %dma_wait3A_201 = tpu.memref_squeeze %dma_wait3A_200 : memref<1x16x4x136xf32, #tpu.memory_space<vmem>> -> memref<16x4x136xf32, #tpu.memory_space<vmem>>
        %dma_wait3A_202 = arith.constant 0 : i32
        %dma_wait3A_203 = tpu.memref_slice %arg6[%add3A_99, %add3A_145, %mul3A_141, %dma_wait3A_202] : memref<64x129x32x256xf32, #tpu.memory_space<hbm>> -> memref<1x16x4x136xf32, #tpu.memory_space<hbm>>
        %dma_wait3A_204 = tpu.memref_squeeze %dma_wait3A_203 : memref<1x16x4x136xf32, #tpu.memory_space<hbm>> -> memref<16x4x136xf32, #tpu.memory_space<hbm>>
        %dma_wait3A_205 = arith.constant 0 : i32
        %dma_wait3A_206 = tpu.memref_slice %arg6[%add3A_99, %add3A_145, %mul3A_141, %dma_wait3A_205] : memref<64x129x32x256xf32, #tpu.memory_space<hbm>> -> memref<1x16x4x136xf32, #tpu.memory_space<hbm>>
        %dma_wait3A_207 = tpu.memref_squeeze %dma_wait3A_206 : memref<1x16x4x136xf32, #tpu.memory_space<hbm>> -> memref<16x4x136xf32, #tpu.memory_space<hbm>>
        %dma_wait3A_208 = arith.constant 0 : i32
        %dma_wait3A_209 = arith.constant 0 : i32
        %dma_wait3A_210 = arith.constant 0 : i32
        %dma_wait3A_211 = tpu.memref_slice %arg12[%cond3A_161, %dma_wait3A_208, %dma_wait3A_209, %dma_wait3A_210] : memref<2x16x4x144xf32, #tpu.memory_space<vmem>> -> memref<1x16x4x136xf32, #tpu.memory_space<vmem>>
        %dma_wait3A_212 = tpu.memref_squeeze %dma_wait3A_211 : memref<1x16x4x136xf32, #tpu.memory_space<vmem>> -> memref<16x4x136xf32, #tpu.memory_space<vmem>>
        tpu.wait_dma2 semaphore(%arg14 : memref<!tpu.dma_semaphore, #tpu.memory_space<semaphore_mem>>) src(%dma_wait3A_212 : memref<16x4x136xf32, #tpu.memory_space<vmem>>) dst(%dma_wait3A_207 : memref<16x4x136xf32, #tpu.memory_space<hbm>>)
      } else {
      }
      %add3A_164 = arith.constant 0 : i32
      %add3A_165 = arith.addi %mul3A_141, %add3A_164 : i32
      %broadcast_in_dim3A_166 = vector.broadcast %add3A_165 : i32 to vector<16xi32>
      %gather3A = tpu.vector_load_idx %arg10[%broadcast_in_dim3A_166] : memref<32xf32, #tpu.memory_space<vmem>>[vector<16xi32>], vector<16xf32>,
      %mul3A_167 = arith.mulf %gather3A, %select_n3A : vector<16xf32>
      %add3A_168 = arith.constant 1 : i32
      %add3A_169 = arith.addi %mul3A_141, %add3A_168 : i32
      %broadcast_in_dim3A_170 = vector.broadcast %add3A_169 : i32 to vector<16xi32>
      %gather3A_171 = tpu.vector_load_idx %arg10[%broadcast_in_dim3A_170] : memref<32xf32, #tpu.memory_space<vmem>>[vector<16xi32>], vector<16xf32>,
      %mul3A_172 = arith.mulf %gather3A_171, %select_n3A : vector<16xf32>
      %add3A_173 = arith.constant 2 : i32
      %add3A_174 = arith.addi %mul3A_141, %add3A_173 : i32
      %broadcast_in_dim3A_175 = vector.broadcast %add3A_174 : i32 to vector<16xi32>
      %gather3A_176 = tpu.vector_load_idx %arg10[%broadcast_in_dim3A_175] : memref<32xf32, #tpu.memory_space<vmem>>[vector<16xi32>], vector<16xf32>,
      %mul3A_177 = arith.mulf %gather3A_176, %select_n3A : vector<16xf32>
      %add3A_178 = arith.constant 3 : i32
      %add3A_179 = arith.addi %mul3A_141, %add3A_178 : i32
      %broadcast_in_dim3A_180 = vector.broadcast %add3A_179 : i32 to vector<16xi32>
      %gather3A_181 = tpu.vector_load_idx %arg10[%broadcast_in_dim3A_180] : memref<32xf32, #tpu.memory_space<vmem>>[vector<16xi32>], vector<16xf32>,
      %mul3A_182 = arith.mulf %gather3A_181, %select_n3A : vector<16xf32>
      %parallel_loop3A = arith.constant 0 : i32
      %parallel_loop3A_183 = arith.constant 16 : i32
      %parallel_loop3A_184 = arith.constant 1 : i32
      scf.for %parallel_loop3A_197 = %parallel_loop3A to %parallel_loop3A_183 step %parallel_loop3A_184  : i32 {
        %parallel_loop3A_198 = arith.addi %add3A_145, %parallel_loop3A_197 : i32
        %parallel_loop3A_199 = arith.constant 1 : i32
        %parallel_loop3A_200 = arith.subi %parallel_loop3A_198, %parallel_loop3A_199 : i32
        %parallel_loop3A_201 = arith.constant 128 : i32
        %parallel_loop3A_202 = arith.muli %parallel_loop3A_200, %parallel_loop3A_201 : i32
        %parallel_loop3A_203 = arith.constant 16 : i32
        %parallel_loop3A_204 = arith.addi %parallel_loop3A_203, %parallel_loop3A_202 : i32
        %parallel_loop3A_205 = arith.constant 1 : i32
        %parallel_loop3A_206 = arith.subi %parallel_loop3A_204, %parallel_loop3A_205 : i32
        %parallel_loop3A_207 = arith.constant 129 : i32
        %parallel_loop3A_208 = arith.muli %parallel_loop3A_198, %parallel_loop3A_207 : i32
        %parallel_loop3A_209 = arith.constant 0 : i32
        %parallel_loop3A_210 = arith.addi %parallel_loop3A_206, %parallel_loop3A_209 : i32
        %parallel_loop3A_211 = arith.index_cast %parallel_loop3A_210 : i32 to index
        %parallel_loop3A_212 = tpu.vector_load %arg8[%parallel_loop3A_211] {strides = array<i32>} : memref<16416xi32, #tpu.memory_space<vmem>>, vector<16xi32>,
        %parallel_loop3A_213 = arith.constant 0 : i32
        %parallel_loop3A_214 = arith.addi %parallel_loop3A_208, %parallel_loop3A_213 : i32
        %parallel_loop3A_215 = arith.index_cast %parallel_loop3A_214 : i32 to index
        %parallel_loop3A_216 = tpu.vector_load %arg9[%parallel_loop3A_215] {strides = array<i32>} : memref<16656xf32, #tpu.memory_space<vmem>>, vector<16xf32>,
        %parallel_loop3A_217 = arith.constant 32 : i32
        %parallel_loop3A_218 = vector.broadcast %parallel_loop3A_217 : i32 to vector<16xi32>
        %parallel_loop3A_219 = arith.muli %parallel_loop3A_212, %parallel_loop3A_218 : vector<16xi32>
        %parallel_loop3A_220 = arith.constant 0 : i32
        %parallel_loop3A_221 = arith.addi %mul3A_141, %parallel_loop3A_220 : i32
        %parallel_loop3A_222 = vector.broadcast %parallel_loop3A_221 : i32 to vector<16xi32>
        %parallel_loop3A_223 = arith.addi %parallel_loop3A_219, %parallel_loop3A_222 : vector<16xi32>
        %parallel_loop3A_224 = tpu.vector_load_idx %arg7[%parallel_loop3A_223] : memref<16384xf32, #tpu.memory_space<vmem>>[vector<16xi32>], vector<16xf32>,
        %parallel_loop3A_225 = arith.mulf %parallel_loop3A_224, %select_n3A_12 : vector<16xf32>
        %parallel_loop3A_226 = arith.addf %parallel_loop3A_216, %parallel_loop3A_225 : vector<16xf32>
        %parallel_loop3A_227 = arith.addf %parallel_loop3A_226, %mul3A_167 : vector<16xf32>
        %parallel_loop3A_228 = arith.constant 0 : i32
        %parallel_loop3A_229 = arith.index_cast %rem3A_129 : i32 to index
        %parallel_loop3A_230 = arith.index_cast %parallel_loop3A_197 : i32 to index
        %parallel_loop3A_231 = arith.index_cast %parallel_loop3A_228 : i32 to index
        %parallel_loop3A_232 = arith.constant 0 : index
        %parallel_loop3A_233 = tpu.vector_load %arg12[%parallel_loop3A_229, %parallel_loop3A_230, %parallel_loop3A_231, %parallel_loop3A_232] {strides = array<i32>} : memref<2x16x4x144xf32, #tpu.memory_space<vmem>>, vector<16xf32>,
        tpu.vector_store %arg12[%parallel_loop3A_229, %parallel_loop3A_230, %parallel_loop3A_231, %parallel_loop3A_232], %parallel_loop3A_227 {strides = array<i32>} : memref<2x16x4x144xf32, #tpu.memory_space<vmem>>, vector<16xf32>,
        %parallel_loop3A_234 = arith.constant 1 : i32
        %parallel_loop3A_235 = arith.addi %mul3A_141, %parallel_loop3A_234 : i32
        %parallel_loop3A_236 = vector.broadcast %parallel_loop3A_235 : i32 to vector<16xi32>
        %parallel_loop3A_237 = arith.addi %parallel_loop3A_219, %parallel_loop3A_236 : vector<16xi32>
        %parallel_loop3A_238 = tpu.vector_load_idx %arg7[%parallel_loop3A_237] : memref<16384xf32, #tpu.memory_space<vmem>>[vector<16xi32>], vector<16xf32>,
        %parallel_loop3A_239 = arith.mulf %parallel_loop3A_238, %select_n3A_12 : vector<16xf32>
        %parallel_loop3A_240 = arith.addf %parallel_loop3A_216, %parallel_loop3A_239 : vector<16xf32>
        %parallel_loop3A_241 = arith.addf %parallel_loop3A_240, %mul3A_172 : vector<16xf32>
        %parallel_loop3A_242 = arith.constant 1 : i32
        %parallel_loop3A_243 = arith.index_cast %rem3A_129 : i32 to index
        %parallel_loop3A_244 = arith.index_cast %parallel_loop3A_197 : i32 to index
        %parallel_loop3A_245 = arith.index_cast %parallel_loop3A_242 : i32 to index
        %parallel_loop3A_246 = arith.constant 0 : index
        %parallel_loop3A_247 = tpu.vector_load %arg12[%parallel_loop3A_243, %parallel_loop3A_244, %parallel_loop3A_245, %parallel_loop3A_246] {strides = array<i32>} : memref<2x16x4x144xf32, #tpu.memory_space<vmem>>, vector<16xf32>,
        tpu.vector_store %arg12[%parallel_loop3A_243, %parallel_loop3A_244, %parallel_loop3A_245, %parallel_loop3A_246], %parallel_loop3A_241 {strides = array<i32>} : memref<2x16x4x144xf32, #tpu.memory_space<vmem>>, vector<16xf32>,
        %parallel_loop3A_248 = arith.constant 2 : i32
        %parallel_loop3A_249 = arith.addi %mul3A_141, %parallel_loop3A_248 : i32
        %parallel_loop3A_250 = vector.broadcast %parallel_loop3A_249 : i32 to vector<16xi32>
        %parallel_loop3A_251 = arith.addi %parallel_loop3A_219, %parallel_loop3A_250 : vector<16xi32>
        %parallel_loop3A_252 = tpu.vector_load_idx %arg7[%parallel_loop3A_251] : memref<16384xf32, #tpu.memory_space<vmem>>[vector<16xi32>], vector<16xf32>,
        %parallel_loop3A_253 = arith.mulf %parallel_loop3A_252, %select_n3A_12 : vector<16xf32>
        %parallel_loop3A_254 = arith.addf %parallel_loop3A_216, %parallel_loop3A_253 : vector<16xf32>
        %parallel_loop3A_255 = arith.addf %parallel_loop3A_254, %mul3A_177 : vector<16xf32>
        %parallel_loop3A_256 = arith.constant 2 : i32
        %parallel_loop3A_257 = arith.index_cast %rem3A_129 : i32 to index
        %parallel_loop3A_258 = arith.index_cast %parallel_loop3A_197 : i32 to index
        %parallel_loop3A_259 = arith.index_cast %parallel_loop3A_256 : i32 to index
        %parallel_loop3A_260 = arith.constant 0 : index
        %parallel_loop3A_261 = tpu.vector_load %arg12[%parallel_loop3A_257, %parallel_loop3A_258, %parallel_loop3A_259, %parallel_loop3A_260] {strides = array<i32>} : memref<2x16x4x144xf32, #tpu.memory_space<vmem>>, vector<16xf32>,
        tpu.vector_store %arg12[%parallel_loop3A_257, %parallel_loop3A_258, %parallel_loop3A_259, %parallel_loop3A_260], %parallel_loop3A_255 {strides = array<i32>} : memref<2x16x4x144xf32, #tpu.memory_space<vmem>>, vector<16xf32>,
        %parallel_loop3A_262 = arith.constant 3 : i32
        %parallel_loop3A_263 = arith.addi %mul3A_141, %parallel_loop3A_262 : i32
        %parallel_loop3A_264 = vector.broadcast %parallel_loop3A_263 : i32 to vector<16xi32>
        %parallel_loop3A_265 = arith.addi %parallel_loop3A_219, %parallel_loop3A_264 : vector<16xi32>
        %parallel_loop3A_266 = tpu.vector_load_idx %arg7[%parallel_loop3A_265] : memref<16384xf32, #tpu.memory_space<vmem>>[vector<16xi32>], vector<16xf32>,
        %parallel_loop3A_267 = arith.mulf %parallel_loop3A_266, %select_n3A_12 : vector<16xf32>
        %parallel_loop3A_268 = arith.addf %parallel_loop3A_216, %parallel_loop3A_267 : vector<16xf32>
        %parallel_loop3A_269 = arith.addf %parallel_loop3A_268, %mul3A_182 : vector<16xf32>
        %parallel_loop3A_270 = arith.constant 3 : i32
        %parallel_loop3A_271 = arith.index_cast %rem3A_129 : i32 to index
        %parallel_loop3A_272 = arith.index_cast %parallel_loop3A_197 : i32 to index
        %parallel_loop3A_273 = arith.index_cast %parallel_loop3A_270 : i32 to index
        %parallel_loop3A_274 = arith.constant 0 : index
        %parallel_loop3A_275 = tpu.vector_load %arg12[%parallel_loop3A_271, %parallel_loop3A_272, %parallel_loop3A_273, %parallel_loop3A_274] {strides = array<i32>} : memref<2x16x4x144xf32, #tpu.memory_space<vmem>>, vector<16xf32>,
        tpu.vector_store %arg12[%parallel_loop3A_271, %parallel_loop3A_272, %parallel_loop3A_273, %parallel_loop3A_274], %parallel_loop3A_269 {strides = array<i32>} : memref<2x16x4x144xf32, #tpu.memory_space<vmem>>, vector<16xf32>,
        %parallel_loop3A_276 = arith.constant 16 : i32
        %parallel_loop3A_277 = arith.addi %parallel_loop3A_206, %parallel_loop3A_276 : i32
        %parallel_loop3A_278 = arith.index_cast %parallel_loop3A_277 : i32 to index
        %parallel_loop3A_279 = tpu.vector_load %arg8[%parallel_loop3A_278] {strides = array<i32>} : memref<16416xi32, #tpu.memory_space<vmem>>, vector<16xi32>,
        %parallel_loop3A_280 = arith.constant 16 : i32
        %parallel_loop3A_281 = arith.addi %parallel_loop3A_208, %parallel_loop3A_280 : i32
        %parallel_loop3A_282 = arith.index_cast %parallel_loop3A_281 : i32 to index
        %parallel_loop3A_283 = tpu.vector_load %arg9[%parallel_loop3A_282] {strides = array<i32>} : memref<16656xf32, #tpu.memory_space<vmem>>, vector<16xf32>,
        %parallel_loop3A_284 = arith.constant 32 : i32
        %parallel_loop3A_285 = vector.broadcast %parallel_loop3A_284 : i32 to vector<16xi32>
        %parallel_loop3A_286 = arith.muli %parallel_loop3A_279, %parallel_loop3A_285 : vector<16xi32>
        %parallel_loop3A_287 = arith.constant 0 : i32
        %parallel_loop3A_288 = arith.addi %mul3A_141, %parallel_loop3A_287 : i32
        %parallel_loop3A_289 = vector.broadcast %parallel_loop3A_288 : i32 to vector<16xi32>
        %parallel_loop3A_290 = arith.addi %parallel_loop3A_286, %parallel_loop3A_289 : vector<16xi32>
        %parallel_loop3A_291 = tpu.vector_load_idx %arg7[%parallel_loop3A_290] : memref<16384xf32, #tpu.memory_space<vmem>>[vector<16xi32>], vector<16xf32>,
        %parallel_loop3A_292 = arith.addf %parallel_loop3A_283, %parallel_loop3A_291 : vector<16xf32>
        %parallel_loop3A_293 = arith.constant 0 : i32
        %parallel_loop3A_294 = arith.index_cast %rem3A_129 : i32 to index
        %parallel_loop3A_295 = arith.index_cast %parallel_loop3A_197 : i32 to index
        %parallel_loop3A_296 = arith.index_cast %parallel_loop3A_293 : i32 to index
        %parallel_loop3A_297 = arith.constant 16 : index
        %parallel_loop3A_298 = tpu.vector_load %arg12[%parallel_loop3A_294, %parallel_loop3A_295, %parallel_loop3A_296, %parallel_loop3A_297] {strides = array<i32>} : memref<2x16x4x144xf32, #tpu.memory_space<vmem>>, vector<16xf32>,
        tpu.vector_store %arg12[%parallel_loop3A_294, %parallel_loop3A_295, %parallel_loop3A_296, %parallel_loop3A_297], %parallel_loop3A_292 {strides = array<i32>} : memref<2x16x4x144xf32, #tpu.memory_space<vmem>>, vector<16xf32>,
        %parallel_loop3A_299 = arith.constant 1 : i32
        %parallel_loop3A_300 = arith.addi %mul3A_141, %parallel_loop3A_299 : i32
        %parallel_loop3A_301 = vector.broadcast %parallel_loop3A_300 : i32 to vector<16xi32>
        %parallel_loop3A_302 = arith.addi %parallel_loop3A_286, %parallel_loop3A_301 : vector<16xi32>
        %parallel_loop3A_303 = tpu.vector_load_idx %arg7[%parallel_loop3A_302] : memref<16384xf32, #tpu.memory_space<vmem>>[vector<16xi32>], vector<16xf32>,
        %parallel_loop3A_304 = arith.addf %parallel_loop3A_283, %parallel_loop3A_303 : vector<16xf32>
        %parallel_loop3A_305 = arith.constant 1 : i32
        %parallel_loop3A_306 = arith.index_cast %rem3A_129 : i32 to index
        %parallel_loop3A_307 = arith.index_cast %parallel_loop3A_197 : i32 to index
        %parallel_loop3A_308 = arith.index_cast %parallel_loop3A_305 : i32 to index
        %parallel_loop3A_309 = arith.constant 16 : index
        %parallel_loop3A_310 = tpu.vector_load %arg12[%parallel_loop3A_306, %parallel_loop3A_307, %parallel_loop3A_308, %parallel_loop3A_309] {strides = array<i32>} : memref<2x16x4x144xf32, #tpu.memory_space<vmem>>, vector<16xf32>,
        tpu.vector_store %arg12[%parallel_loop3A_306, %parallel_loop3A_307, %parallel_loop3A_308, %parallel_loop3A_309], %parallel_loop3A_304 {strides = array<i32>} : memref<2x16x4x144xf32, #tpu.memory_space<vmem>>, vector<16xf32>,
        %parallel_loop3A_311 = arith.constant 2 : i32
        %parallel_loop3A_312 = arith.addi %mul3A_141, %parallel_loop3A_311 : i32
        %parallel_loop3A_313 = vector.broadcast %parallel_loop3A_312 : i32 to vector<16xi32>
        %parallel_loop3A_314 = arith.addi %parallel_loop3A_286, %parallel_loop3A_313 : vector<16xi32>
        %parallel_loop3A_315 = tpu.vector_load_idx %arg7[%parallel_loop3A_314] : memref<16384xf32, #tpu.memory_space<vmem>>[vector<16xi32>], vector<16xf32>,
        %parallel_loop3A_316 = arith.addf %parallel_loop3A_283, %parallel_loop3A_315 : vector<16xf32>
        %parallel_loop3A_317 = arith.constant 2 : i32
        %parallel_loop3A_318 = arith.index_cast %rem3A_129 : i32 to index
        %parallel_loop3A_319 = arith.index_cast %parallel_loop3A_197 : i32 to index
        %parallel_loop3A_320 = arith.index_cast %parallel_loop3A_317 : i32 to index
        %parallel_loop3A_321 = arith.constant 16 : index
        %parallel_loop3A_322 = tpu.vector_load %arg12[%parallel_loop3A_318, %parallel_loop3A_319, %parallel_loop3A_320, %parallel_loop3A_321] {strides = array<i32>} : memref<2x16x4x144xf32, #tpu.memory_space<vmem>>, vector<16xf32>,
        tpu.vector_store %arg12[%parallel_loop3A_318, %parallel_loop3A_319, %parallel_loop3A_320, %parallel_loop3A_321], %parallel_loop3A_316 {strides = array<i32>} : memref<2x16x4x144xf32, #tpu.memory_space<vmem>>, vector<16xf32>,
        %parallel_loop3A_323 = arith.constant 3 : i32
        %parallel_loop3A_324 = arith.addi %mul3A_141, %parallel_loop3A_323 : i32
        %parallel_loop3A_325 = vector.broadcast %parallel_loop3A_324 : i32 to vector<16xi32>
        %parallel_loop3A_326 = arith.addi %parallel_loop3A_286, %parallel_loop3A_325 : vector<16xi32>
        %parallel_loop3A_327 = tpu.vector_load_idx %arg7[%parallel_loop3A_326] : memref<16384xf32, #tpu.memory_space<vmem>>[vector<16xi32>], vector<16xf32>,
        %parallel_loop3A_328 = arith.addf %parallel_loop3A_283, %parallel_loop3A_327 : vector<16xf32>
        %parallel_loop3A_329 = arith.constant 3 : i32
        %parallel_loop3A_330 = arith.index_cast %rem3A_129 : i32 to index
        %parallel_loop3A_331 = arith.index_cast %parallel_loop3A_197 : i32 to index
        %parallel_loop3A_332 = arith.index_cast %parallel_loop3A_329 : i32 to index
        %parallel_loop3A_333 = arith.constant 16 : index
        %parallel_loop3A_334 = tpu.vector_load %arg12[%parallel_loop3A_330, %parallel_loop3A_331, %parallel_loop3A_332, %parallel_loop3A_333] {strides = array<i32>} : memref<2x16x4x144xf32, #tpu.memory_space<vmem>>, vector<16xf32>,
        tpu.vector_store %arg12[%parallel_loop3A_330, %parallel_loop3A_331, %parallel_loop3A_332, %parallel_loop3A_333], %parallel_loop3A_328 {strides = array<i32>} : memref<2x16x4x144xf32, #tpu.memory_space<vmem>>, vector<16xf32>,
        %parallel_loop3A_335 = arith.constant 32 : i32
        %parallel_loop3A_336 = arith.addi %parallel_loop3A_206, %parallel_loop3A_335 : i32
        %parallel_loop3A_337 = arith.index_cast %parallel_loop3A_336 : i32 to index
        %parallel_loop3A_338 = tpu.vector_load %arg8[%parallel_loop3A_337] {strides = array<i32>} : memref<16416xi32, #tpu.memory_space<vmem>>, vector<16xi32>,
        %parallel_loop3A_339 = arith.constant 32 : i32
        %parallel_loop3A_340 = arith.addi %parallel_loop3A_208, %parallel_loop3A_339 : i32
        %parallel_loop3A_341 = arith.index_cast %parallel_loop3A_340 : i32 to index
        %parallel_loop3A_342 = tpu.vector_load %arg9[%parallel_loop3A_341] {strides = array<i32>} : memref<16656xf32, #tpu.memory_space<vmem>>, vector<16xf32>,
        %parallel_loop3A_343 = arith.constant 32 : i32
        %parallel_loop3A_344 = vector.broadcast %parallel_loop3A_343 : i32 to vector<16xi32>
        %parallel_loop3A_345 = arith.muli %parallel_loop3A_338, %parallel_loop3A_344 : vector<16xi32>
        %parallel_loop3A_346 = arith.constant 0 : i32
        %parallel_loop3A_347 = arith.addi %mul3A_141, %parallel_loop3A_346 : i32
        %parallel_loop3A_348 = vector.broadcast %parallel_loop3A_347 : i32 to vector<16xi32>
        %parallel_loop3A_349 = arith.addi %parallel_loop3A_345, %parallel_loop3A_348 : vector<16xi32>
        %parallel_loop3A_350 = tpu.vector_load_idx %arg7[%parallel_loop3A_349] : memref<16384xf32, #tpu.memory_space<vmem>>[vector<16xi32>], vector<16xf32>,
        %parallel_loop3A_351 = arith.addf %parallel_loop3A_342, %parallel_loop3A_350 : vector<16xf32>
        %parallel_loop3A_352 = arith.constant 0 : i32
        %parallel_loop3A_353 = arith.index_cast %rem3A_129 : i32 to index
        %parallel_loop3A_354 = arith.index_cast %parallel_loop3A_197 : i32 to index
        %parallel_loop3A_355 = arith.index_cast %parallel_loop3A_352 : i32 to index
        %parallel_loop3A_356 = arith.constant 32 : index
        %parallel_loop3A_357 = tpu.vector_load %arg12[%parallel_loop3A_353, %parallel_loop3A_354, %parallel_loop3A_355, %parallel_loop3A_356] {strides = array<i32>} : memref<2x16x4x144xf32, #tpu.memory_space<vmem>>, vector<16xf32>,
        tpu.vector_store %arg12[%parallel_loop3A_353, %parallel_loop3A_354, %parallel_loop3A_355, %parallel_loop3A_356], %parallel_loop3A_351 {strides = array<i32>} : memref<2x16x4x144xf32, #tpu.memory_space<vmem>>, vector<16xf32>,
        %parallel_loop3A_358 = arith.constant 1 : i32
        %parallel_loop3A_359 = arith.addi %mul3A_141, %parallel_loop3A_358 : i32
        %parallel_loop3A_360 = vector.broadcast %parallel_loop3A_359 : i32 to vector<16xi32>
        %parallel_loop3A_361 = arith.addi %parallel_loop3A_345, %parallel_loop3A_360 : vector<16xi32>
        %parallel_loop3A_362 = tpu.vector_load_idx %arg7[%parallel_loop3A_361] : memref<16384xf32, #tpu.memory_space<vmem>>[vector<16xi32>], vector<16xf32>,
        %parallel_loop3A_363 = arith.addf %parallel_loop3A_342, %parallel_loop3A_362 : vector<16xf32>
        %parallel_loop3A_364 = arith.constant 1 : i32
        %parallel_loop3A_365 = arith.index_cast %rem3A_129 : i32 to index
        %parallel_loop3A_366 = arith.index_cast %parallel_loop3A_197 : i32 to index
        %parallel_loop3A_367 = arith.index_cast %parallel_loop3A_364 : i32 to index
        %parallel_loop3A_368 = arith.constant 32 : index
        %parallel_loop3A_369 = tpu.vector_load %arg12[%parallel_loop3A_365, %parallel_loop3A_366, %parallel_loop3A_367, %parallel_loop3A_368] {strides = array<i32>} : memref<2x16x4x144xf32, #tpu.memory_space<vmem>>, vector<16xf32>,
        tpu.vector_store %arg12[%parallel_loop3A_365, %parallel_loop3A_366, %parallel_loop3A_367, %parallel_loop3A_368], %parallel_loop3A_363 {strides = array<i32>} : memref<2x16x4x144xf32, #tpu.memory_space<vmem>>, vector<16xf32>,
        %parallel_loop3A_370 = arith.constant 2 : i32
        %parallel_loop3A_371 = arith.addi %mul3A_141, %parallel_loop3A_370 : i32
        %parallel_loop3A_372 = vector.broadcast %parallel_loop3A_371 : i32 to vector<16xi32>
        %parallel_loop3A_373 = arith.addi %parallel_loop3A_345, %parallel_loop3A_372 : vector<16xi32>
        %parallel_loop3A_374 = tpu.vector_load_idx %arg7[%parallel_loop3A_373] : memref<16384xf32, #tpu.memory_space<vmem>>[vector<16xi32>], vector<16xf32>,
        %parallel_loop3A_375 = arith.addf %parallel_loop3A_342, %parallel_loop3A_374 : vector<16xf32>
        %parallel_loop3A_376 = arith.constant 2 : i32
        %parallel_loop3A_377 = arith.index_cast %rem3A_129 : i32 to index
        %parallel_loop3A_378 = arith.index_cast %parallel_loop3A_197 : i32 to index
        %parallel_loop3A_379 = arith.index_cast %parallel_loop3A_376 : i32 to index
        %parallel_loop3A_380 = arith.constant 32 : index
        %parallel_loop3A_381 = tpu.vector_load %arg12[%parallel_loop3A_377, %parallel_loop3A_378, %parallel_loop3A_379, %parallel_loop3A_380] {strides = array<i32>} : memref<2x16x4x144xf32, #tpu.memory_space<vmem>>, vector<16xf32>,
        tpu.vector_store %arg12[%parallel_loop3A_377, %parallel_loop3A_378, %parallel_loop3A_379, %parallel_loop3A_380], %parallel_loop3A_375 {strides = array<i32>} : memref<2x16x4x144xf32, #tpu.memory_space<vmem>>, vector<16xf32>,
        %parallel_loop3A_382 = arith.constant 3 : i32
        %parallel_loop3A_383 = arith.addi %mul3A_141, %parallel_loop3A_382 : i32
        %parallel_loop3A_384 = vector.broadcast %parallel_loop3A_383 : i32 to vector<16xi32>
        %parallel_loop3A_385 = arith.addi %parallel_loop3A_345, %parallel_loop3A_384 : vector<16xi32>
        %parallel_loop3A_386 = tpu.vector_load_idx %arg7[%parallel_loop3A_385] : memref<16384xf32, #tpu.memory_space<vmem>>[vector<16xi32>], vector<16xf32>,
        %parallel_loop3A_387 = arith.addf %parallel_loop3A_342, %parallel_loop3A_386 : vector<16xf32>
        %parallel_loop3A_388 = arith.constant 3 : i32
        %parallel_loop3A_389 = arith.index_cast %rem3A_129 : i32 to index
        %parallel_loop3A_390 = arith.index_cast %parallel_loop3A_197 : i32 to index
        %parallel_loop3A_391 = arith.index_cast %parallel_loop3A_388 : i32 to index
        %parallel_loop3A_392 = arith.constant 32 : index
        %parallel_loop3A_393 = tpu.vector_load %arg12[%parallel_loop3A_389, %parallel_loop3A_390, %parallel_loop3A_391, %parallel_loop3A_392] {strides = array<i32>} : memref<2x16x4x144xf32, #tpu.memory_space<vmem>>, vector<16xf32>,
        tpu.vector_store %arg12[%parallel_loop3A_389, %parallel_loop3A_390, %parallel_loop3A_391, %parallel_loop3A_392], %parallel_loop3A_387 {strides = array<i32>} : memref<2x16x4x144xf32, #tpu.memory_space<vmem>>, vector<16xf32>,
        %parallel_loop3A_394 = arith.constant 48 : i32
        %parallel_loop3A_395 = arith.addi %parallel_loop3A_206, %parallel_loop3A_394 : i32
        %parallel_loop3A_396 = arith.index_cast %parallel_loop3A_395 : i32 to index
        %parallel_loop3A_397 = tpu.vector_load %arg8[%parallel_loop3A_396] {strides = array<i32>} : memref<16416xi32, #tpu.memory_space<vmem>>, vector<16xi32>,
        %parallel_loop3A_398 = arith.constant 48 : i32
        %parallel_loop3A_399 = arith.addi %parallel_loop3A_208, %parallel_loop3A_398 : i32
        %parallel_loop3A_400 = arith.index_cast %parallel_loop3A_399 : i32 to index
        %parallel_loop3A_401 = tpu.vector_load %arg9[%parallel_loop3A_400] {strides = array<i32>} : memref<16656xf32, #tpu.memory_space<vmem>>, vector<16xf32>,
        %parallel_loop3A_402 = arith.constant 32 : i32
        %parallel_loop3A_403 = vector.broadcast %parallel_loop3A_402 : i32 to vector<16xi32>
        %parallel_loop3A_404 = arith.muli %parallel_loop3A_397, %parallel_loop3A_403 : vector<16xi32>
        %parallel_loop3A_405 = arith.constant 0 : i32
        %parallel_loop3A_406 = arith.addi %mul3A_141, %parallel_loop3A_405 : i32
        %parallel_loop3A_407 = vector.broadcast %parallel_loop3A_406 : i32 to vector<16xi32>
        %parallel_loop3A_408 = arith.addi %parallel_loop3A_404, %parallel_loop3A_407 : vector<16xi32>
        %parallel_loop3A_409 = tpu.vector_load_idx %arg7[%parallel_loop3A_408] : memref<16384xf32, #tpu.memory_space<vmem>>[vector<16xi32>], vector<16xf32>,
        %parallel_loop3A_410 = arith.addf %parallel_loop3A_401, %parallel_loop3A_409 : vector<16xf32>
        %parallel_loop3A_411 = arith.constant 0 : i32
        %parallel_loop3A_412 = arith.index_cast %rem3A_129 : i32 to index
        %parallel_loop3A_413 = arith.index_cast %parallel_loop3A_197 : i32 to index
        %parallel_loop3A_414 = arith.index_cast %parallel_loop3A_411 : i32 to index
        %parallel_loop3A_415 = arith.constant 48 : index
        %parallel_loop3A_416 = tpu.vector_load %arg12[%parallel_loop3A_412, %parallel_loop3A_413, %parallel_loop3A_414, %parallel_loop3A_415] {strides = array<i32>} : memref<2x16x4x144xf32, #tpu.memory_space<vmem>>, vector<16xf32>,
        tpu.vector_store %arg12[%parallel_loop3A_412, %parallel_loop3A_413, %parallel_loop3A_414, %parallel_loop3A_415], %parallel_loop3A_410 {strides = array<i32>} : memref<2x16x4x144xf32, #tpu.memory_space<vmem>>, vector<16xf32>,
        %parallel_loop3A_417 = arith.constant 1 : i32
        %parallel_loop3A_418 = arith.addi %mul3A_141, %parallel_loop3A_417 : i32
        %parallel_loop3A_419 = vector.broadcast %parallel_loop3A_418 : i32 to vector<16xi32>
        %parallel_loop3A_420 = arith.addi %parallel_loop3A_404, %parallel_loop3A_419 : vector<16xi32>
        %parallel_loop3A_421 = tpu.vector_load_idx %arg7[%parallel_loop3A_420] : memref<16384xf32, #tpu.memory_space<vmem>>[vector<16xi32>], vector<16xf32>,
        %parallel_loop3A_422 = arith.addf %parallel_loop3A_401, %parallel_loop3A_421 : vector<16xf32>
        %parallel_loop3A_423 = arith.constant 1 : i32
        %parallel_loop3A_424 = arith.index_cast %rem3A_129 : i32 to index
        %parallel_loop3A_425 = arith.index_cast %parallel_loop3A_197 : i32 to index
        %parallel_loop3A_426 = arith.index_cast %parallel_loop3A_423 : i32 to index
        %parallel_loop3A_427 = arith.constant 48 : index
        %parallel_loop3A_428 = tpu.vector_load %arg12[%parallel_loop3A_424, %parallel_loop3A_425, %parallel_loop3A_426, %parallel_loop3A_427] {strides = array<i32>} : memref<2x16x4x144xf32, #tpu.memory_space<vmem>>, vector<16xf32>,
        tpu.vector_store %arg12[%parallel_loop3A_424, %parallel_loop3A_425, %parallel_loop3A_426, %parallel_loop3A_427], %parallel_loop3A_422 {strides = array<i32>} : memref<2x16x4x144xf32, #tpu.memory_space<vmem>>, vector<16xf32>,
        %parallel_loop3A_429 = arith.constant 2 : i32
        %parallel_loop3A_430 = arith.addi %mul3A_141, %parallel_loop3A_429 : i32
        %parallel_loop3A_431 = vector.broadcast %parallel_loop3A_430 : i32 to vector<16xi32>
        %parallel_loop3A_432 = arith.addi %parallel_loop3A_404, %parallel_loop3A_431 : vector<16xi32>
        %parallel_loop3A_433 = tpu.vector_load_idx %arg7[%parallel_loop3A_432] : memref<16384xf32, #tpu.memory_space<vmem>>[vector<16xi32>], vector<16xf32>,
        %parallel_loop3A_434 = arith.addf %parallel_loop3A_401, %parallel_loop3A_433 : vector<16xf32>
        %parallel_loop3A_435 = arith.constant 2 : i32
        %parallel_loop3A_436 = arith.index_cast %rem3A_129 : i32 to index
        %parallel_loop3A_437 = arith.index_cast %parallel_loop3A_197 : i32 to index
        %parallel_loop3A_438 = arith.index_cast %parallel_loop3A_435 : i32 to index
        %parallel_loop3A_439 = arith.constant 48 : index
        %parallel_loop3A_440 = tpu.vector_load %arg12[%parallel_loop3A_436, %parallel_loop3A_437, %parallel_loop3A_438, %parallel_loop3A_439] {strides = array<i32>} : memref<2x16x4x144xf32, #tpu.memory_space<vmem>>, vector<16xf32>,
        tpu.vector_store %arg12[%parallel_loop3A_436, %parallel_loop3A_437, %parallel_loop3A_438, %parallel_loop3A_439], %parallel_loop3A_434 {strides = array<i32>} : memref<2x16x4x144xf32, #tpu.memory_space<vmem>>, vector<16xf32>,
        %parallel_loop3A_441 = arith.constant 3 : i32
        %parallel_loop3A_442 = arith.addi %mul3A_141, %parallel_loop3A_441 : i32
        %parallel_loop3A_443 = vector.broadcast %parallel_loop3A_442 : i32 to vector<16xi32>
        %parallel_loop3A_444 = arith.addi %parallel_loop3A_404, %parallel_loop3A_443 : vector<16xi32>
        %parallel_loop3A_445 = tpu.vector_load_idx %arg7[%parallel_loop3A_444] : memref<16384xf32, #tpu.memory_space<vmem>>[vector<16xi32>], vector<16xf32>,
        %parallel_loop3A_446 = arith.addf %parallel_loop3A_401, %parallel_loop3A_445 : vector<16xf32>
        %parallel_loop3A_447 = arith.constant 3 : i32
        %parallel_loop3A_448 = arith.index_cast %rem3A_129 : i32 to index
        %parallel_loop3A_449 = arith.index_cast %parallel_loop3A_197 : i32 to index
        %parallel_loop3A_450 = arith.index_cast %parallel_loop3A_447 : i32 to index
        %parallel_loop3A_451 = arith.constant 48 : index
        %parallel_loop3A_452 = tpu.vector_load %arg12[%parallel_loop3A_448, %parallel_loop3A_449, %parallel_loop3A_450, %parallel_loop3A_451] {strides = array<i32>} : memref<2x16x4x144xf32, #tpu.memory_space<vmem>>, vector<16xf32>,
        tpu.vector_store %arg12[%parallel_loop3A_448, %parallel_loop3A_449, %parallel_loop3A_450, %parallel_loop3A_451], %parallel_loop3A_446 {strides = array<i32>} : memref<2x16x4x144xf32, #tpu.memory_space<vmem>>, vector<16xf32>,
        %parallel_loop3A_453 = arith.constant 64 : i32
        %parallel_loop3A_454 = arith.addi %parallel_loop3A_206, %parallel_loop3A_453 : i32
        %parallel_loop3A_455 = arith.index_cast %parallel_loop3A_454 : i32 to index
        %parallel_loop3A_456 = tpu.vector_load %arg8[%parallel_loop3A_455] {strides = array<i32>} : memref<16416xi32, #tpu.memory_space<vmem>>, vector<16xi32>,
        %parallel_loop3A_457 = arith.constant 64 : i32
        %parallel_loop3A_458 = arith.addi %parallel_loop3A_208, %parallel_loop3A_457 : i32
        %parallel_loop3A_459 = arith.index_cast %parallel_loop3A_458 : i32 to index
        %parallel_loop3A_460 = tpu.vector_load %arg9[%parallel_loop3A_459] {strides = array<i32>} : memref<16656xf32, #tpu.memory_space<vmem>>, vector<16xf32>,
        %parallel_loop3A_461 = arith.constant 32 : i32
        %parallel_loop3A_462 = vector.broadcast %parallel_loop3A_461 : i32 to vector<16xi32>
        %parallel_loop3A_463 = arith.muli %parallel_loop3A_456, %parallel_loop3A_462 : vector<16xi32>
        %parallel_loop3A_464 = arith.constant 0 : i32
        %parallel_loop3A_465 = arith.addi %mul3A_141, %parallel_loop3A_464 : i32
        %parallel_loop3A_466 = vector.broadcast %parallel_loop3A_465 : i32 to vector<16xi32>
        %parallel_loop3A_467 = arith.addi %parallel_loop3A_463, %parallel_loop3A_466 : vector<16xi32>
        %parallel_loop3A_468 = tpu.vector_load_idx %arg7[%parallel_loop3A_467] : memref<16384xf32, #tpu.memory_space<vmem>>[vector<16xi32>], vector<16xf32>,
        %parallel_loop3A_469 = arith.addf %parallel_loop3A_460, %parallel_loop3A_468 : vector<16xf32>
        %parallel_loop3A_470 = arith.constant 0 : i32
        %parallel_loop3A_471 = arith.index_cast %rem3A_129 : i32 to index
        %parallel_loop3A_472 = arith.index_cast %parallel_loop3A_197 : i32 to index
        %parallel_loop3A_473 = arith.index_cast %parallel_loop3A_470 : i32 to index
        %parallel_loop3A_474 = arith.constant 64 : index
        %parallel_loop3A_475 = tpu.vector_load %arg12[%parallel_loop3A_471, %parallel_loop3A_472, %parallel_loop3A_473, %parallel_loop3A_474] {strides = array<i32>} : memref<2x16x4x144xf32, #tpu.memory_space<vmem>>, vector<16xf32>,
        tpu.vector_store %arg12[%parallel_loop3A_471, %parallel_loop3A_472, %parallel_loop3A_473, %parallel_loop3A_474], %parallel_loop3A_469 {strides = array<i32>} : memref<2x16x4x144xf32, #tpu.memory_space<vmem>>, vector<16xf32>,
        %parallel_loop3A_476 = arith.constant 1 : i32
        %parallel_loop3A_477 = arith.addi %mul3A_141, %parallel_loop3A_476 : i32
        %parallel_loop3A_478 = vector.broadcast %parallel_loop3A_477 : i32 to vector<16xi32>
        %parallel_loop3A_479 = arith.addi %parallel_loop3A_463, %parallel_loop3A_478 : vector<16xi32>
        %parallel_loop3A_480 = tpu.vector_load_idx %arg7[%parallel_loop3A_479] : memref<16384xf32, #tpu.memory_space<vmem>>[vector<16xi32>], vector<16xf32>,
        %parallel_loop3A_481 = arith.addf %parallel_loop3A_460, %parallel_loop3A_480 : vector<16xf32>
        %parallel_loop3A_482 = arith.constant 1 : i32
        %parallel_loop3A_483 = arith.index_cast %rem3A_129 : i32 to index
        %parallel_loop3A_484 = arith.index_cast %parallel_loop3A_197 : i32 to index
        %parallel_loop3A_485 = arith.index_cast %parallel_loop3A_482 : i32 to index
        %parallel_loop3A_486 = arith.constant 64 : index
        %parallel_loop3A_487 = tpu.vector_load %arg12[%parallel_loop3A_483, %parallel_loop3A_484, %parallel_loop3A_485, %parallel_loop3A_486] {strides = array<i32>} : memref<2x16x4x144xf32, #tpu.memory_space<vmem>>, vector<16xf32>,
        tpu.vector_store %arg12[%parallel_loop3A_483, %parallel_loop3A_484, %parallel_loop3A_485, %parallel_loop3A_486], %parallel_loop3A_481 {strides = array<i32>} : memref<2x16x4x144xf32, #tpu.memory_space<vmem>>, vector<16xf32>,
        %parallel_loop3A_488 = arith.constant 2 : i32
        %parallel_loop3A_489 = arith.addi %mul3A_141, %parallel_loop3A_488 : i32
        %parallel_loop3A_490 = vector.broadcast %parallel_loop3A_489 : i32 to vector<16xi32>
        %parallel_loop3A_491 = arith.addi %parallel_loop3A_463, %parallel_loop3A_490 : vector<16xi32>
        %parallel_loop3A_492 = tpu.vector_load_idx %arg7[%parallel_loop3A_491] : memref<16384xf32, #tpu.memory_space<vmem>>[vector<16xi32>], vector<16xf32>,
        %parallel_loop3A_493 = arith.addf %parallel_loop3A_460, %parallel_loop3A_492 : vector<16xf32>
        %parallel_loop3A_494 = arith.constant 2 : i32
        %parallel_loop3A_495 = arith.index_cast %rem3A_129 : i32 to index
        %parallel_loop3A_496 = arith.index_cast %parallel_loop3A_197 : i32 to index
        %parallel_loop3A_497 = arith.index_cast %parallel_loop3A_494 : i32 to index
        %parallel_loop3A_498 = arith.constant 64 : index
        %parallel_loop3A_499 = tpu.vector_load %arg12[%parallel_loop3A_495, %parallel_loop3A_496, %parallel_loop3A_497, %parallel_loop3A_498] {strides = array<i32>} : memref<2x16x4x144xf32, #tpu.memory_space<vmem>>, vector<16xf32>,
        tpu.vector_store %arg12[%parallel_loop3A_495, %parallel_loop3A_496, %parallel_loop3A_497, %parallel_loop3A_498], %parallel_loop3A_493 {strides = array<i32>} : memref<2x16x4x144xf32, #tpu.memory_space<vmem>>, vector<16xf32>,
        %parallel_loop3A_500 = arith.constant 3 : i32
        %parallel_loop3A_501 = arith.addi %mul3A_141, %parallel_loop3A_500 : i32
        %parallel_loop3A_502 = vector.broadcast %parallel_loop3A_501 : i32 to vector<16xi32>
        %parallel_loop3A_503 = arith.addi %parallel_loop3A_463, %parallel_loop3A_502 : vector<16xi32>
        %parallel_loop3A_504 = tpu.vector_load_idx %arg7[%parallel_loop3A_503] : memref<16384xf32, #tpu.memory_space<vmem>>[vector<16xi32>], vector<16xf32>,
        %parallel_loop3A_505 = arith.addf %parallel_loop3A_460, %parallel_loop3A_504 : vector<16xf32>
        %parallel_loop3A_506 = arith.constant 3 : i32
        %parallel_loop3A_507 = arith.index_cast %rem3A_129 : i32 to index
        %parallel_loop3A_508 = arith.index_cast %parallel_loop3A_197 : i32 to index
        %parallel_loop3A_509 = arith.index_cast %parallel_loop3A_506 : i32 to index
        %parallel_loop3A_510 = arith.constant 64 : index
        %parallel_loop3A_511 = tpu.vector_load %arg12[%parallel_loop3A_507, %parallel_loop3A_508, %parallel_loop3A_509, %parallel_loop3A_510] {strides = array<i32>} : memref<2x16x4x144xf32, #tpu.memory_space<vmem>>, vector<16xf32>,
        tpu.vector_store %arg12[%parallel_loop3A_507, %parallel_loop3A_508, %parallel_loop3A_509, %parallel_loop3A_510], %parallel_loop3A_505 {strides = array<i32>} : memref<2x16x4x144xf32, #tpu.memory_space<vmem>>, vector<16xf32>,
        %parallel_loop3A_512 = arith.constant 80 : i32
        %parallel_loop3A_513 = arith.addi %parallel_loop3A_206, %parallel_loop3A_512 : i32
        %parallel_loop3A_514 = arith.index_cast %parallel_loop3A_513 : i32 to index
        %parallel_loop3A_515 = tpu.vector_load %arg8[%parallel_loop3A_514] {strides = array<i32>} : memref<16416xi32, #tpu.memory_space<vmem>>, vector<16xi32>,
        %parallel_loop3A_516 = arith.constant 80 : i32
        %parallel_loop3A_517 = arith.addi %parallel_loop3A_208, %parallel_loop3A_516 : i32
        %parallel_loop3A_518 = arith.index_cast %parallel_loop3A_517 : i32 to index
        %parallel_loop3A_519 = tpu.vector_load %arg9[%parallel_loop3A_518] {strides = array<i32>} : memref<16656xf32, #tpu.memory_space<vmem>>, vector<16xf32>,
        %parallel_loop3A_520 = arith.constant 32 : i32
        %parallel_loop3A_521 = vector.broadcast %parallel_loop3A_520 : i32 to vector<16xi32>
        %parallel_loop3A_522 = arith.muli %parallel_loop3A_515, %parallel_loop3A_521 : vector<16xi32>
        %parallel_loop3A_523 = arith.constant 0 : i32
        %parallel_loop3A_524 = arith.addi %mul3A_141, %parallel_loop3A_523 : i32
        %parallel_loop3A_525 = vector.broadcast %parallel_loop3A_524 : i32 to vector<16xi32>
        %parallel_loop3A_526 = arith.addi %parallel_loop3A_522, %parallel_loop3A_525 : vector<16xi32>
        %parallel_loop3A_527 = tpu.vector_load_idx %arg7[%parallel_loop3A_526] : memref<16384xf32, #tpu.memory_space<vmem>>[vector<16xi32>], vector<16xf32>,
        %parallel_loop3A_528 = arith.addf %parallel_loop3A_519, %parallel_loop3A_527 : vector<16xf32>
        %parallel_loop3A_529 = arith.constant 0 : i32
        %parallel_loop3A_530 = arith.index_cast %rem3A_129 : i32 to index
        %parallel_loop3A_531 = arith.index_cast %parallel_loop3A_197 : i32 to index
        %parallel_loop3A_532 = arith.index_cast %parallel_loop3A_529 : i32 to index
        %parallel_loop3A_533 = arith.constant 80 : index
        %parallel_loop3A_534 = tpu.vector_load %arg12[%parallel_loop3A_530, %parallel_loop3A_531, %parallel_loop3A_532, %parallel_loop3A_533] {strides = array<i32>} : memref<2x16x4x144xf32, #tpu.memory_space<vmem>>, vector<16xf32>,
        tpu.vector_store %arg12[%parallel_loop3A_530, %parallel_loop3A_531, %parallel_loop3A_532, %parallel_loop3A_533], %parallel_loop3A_528 {strides = array<i32>} : memref<2x16x4x144xf32, #tpu.memory_space<vmem>>, vector<16xf32>,
        %parallel_loop3A_535 = arith.constant 1 : i32
        %parallel_loop3A_536 = arith.addi %mul3A_141, %parallel_loop3A_535 : i32
        %parallel_loop3A_537 = vector.broadcast %parallel_loop3A_536 : i32 to vector<16xi32>
        %parallel_loop3A_538 = arith.addi %parallel_loop3A_522, %parallel_loop3A_537 : vector<16xi32>
        %parallel_loop3A_539 = tpu.vector_load_idx %arg7[%parallel_loop3A_538] : memref<16384xf32, #tpu.memory_space<vmem>>[vector<16xi32>], vector<16xf32>,
        %parallel_loop3A_540 = arith.addf %parallel_loop3A_519, %parallel_loop3A_539 : vector<16xf32>
        %parallel_loop3A_541 = arith.constant 1 : i32
        %parallel_loop3A_542 = arith.index_cast %rem3A_129 : i32 to index
        %parallel_loop3A_543 = arith.index_cast %parallel_loop3A_197 : i32 to index
        %parallel_loop3A_544 = arith.index_cast %parallel_loop3A_541 : i32 to index
        %parallel_loop3A_545 = arith.constant 80 : index
        %parallel_loop3A_546 = tpu.vector_load %arg12[%parallel_loop3A_542, %parallel_loop3A_543, %parallel_loop3A_544, %parallel_loop3A_545] {strides = array<i32>} : memref<2x16x4x144xf32, #tpu.memory_space<vmem>>, vector<16xf32>,
        tpu.vector_store %arg12[%parallel_loop3A_542, %parallel_loop3A_543, %parallel_loop3A_544, %parallel_loop3A_545], %parallel_loop3A_540 {strides = array<i32>} : memref<2x16x4x144xf32, #tpu.memory_space<vmem>>, vector<16xf32>,
        %parallel_loop3A_547 = arith.constant 2 : i32
        %parallel_loop3A_548 = arith.addi %mul3A_141, %parallel_loop3A_547 : i32
        %parallel_loop3A_549 = vector.broadcast %parallel_loop3A_548 : i32 to vector<16xi32>
        %parallel_loop3A_550 = arith.addi %parallel_loop3A_522, %parallel_loop3A_549 : vector<16xi32>
        %parallel_loop3A_551 = tpu.vector_load_idx %arg7[%parallel_loop3A_550] : memref<16384xf32, #tpu.memory_space<vmem>>[vector<16xi32>], vector<16xf32>,
        %parallel_loop3A_552 = arith.addf %parallel_loop3A_519, %parallel_loop3A_551 : vector<16xf32>
        %parallel_loop3A_553 = arith.constant 2 : i32
        %parallel_loop3A_554 = arith.index_cast %rem3A_129 : i32 to index
        %parallel_loop3A_555 = arith.index_cast %parallel_loop3A_197 : i32 to index
        %parallel_loop3A_556 = arith.index_cast %parallel_loop3A_553 : i32 to index
        %parallel_loop3A_557 = arith.constant 80 : index
        %parallel_loop3A_558 = tpu.vector_load %arg12[%parallel_loop3A_554, %parallel_loop3A_555, %parallel_loop3A_556, %parallel_loop3A_557] {strides = array<i32>} : memref<2x16x4x144xf32, #tpu.memory_space<vmem>>, vector<16xf32>,
        tpu.vector_store %arg12[%parallel_loop3A_554, %parallel_loop3A_555, %parallel_loop3A_556, %parallel_loop3A_557], %parallel_loop3A_552 {strides = array<i32>} : memref<2x16x4x144xf32, #tpu.memory_space<vmem>>, vector<16xf32>,
        %parallel_loop3A_559 = arith.constant 3 : i32
        %parallel_loop3A_560 = arith.addi %mul3A_141, %parallel_loop3A_559 : i32
        %parallel_loop3A_561 = vector.broadcast %parallel_loop3A_560 : i32 to vector<16xi32>
        %parallel_loop3A_562 = arith.addi %parallel_loop3A_522, %parallel_loop3A_561 : vector<16xi32>
        %parallel_loop3A_563 = tpu.vector_load_idx %arg7[%parallel_loop3A_562] : memref<16384xf32, #tpu.memory_space<vmem>>[vector<16xi32>], vector<16xf32>,
        %parallel_loop3A_564 = arith.addf %parallel_loop3A_519, %parallel_loop3A_563 : vector<16xf32>
        %parallel_loop3A_565 = arith.constant 3 : i32
        %parallel_loop3A_566 = arith.index_cast %rem3A_129 : i32 to index
        %parallel_loop3A_567 = arith.index_cast %parallel_loop3A_197 : i32 to index
        %parallel_loop3A_568 = arith.index_cast %parallel_loop3A_565 : i32 to index
        %parallel_loop3A_569 = arith.constant 80 : index
        %parallel_loop3A_570 = tpu.vector_load %arg12[%parallel_loop3A_566, %parallel_loop3A_567, %parallel_loop3A_568, %parallel_loop3A_569] {strides = array<i32>} : memref<2x16x4x144xf32, #tpu.memory_space<vmem>>, vector<16xf32>,
        tpu.vector_store %arg12[%parallel_loop3A_566, %parallel_loop3A_567, %parallel_loop3A_568, %parallel_loop3A_569], %parallel_loop3A_564 {strides = array<i32>} : memref<2x16x4x144xf32, #tpu.memory_space<vmem>>, vector<16xf32>,
        %parallel_loop3A_571 = arith.constant 96 : i32
        %parallel_loop3A_572 = arith.addi %parallel_loop3A_206, %parallel_loop3A_571 : i32
        %parallel_loop3A_573 = arith.index_cast %parallel_loop3A_572 : i32 to index
        %parallel_loop3A_574 = tpu.vector_load %arg8[%parallel_loop3A_573] {strides = array<i32>} : memref<16416xi32, #tpu.memory_space<vmem>>, vector<16xi32>,
        %parallel_loop3A_575 = arith.constant 96 : i32
        %parallel_loop3A_576 = arith.addi %parallel_loop3A_208, %parallel_loop3A_575 : i32
        %parallel_loop3A_577 = arith.index_cast %parallel_loop3A_576 : i32 to index
        %parallel_loop3A_578 = tpu.vector_load %arg9[%parallel_loop3A_577] {strides = array<i32>} : memref<16656xf32, #tpu.memory_space<vmem>>, vector<16xf32>,
        %parallel_loop3A_579 = arith.constant 32 : i32
        %parallel_loop3A_580 = vector.broadcast %parallel_loop3A_579 : i32 to vector<16xi32>
        %parallel_loop3A_581 = arith.muli %parallel_loop3A_574, %parallel_loop3A_580 : vector<16xi32>
        %parallel_loop3A_582 = arith.constant 0 : i32
        %parallel_loop3A_583 = arith.addi %mul3A_141, %parallel_loop3A_582 : i32
        %parallel_loop3A_584 = vector.broadcast %parallel_loop3A_583 : i32 to vector<16xi32>
        %parallel_loop3A_585 = arith.addi %parallel_loop3A_581, %parallel_loop3A_584 : vector<16xi32>
        %parallel_loop3A_586 = tpu.vector_load_idx %arg7[%parallel_loop3A_585] : memref<16384xf32, #tpu.memory_space<vmem>>[vector<16xi32>], vector<16xf32>,
        %parallel_loop3A_587 = arith.addf %parallel_loop3A_578, %parallel_loop3A_586 : vector<16xf32>
        %parallel_loop3A_588 = arith.constant 0 : i32
        %parallel_loop3A_589 = arith.index_cast %rem3A_129 : i32 to index
        %parallel_loop3A_590 = arith.index_cast %parallel_loop3A_197 : i32 to index
        %parallel_loop3A_591 = arith.index_cast %parallel_loop3A_588 : i32 to index
        %parallel_loop3A_592 = arith.constant 96 : index
        %parallel_loop3A_593 = tpu.vector_load %arg12[%parallel_loop3A_589, %parallel_loop3A_590, %parallel_loop3A_591, %parallel_loop3A_592] {strides = array<i32>} : memref<2x16x4x144xf32, #tpu.memory_space<vmem>>, vector<16xf32>,
        tpu.vector_store %arg12[%parallel_loop3A_589, %parallel_loop3A_590, %parallel_loop3A_591, %parallel_loop3A_592], %parallel_loop3A_587 {strides = array<i32>} : memref<2x16x4x144xf32, #tpu.memory_space<vmem>>, vector<16xf32>,
        %parallel_loop3A_594 = arith.constant 1 : i32
        %parallel_loop3A_595 = arith.addi %mul3A_141, %parallel_loop3A_594 : i32
        %parallel_loop3A_596 = vector.broadcast %parallel_loop3A_595 : i32 to vector<16xi32>
        %parallel_loop3A_597 = arith.addi %parallel_loop3A_581, %parallel_loop3A_596 : vector<16xi32>
        %parallel_loop3A_598 = tpu.vector_load_idx %arg7[%parallel_loop3A_597] : memref<16384xf32, #tpu.memory_space<vmem>>[vector<16xi32>], vector<16xf32>,
        %parallel_loop3A_599 = arith.addf %parallel_loop3A_578, %parallel_loop3A_598 : vector<16xf32>
        %parallel_loop3A_600 = arith.constant 1 : i32
        %parallel_loop3A_601 = arith.index_cast %rem3A_129 : i32 to index
        %parallel_loop3A_602 = arith.index_cast %parallel_loop3A_197 : i32 to index
        %parallel_loop3A_603 = arith.index_cast %parallel_loop3A_600 : i32 to index
        %parallel_loop3A_604 = arith.constant 96 : index
        %parallel_loop3A_605 = tpu.vector_load %arg12[%parallel_loop3A_601, %parallel_loop3A_602, %parallel_loop3A_603, %parallel_loop3A_604] {strides = array<i32>} : memref<2x16x4x144xf32, #tpu.memory_space<vmem>>, vector<16xf32>,
        tpu.vector_store %arg12[%parallel_loop3A_601, %parallel_loop3A_602, %parallel_loop3A_603, %parallel_loop3A_604], %parallel_loop3A_599 {strides = array<i32>} : memref<2x16x4x144xf32, #tpu.memory_space<vmem>>, vector<16xf32>,
        %parallel_loop3A_606 = arith.constant 2 : i32
        %parallel_loop3A_607 = arith.addi %mul3A_141, %parallel_loop3A_606 : i32
        %parallel_loop3A_608 = vector.broadcast %parallel_loop3A_607 : i32 to vector<16xi32>
        %parallel_loop3A_609 = arith.addi %parallel_loop3A_581, %parallel_loop3A_608 : vector<16xi32>
        %parallel_loop3A_610 = tpu.vector_load_idx %arg7[%parallel_loop3A_609] : memref<16384xf32, #tpu.memory_space<vmem>>[vector<16xi32>], vector<16xf32>,
        %parallel_loop3A_611 = arith.addf %parallel_loop3A_578, %parallel_loop3A_610 : vector<16xf32>
        %parallel_loop3A_612 = arith.constant 2 : i32
        %parallel_loop3A_613 = arith.index_cast %rem3A_129 : i32 to index
        %parallel_loop3A_614 = arith.index_cast %parallel_loop3A_197 : i32 to index
        %parallel_loop3A_615 = arith.index_cast %parallel_loop3A_612 : i32 to index
        %parallel_loop3A_616 = arith.constant 96 : index
        %parallel_loop3A_617 = tpu.vector_load %arg12[%parallel_loop3A_613, %parallel_loop3A_614, %parallel_loop3A_615, %parallel_loop3A_616] {strides = array<i32>} : memref<2x16x4x144xf32, #tpu.memory_space<vmem>>, vector<16xf32>,
        tpu.vector_store %arg12[%parallel_loop3A_613, %parallel_loop3A_614, %parallel_loop3A_615, %parallel_loop3A_616], %parallel_loop3A_611 {strides = array<i32>} : memref<2x16x4x144xf32, #tpu.memory_space<vmem>>, vector<16xf32>,
        %parallel_loop3A_618 = arith.constant 3 : i32
        %parallel_loop3A_619 = arith.addi %mul3A_141, %parallel_loop3A_618 : i32
        %parallel_loop3A_620 = vector.broadcast %parallel_loop3A_619 : i32 to vector<16xi32>
        %parallel_loop3A_621 = arith.addi %parallel_loop3A_581, %parallel_loop3A_620 : vector<16xi32>
        %parallel_loop3A_622 = tpu.vector_load_idx %arg7[%parallel_loop3A_621] : memref<16384xf32, #tpu.memory_space<vmem>>[vector<16xi32>], vector<16xf32>,
        %parallel_loop3A_623 = arith.addf %parallel_loop3A_578, %parallel_loop3A_622 : vector<16xf32>
        %parallel_loop3A_624 = arith.constant 3 : i32
        %parallel_loop3A_625 = arith.index_cast %rem3A_129 : i32 to index
        %parallel_loop3A_626 = arith.index_cast %parallel_loop3A_197 : i32 to index
        %parallel_loop3A_627 = arith.index_cast %parallel_loop3A_624 : i32 to index
        %parallel_loop3A_628 = arith.constant 96 : index
        %parallel_loop3A_629 = tpu.vector_load %arg12[%parallel_loop3A_625, %parallel_loop3A_626, %parallel_loop3A_627, %parallel_loop3A_628] {strides = array<i32>} : memref<2x16x4x144xf32, #tpu.memory_space<vmem>>, vector<16xf32>,
        tpu.vector_store %arg12[%parallel_loop3A_625, %parallel_loop3A_626, %parallel_loop3A_627, %parallel_loop3A_628], %parallel_loop3A_623 {strides = array<i32>} : memref<2x16x4x144xf32, #tpu.memory_space<vmem>>, vector<16xf32>,
        %parallel_loop3A_630 = arith.constant 112 : i32
        %parallel_loop3A_631 = arith.addi %parallel_loop3A_206, %parallel_loop3A_630 : i32
        %parallel_loop3A_632 = arith.index_cast %parallel_loop3A_631 : i32 to index
        %parallel_loop3A_633 = tpu.vector_load %arg8[%parallel_loop3A_632] {strides = array<i32>} : memref<16416xi32, #tpu.memory_space<vmem>>, vector<16xi32>,
        %parallel_loop3A_634 = arith.constant 112 : i32
        %parallel_loop3A_635 = arith.addi %parallel_loop3A_208, %parallel_loop3A_634 : i32
        %parallel_loop3A_636 = arith.index_cast %parallel_loop3A_635 : i32 to index
        %parallel_loop3A_637 = tpu.vector_load %arg9[%parallel_loop3A_636] {strides = array<i32>} : memref<16656xf32, #tpu.memory_space<vmem>>, vector<16xf32>,
        %parallel_loop3A_638 = arith.constant 32 : i32
        %parallel_loop3A_639 = vector.broadcast %parallel_loop3A_638 : i32 to vector<16xi32>
        %parallel_loop3A_640 = arith.muli %parallel_loop3A_633, %parallel_loop3A_639 : vector<16xi32>
        %parallel_loop3A_641 = arith.constant 0 : i32
        %parallel_loop3A_642 = arith.addi %mul3A_141, %parallel_loop3A_641 : i32
        %parallel_loop3A_643 = vector.broadcast %parallel_loop3A_642 : i32 to vector<16xi32>
        %parallel_loop3A_644 = arith.addi %parallel_loop3A_640, %parallel_loop3A_643 : vector<16xi32>
        %parallel_loop3A_645 = tpu.vector_load_idx %arg7[%parallel_loop3A_644] : memref<16384xf32, #tpu.memory_space<vmem>>[vector<16xi32>], vector<16xf32>,
        %parallel_loop3A_646 = arith.addf %parallel_loop3A_637, %parallel_loop3A_645 : vector<16xf32>
        %parallel_loop3A_647 = arith.constant 0 : i32
        %parallel_loop3A_648 = arith.index_cast %rem3A_129 : i32 to index
        %parallel_loop3A_649 = arith.index_cast %parallel_loop3A_197 : i32 to index
        %parallel_loop3A_650 = arith.index_cast %parallel_loop3A_647 : i32 to index
        %parallel_loop3A_651 = arith.constant 112 : index
        %parallel_loop3A_652 = tpu.vector_load %arg12[%parallel_loop3A_648, %parallel_loop3A_649, %parallel_loop3A_650, %parallel_loop3A_651] {strides = array<i32>} : memref<2x16x4x144xf32, #tpu.memory_space<vmem>>, vector<16xf32>,
        tpu.vector_store %arg12[%parallel_loop3A_648, %parallel_loop3A_649, %parallel_loop3A_650, %parallel_loop3A_651], %parallel_loop3A_646 {strides = array<i32>} : memref<2x16x4x144xf32, #tpu.memory_space<vmem>>, vector<16xf32>,
        %parallel_loop3A_653 = arith.constant 1 : i32
        %parallel_loop3A_654 = arith.addi %mul3A_141, %parallel_loop3A_653 : i32
        %parallel_loop3A_655 = vector.broadcast %parallel_loop3A_654 : i32 to vector<16xi32>
        %parallel_loop3A_656 = arith.addi %parallel_loop3A_640, %parallel_loop3A_655 : vector<16xi32>
        %parallel_loop3A_657 = tpu.vector_load_idx %arg7[%parallel_loop3A_656] : memref<16384xf32, #tpu.memory_space<vmem>>[vector<16xi32>], vector<16xf32>,
        %parallel_loop3A_658 = arith.addf %parallel_loop3A_637, %parallel_loop3A_657 : vector<16xf32>
        %parallel_loop3A_659 = arith.constant 1 : i32
        %parallel_loop3A_660 = arith.index_cast %rem3A_129 : i32 to index
        %parallel_loop3A_661 = arith.index_cast %parallel_loop3A_197 : i32 to index
        %parallel_loop3A_662 = arith.index_cast %parallel_loop3A_659 : i32 to index
        %parallel_loop3A_663 = arith.constant 112 : index
        %parallel_loop3A_664 = tpu.vector_load %arg12[%parallel_loop3A_660, %parallel_loop3A_661, %parallel_loop3A_662, %parallel_loop3A_663] {strides = array<i32>} : memref<2x16x4x144xf32, #tpu.memory_space<vmem>>, vector<16xf32>,
        tpu.vector_store %arg12[%parallel_loop3A_660, %parallel_loop3A_661, %parallel_loop3A_662, %parallel_loop3A_663], %parallel_loop3A_658 {strides = array<i32>} : memref<2x16x4x144xf32, #tpu.memory_space<vmem>>, vector<16xf32>,
        %parallel_loop3A_665 = arith.constant 2 : i32
        %parallel_loop3A_666 = arith.addi %mul3A_141, %parallel_loop3A_665 : i32
        %parallel_loop3A_667 = vector.broadcast %parallel_loop3A_666 : i32 to vector<16xi32>
        %parallel_loop3A_668 = arith.addi %parallel_loop3A_640, %parallel_loop3A_667 : vector<16xi32>
        %parallel_loop3A_669 = tpu.vector_load_idx %arg7[%parallel_loop3A_668] : memref<16384xf32, #tpu.memory_space<vmem>>[vector<16xi32>], vector<16xf32>,
        %parallel_loop3A_670 = arith.addf %parallel_loop3A_637, %parallel_loop3A_669 : vector<16xf32>
        %parallel_loop3A_671 = arith.constant 2 : i32
        %parallel_loop3A_672 = arith.index_cast %rem3A_129 : i32 to index
        %parallel_loop3A_673 = arith.index_cast %parallel_loop3A_197 : i32 to index
        %parallel_loop3A_674 = arith.index_cast %parallel_loop3A_671 : i32 to index
        %parallel_loop3A_675 = arith.constant 112 : index
        %parallel_loop3A_676 = tpu.vector_load %arg12[%parallel_loop3A_672, %parallel_loop3A_673, %parallel_loop3A_674, %parallel_loop3A_675] {strides = array<i32>} : memref<2x16x4x144xf32, #tpu.memory_space<vmem>>, vector<16xf32>,
        tpu.vector_store %arg12[%parallel_loop3A_672, %parallel_loop3A_673, %parallel_loop3A_674, %parallel_loop3A_675], %parallel_loop3A_670 {strides = array<i32>} : memref<2x16x4x144xf32, #tpu.memory_space<vmem>>, vector<16xf32>,
        %parallel_loop3A_677 = arith.constant 3 : i32
        %parallel_loop3A_678 = arith.addi %mul3A_141, %parallel_loop3A_677 : i32
        %parallel_loop3A_679 = vector.broadcast %parallel_loop3A_678 : i32 to vector<16xi32>
        %parallel_loop3A_680 = arith.addi %parallel_loop3A_640, %parallel_loop3A_679 : vector<16xi32>
        %parallel_loop3A_681 = tpu.vector_load_idx %arg7[%parallel_loop3A_680] : memref<16384xf32, #tpu.memory_space<vmem>>[vector<16xi32>], vector<16xf32>,
        %parallel_loop3A_682 = arith.addf %parallel_loop3A_637, %parallel_loop3A_681 : vector<16xf32>
        %parallel_loop3A_683 = arith.constant 3 : i32
        %parallel_loop3A_684 = arith.index_cast %rem3A_129 : i32 to index
        %parallel_loop3A_685 = arith.index_cast %parallel_loop3A_197 : i32 to index
        %parallel_loop3A_686 = arith.index_cast %parallel_loop3A_683 : i32 to index
        %parallel_loop3A_687 = arith.constant 112 : index
        %parallel_loop3A_688 = tpu.vector_load %arg12[%parallel_loop3A_684, %parallel_loop3A_685, %parallel_loop3A_686, %parallel_loop3A_687] {strides = array<i32>} : memref<2x16x4x144xf32, #tpu.memory_space<vmem>>, vector<16xf32>,
        tpu.vector_store %arg12[%parallel_loop3A_684, %parallel_loop3A_685, %parallel_loop3A_686, %parallel_loop3A_687], %parallel_loop3A_682 {strides = array<i32>} : memref<2x16x4x144xf32, #tpu.memory_space<vmem>>, vector<16xf32>,
        %parallel_loop3A_689 = arith.constant 120 : i32
        %parallel_loop3A_690 = arith.addi %parallel_loop3A_206, %parallel_loop3A_689 : i32
        %parallel_loop3A_691 = arith.index_cast %parallel_loop3A_690 : i32 to index
        %parallel_loop3A_692 = tpu.vector_load %arg8[%parallel_loop3A_691] {strides = array<i32>} : memref<16416xi32, #tpu.memory_space<vmem>>, vector<16xi32>,
        %parallel_loop3A_693 = arith.constant 120 : i32
        %parallel_loop3A_694 = arith.addi %parallel_loop3A_208, %parallel_loop3A_693 : i32
        %parallel_loop3A_695 = arith.index_cast %parallel_loop3A_694 : i32 to index
        %parallel_loop3A_696 = tpu.vector_load %arg9[%parallel_loop3A_695] {strides = array<i32>} : memref<16656xf32, #tpu.memory_space<vmem>>, vector<16xf32>,
        %parallel_loop3A_697 = arith.constant 32 : i32
        %parallel_loop3A_698 = vector.broadcast %parallel_loop3A_697 : i32 to vector<16xi32>
        %parallel_loop3A_699 = arith.muli %parallel_loop3A_692, %parallel_loop3A_698 : vector<16xi32>
        %parallel_loop3A_700 = arith.constant 0 : i32
        %parallel_loop3A_701 = arith.addi %mul3A_141, %parallel_loop3A_700 : i32
        %parallel_loop3A_702 = vector.broadcast %parallel_loop3A_701 : i32 to vector<16xi32>
        %parallel_loop3A_703 = arith.addi %parallel_loop3A_699, %parallel_loop3A_702 : vector<16xi32>
        %parallel_loop3A_704 = tpu.vector_load_idx %arg7[%parallel_loop3A_703] : memref<16384xf32, #tpu.memory_space<vmem>>[vector<16xi32>], vector<16xf32>,
        %parallel_loop3A_705 = arith.addf %parallel_loop3A_696, %parallel_loop3A_704 : vector<16xf32>
        %parallel_loop3A_706 = arith.constant 0 : i32
        %parallel_loop3A_707 = arith.index_cast %rem3A_129 : i32 to index
        %parallel_loop3A_708 = arith.index_cast %parallel_loop3A_197 : i32 to index
        %parallel_loop3A_709 = arith.index_cast %parallel_loop3A_706 : i32 to index
        %parallel_loop3A_710 = arith.constant 120 : index
        %parallel_loop3A_711 = tpu.vector_load %arg12[%parallel_loop3A_707, %parallel_loop3A_708, %parallel_loop3A_709, %parallel_loop3A_710] {strides = array<i32>} : memref<2x16x4x144xf32, #tpu.memory_space<vmem>>, vector<16xf32>,
        tpu.vector_store %arg12[%parallel_loop3A_707, %parallel_loop3A_708, %parallel_loop3A_709, %parallel_loop3A_710], %parallel_loop3A_705 {strides = array<i32>} : memref<2x16x4x144xf32, #tpu.memory_space<vmem>>, vector<16xf32>,
        %parallel_loop3A_712 = arith.constant 1 : i32
        %parallel_loop3A_713 = arith.addi %mul3A_141, %parallel_loop3A_712 : i32
        %parallel_loop3A_714 = vector.broadcast %parallel_loop3A_713 : i32 to vector<16xi32>
        %parallel_loop3A_715 = arith.addi %parallel_loop3A_699, %parallel_loop3A_714 : vector<16xi32>
        %parallel_loop3A_716 = tpu.vector_load_idx %arg7[%parallel_loop3A_715] : memref<16384xf32, #tpu.memory_space<vmem>>[vector<16xi32>], vector<16xf32>,
        %parallel_loop3A_717 = arith.addf %parallel_loop3A_696, %parallel_loop3A_716 : vector<16xf32>
        %parallel_loop3A_718 = arith.constant 1 : i32
        %parallel_loop3A_719 = arith.index_cast %rem3A_129 : i32 to index
        %parallel_loop3A_720 = arith.index_cast %parallel_loop3A_197 : i32 to index
        %parallel_loop3A_721 = arith.index_cast %parallel_loop3A_718 : i32 to index
        %parallel_loop3A_722 = arith.constant 120 : index
        %parallel_loop3A_723 = tpu.vector_load %arg12[%parallel_loop3A_719, %parallel_loop3A_720, %parallel_loop3A_721, %parallel_loop3A_722] {strides = array<i32>} : memref<2x16x4x144xf32, #tpu.memory_space<vmem>>, vector<16xf32>,
        tpu.vector_store %arg12[%parallel_loop3A_719, %parallel_loop3A_720, %parallel_loop3A_721, %parallel_loop3A_722], %parallel_loop3A_717 {strides = array<i32>} : memref<2x16x4x144xf32, #tpu.memory_space<vmem>>, vector<16xf32>,
        %parallel_loop3A_724 = arith.constant 2 : i32
        %parallel_loop3A_725 = arith.addi %mul3A_141, %parallel_loop3A_724 : i32
        %parallel_loop3A_726 = vector.broadcast %parallel_loop3A_725 : i32 to vector<16xi32>
        %parallel_loop3A_727 = arith.addi %parallel_loop3A_699, %parallel_loop3A_726 : vector<16xi32>
        %parallel_loop3A_728 = tpu.vector_load_idx %arg7[%parallel_loop3A_727] : memref<16384xf32, #tpu.memory_space<vmem>>[vector<16xi32>], vector<16xf32>,
        %parallel_loop3A_729 = arith.addf %parallel_loop3A_696, %parallel_loop3A_728 : vector<16xf32>
        %parallel_loop3A_730 = arith.constant 2 : i32
        %parallel_loop3A_731 = arith.index_cast %rem3A_129 : i32 to index
        %parallel_loop3A_732 = arith.index_cast %parallel_loop3A_197 : i32 to index
        %parallel_loop3A_733 = arith.index_cast %parallel_loop3A_730 : i32 to index
        %parallel_loop3A_734 = arith.constant 120 : index
        %parallel_loop3A_735 = tpu.vector_load %arg12[%parallel_loop3A_731, %parallel_loop3A_732, %parallel_loop3A_733, %parallel_loop3A_734] {strides = array<i32>} : memref<2x16x4x144xf32, #tpu.memory_space<vmem>>, vector<16xf32>,
        tpu.vector_store %arg12[%parallel_loop3A_731, %parallel_loop3A_732, %parallel_loop3A_733, %parallel_loop3A_734], %parallel_loop3A_729 {strides = array<i32>} : memref<2x16x4x144xf32, #tpu.memory_space<vmem>>, vector<16xf32>,
        %parallel_loop3A_736 = arith.constant 3 : i32
        %parallel_loop3A_737 = arith.addi %mul3A_141, %parallel_loop3A_736 : i32
        %parallel_loop3A_738 = vector.broadcast %parallel_loop3A_737 : i32 to vector<16xi32>
        %parallel_loop3A_739 = arith.addi %parallel_loop3A_699, %parallel_loop3A_738 : vector<16xi32>
        %parallel_loop3A_740 = tpu.vector_load_idx %arg7[%parallel_loop3A_739] : memref<16384xf32, #tpu.memory_space<vmem>>[vector<16xi32>], vector<16xf32>,
        %parallel_loop3A_741 = arith.addf %parallel_loop3A_696, %parallel_loop3A_740 : vector<16xf32>
        %parallel_loop3A_742 = arith.constant 3 : i32
        %parallel_loop3A_743 = arith.index_cast %rem3A_129 : i32 to index
        %parallel_loop3A_744 = arith.index_cast %parallel_loop3A_197 : i32 to index
        %parallel_loop3A_745 = arith.index_cast %parallel_loop3A_742 : i32 to index
        %parallel_loop3A_746 = arith.constant 120 : index
        %parallel_loop3A_747 = tpu.vector_load %arg12[%parallel_loop3A_743, %parallel_loop3A_744, %parallel_loop3A_745, %parallel_loop3A_746] {strides = array<i32>} : memref<2x16x4x144xf32, #tpu.memory_space<vmem>>, vector<16xf32>,
        tpu.vector_store %arg12[%parallel_loop3A_743, %parallel_loop3A_744, %parallel_loop3A_745, %parallel_loop3A_746], %parallel_loop3A_741 {strides = array<i32>} : memref<2x16x4x144xf32, #tpu.memory_space<vmem>>, vector<16xf32>,
      } {sc.loop_unroll_factor = 2 : i64, sc.parallel_access}
      %eq3A_185 = arith.constant 0 : i32
      %eq3A_186 = arith.cmpi eq, %rem3A_129, %eq3A_185 : i32
      %convert_element_type3A_187 = arith.extui %eq3A_186 : i1 to i32
      %cond3A_188 = arith.constant 0 : i32
      %cond3A_189 = arith.constant 0 : i32
      %cond3A_190 = arith.cmpi ne, %convert_element_type3A_187, %cond3A_189 : i32
      scf.if %cond3A_190 {
        %dma_start3A = arith.constant 0 : i32
        %dma_start3A_197 = arith.constant 0 : i32
        %dma_start3A_198 = arith.constant 0 : i32
        %dma_start3A_199 = tpu.memref_slice %arg12[%cond3A_188, %dma_start3A, %dma_start3A_197, %dma_start3A_198] : memref<2x16x4x144xf32, #tpu.memory_space<vmem>> -> memref<1x16x4x136xf32, #tpu.memory_space<vmem>>
        %dma_start3A_200 = tpu.memref_squeeze %dma_start3A_199 : memref<1x16x4x136xf32, #tpu.memory_space<vmem>> -> memref<16x4x136xf32, #tpu.memory_space<vmem>>
        %dma_start3A_201 = arith.constant 0 : i32
        %dma_start3A_202 = tpu.memref_slice %arg6[%add3A_99, %add3A_145, %mul3A_141, %dma_start3A_201] : memref<64x129x32x256xf32, #tpu.memory_space<hbm>> -> memref<1x16x4x136xf32, #tpu.memory_space<hbm>>
        %dma_start3A_203 = tpu.memref_squeeze %dma_start3A_202 : memref<1x16x4x136xf32, #tpu.memory_space<hbm>> -> memref<16x4x136xf32, #tpu.memory_space<hbm>>
        %dma_start3A_204 = arith.constant 0 : i32
        %dma_start3A_205 = tpu.memref_slice %arg6[%add3A_99, %add3A_145, %mul3A_141, %dma_start3A_204] : memref<64x129x32x256xf32, #tpu.memory_space<hbm>> -> memref<1x16x4x136xf32, #tpu.memory_space<hbm>>
        %dma_start3A_206 = tpu.memref_squeeze %dma_start3A_205 : memref<1x16x4x136xf32, #tpu.memory_space<hbm>> -> memref<16x4x136xf32, #tpu.memory_space<hbm>>
        %dma_start3A_207 = arith.constant 0 : i32
        %dma_start3A_208 = arith.constant 0 : i32
        %dma_start3A_209 = arith.constant 0 : i32
        %dma_start3A_210 = tpu.memref_slice %arg12[%cond3A_188, %dma_start3A_207, %dma_start3A_208, %dma_start3A_209] : memref<2x16x4x144xf32, #tpu.memory_space<vmem>> -> memref<1x16x4x136xf32, #tpu.memory_space<vmem>>
        %dma_start3A_211 = tpu.memref_squeeze %dma_start3A_210 : memref<1x16x4x136xf32, #tpu.memory_space<vmem>> -> memref<16x4x136xf32, #tpu.memory_space<vmem>>
        tpu.enqueue_dma source(%dma_start3A_211 : memref<16x4x136xf32, #tpu.memory_space<vmem>>) target(%dma_start3A_206 : memref<16x4x136xf32, #tpu.memory_space<hbm>>) target_semaphore(%arg13 : memref<!tpu.dma_semaphore, #tpu.memory_space<semaphore_mem>>)
      } else {
      }
      %eq3A_191 = arith.constant 1 : i32
      %eq3A_192 = arith.cmpi eq, %rem3A_129, %eq3A_191 : i32
      %convert_element_type3A_193 = arith.extui %eq3A_192 : i1 to i32
      %cond3A_194 = arith.constant 1 : i32
      %cond3A_195 = arith.constant 0 : i32
      %cond3A_196 = arith.cmpi ne, %convert_element_type3A_193, %cond3A_195 : i32
      scf.if %cond3A_196 {
        %dma_start3A = arith.constant 0 : i32
        %dma_start3A_197 = arith.constant 0 : i32
        %dma_start3A_198 = arith.constant 0 : i32
        %dma_start3A_199 = tpu.memref_slice %arg12[%cond3A_194, %dma_start3A, %dma_start3A_197, %dma_start3A_198] : memref<2x16x4x144xf32, #tpu.memory_space<vmem>> -> memref<1x16x4x136xf32, #tpu.memory_space<vmem>>
        %dma_start3A_200 = tpu.memref_squeeze %dma_start3A_199 : memref<1x16x4x136xf32, #tpu.memory_space<vmem>> -> memref<16x4x136xf32, #tpu.memory_space<vmem>>
        %dma_start3A_201 = arith.constant 0 : i32
        %dma_start3A_202 = tpu.memref_slice %arg6[%add3A_99, %add3A_145, %mul3A_141, %dma_start3A_201] : memref<64x129x32x256xf32, #tpu.memory_space<hbm>> -> memref<1x16x4x136xf32, #tpu.memory_space<hbm>>
        %dma_start3A_203 = tpu.memref_squeeze %dma_start3A_202 : memref<1x16x4x136xf32, #tpu.memory_space<hbm>> -> memref<16x4x136xf32, #tpu.memory_space<hbm>>
        %dma_start3A_204 = arith.constant 0 : i32
        %dma_start3A_205 = tpu.memref_slice %arg6[%add3A_99, %add3A_145, %mul3A_141, %dma_start3A_204] : memref<64x129x32x256xf32, #tpu.memory_space<hbm>> -> memref<1x16x4x136xf32, #tpu.memory_space<hbm>>
        %dma_start3A_206 = tpu.memref_squeeze %dma_start3A_205 : memref<1x16x4x136xf32, #tpu.memory_space<hbm>> -> memref<16x4x136xf32, #tpu.memory_space<hbm>>
        %dma_start3A_207 = arith.constant 0 : i32
        %dma_start3A_208 = arith.constant 0 : i32
        %dma_start3A_209 = arith.constant 0 : i32
        %dma_start3A_210 = tpu.memref_slice %arg12[%cond3A_194, %dma_start3A_207, %dma_start3A_208, %dma_start3A_209] : memref<2x16x4x144xf32, #tpu.memory_space<vmem>> -> memref<1x16x4x136xf32, #tpu.memory_space<vmem>>
        %dma_start3A_211 = tpu.memref_squeeze %dma_start3A_210 : memref<1x16x4x136xf32, #tpu.memory_space<vmem>> -> memref<16x4x136xf32, #tpu.memory_space<vmem>>
        tpu.enqueue_dma source(%dma_start3A_211 : memref<16x4x136xf32, #tpu.memory_space<vmem>>) target(%dma_start3A_206 : memref<16x4x136xf32, #tpu.memory_space<hbm>>) target_semaphore(%arg14 : memref<!tpu.dma_semaphore, #tpu.memory_space<semaphore_mem>>)
      } else {
      }
    }
    %scan3A_17 = arith.constant 128 : i32
    %mul3A_18 = arith.constant 2 : i32
    %mul3A_19 = arith.muli %add3A, %mul3A_18 : i32
    %add3A_20 = arith.constant 1 : i32
    %add3A_21 = arith.addi %mul3A_19, %add3A_20 : i32
    %dma_wait3A = arith.constant 0 : i32
    %dma_wait3A_22 = arith.constant 0 : i32
    %dma_wait3A_23 = arith.constant 0 : i32
    %dma_wait3A_24 = arith.constant 0 : i32
    %dma_wait3A_25 = tpu.memref_slice %arg12[%dma_wait3A, %dma_wait3A_22, %dma_wait3A_23, %dma_wait3A_24] : memref<2x16x4x144xf32, #tpu.memory_space<vmem>> -> memref<1x16x4x136xf32, #tpu.memory_space<vmem>>
    %dma_wait3A_26 = tpu.memref_squeeze %dma_wait3A_25 : memref<1x16x4x136xf32, #tpu.memory_space<vmem>> -> memref<16x4x136xf32, #tpu.memory_space<vmem>>
    %dma_wait3A_27 = arith.constant 1 : i32
    %dma_wait3A_28 = arith.constant 0 : i32
    %dma_wait3A_29 = arith.constant 0 : i32
    %dma_wait3A_30 = tpu.memref_slice %arg6[%add3A_21, %dma_wait3A_27, %dma_wait3A_28, %dma_wait3A_29] : memref<64x129x32x256xf32, #tpu.memory_space<hbm>> -> memref<1x16x4x136xf32, #tpu.memory_space<hbm>>
    %dma_wait3A_31 = tpu.memref_squeeze %dma_wait3A_30 : memref<1x16x4x136xf32, #tpu.memory_space<hbm>> -> memref<16x4x136xf32, #tpu.memory_space<hbm>>
    %dma_wait3A_32 = arith.constant 1 : i32
    %dma_wait3A_33 = arith.constant 0 : i32
    %dma_wait3A_34 = arith.constant 0 : i32
    %dma_wait3A_35 = tpu.memref_slice %arg6[%add3A_21, %dma_wait3A_32, %dma_wait3A_33, %dma_wait3A_34] : memref<64x129x32x256xf32, #tpu.memory_space<hbm>> -> memref<1x16x4x136xf32, #tpu.memory_space<hbm>>
    %dma_wait3A_36 = tpu.memref_squeeze %dma_wait3A_35 : memref<1x16x4x136xf32, #tpu.memory_space<hbm>> -> memref<16x4x136xf32, #tpu.memory_space<hbm>>
    %dma_wait3A_37 = arith.constant 0 : i32
    %dma_wait3A_38 = arith.constant 0 : i32
    %dma_wait3A_39 = arith.constant 0 : i32
    %dma_wait3A_40 = tpu.memref_slice %arg12[%dma_wait3A, %dma_wait3A_37, %dma_wait3A_38, %dma_wait3A_39] : memref<2x16x4x144xf32, #tpu.memory_space<vmem>> -> memref<1x16x4x136xf32, #tpu.memory_space<vmem>>
    %dma_wait3A_41 = tpu.memref_squeeze %dma_wait3A_40 : memref<1x16x4x136xf32, #tpu.memory_space<vmem>> -> memref<16x4x136xf32, #tpu.memory_space<vmem>>
    tpu.wait_dma2 semaphore(%arg13 : memref<!tpu.dma_semaphore, #tpu.memory_space<semaphore_mem>>) src(%dma_wait3A_41 : memref<16x4x136xf32, #tpu.memory_space<vmem>>) dst(%dma_wait3A_36 : memref<16x4x136xf32, #tpu.memory_space<hbm>>)
    %dma_wait3A_42 = arith.constant 1 : i32
    %dma_wait3A_43 = arith.constant 0 : i32
    %dma_wait3A_44 = arith.constant 0 : i32
    %dma_wait3A_45 = arith.constant 0 : i32
    %dma_wait3A_46 = tpu.memref_slice %arg12[%dma_wait3A_42, %dma_wait3A_43, %dma_wait3A_44, %dma_wait3A_45] : memref<2x16x4x144xf32, #tpu.memory_space<vmem>> -> memref<1x16x4x136xf32, #tpu.memory_space<vmem>>
    %dma_wait3A_47 = tpu.memref_squeeze %dma_wait3A_46 : memref<1x16x4x136xf32, #tpu.memory_space<vmem>> -> memref<16x4x136xf32, #tpu.memory_space<vmem>>
    %dma_wait3A_48 = arith.constant 1 : i32
    %dma_wait3A_49 = arith.constant 0 : i32
    %dma_wait3A_50 = arith.constant 0 : i32
    %dma_wait3A_51 = tpu.memref_slice %arg6[%add3A_21, %dma_wait3A_48, %dma_wait3A_49, %dma_wait3A_50] : memref<64x129x32x256xf32, #tpu.memory_space<hbm>> -> memref<1x16x4x136xf32, #tpu.memory_space<hbm>>
    %dma_wait3A_52 = tpu.memref_squeeze %dma_wait3A_51 : memref<1x16x4x136xf32, #tpu.memory_space<hbm>> -> memref<16x4x136xf32, #tpu.memory_space<hbm>>
    %dma_wait3A_53 = arith.constant 1 : i32
    %dma_wait3A_54 = arith.constant 0 : i32
    %dma_wait3A_55 = arith.constant 0 : i32
    %dma_wait3A_56 = tpu.memref_slice %arg6[%add3A_21, %dma_wait3A_53, %dma_wait3A_54, %dma_wait3A_55] : memref<64x129x32x256xf32, #tpu.memory_space<hbm>> -> memref<1x16x4x136xf32, #tpu.memory_space<hbm>>
    %dma_wait3A_57 = tpu.memref_squeeze %dma_wait3A_56 : memref<1x16x4x136xf32, #tpu.memory_space<hbm>> -> memref<16x4x136xf32, #tpu.memory_space<hbm>>
    %dma_wait3A_58 = arith.constant 0 : i32
    %dma_wait3A_59 = arith.constant 0 : i32
    %dma_wait3A_60 = arith.constant 0 : i32
    %dma_wait3A_61 = tpu.memref_slice %arg12[%dma_wait3A_42, %dma_wait3A_58, %dma_wait3A_59, %dma_wait3A_60] : memref<2x16x4x144xf32, #tpu.memory_space<vmem>> -> memref<1x16x4x136xf32, #tpu.memory_space<vmem>>
    %dma_wait3A_62 = tpu.memref_squeeze %dma_wait3A_61 : memref<1x16x4x136xf32, #tpu.memory_space<vmem>> -> memref<16x4x136xf32, #tpu.memory_space<vmem>>
    tpu.wait_dma2 semaphore(%arg14 : memref<!tpu.dma_semaphore, #tpu.memory_space<semaphore_mem>>) src(%dma_wait3A_62 : memref<16x4x136xf32, #tpu.memory_space<vmem>>) dst(%dma_wait3A_57 : memref<16x4x136xf32, #tpu.memory_space<hbm>>)
    %dma_wait3A_63 = arith.constant 0 : i32
    %dma_wait3A_64 = arith.constant 0 : i32
    %dma_wait3A_65 = arith.constant 0 : i32
    %dma_wait3A_66 = tpu.memref_slice %arg11[%dma_wait3A_64, %dma_wait3A_65] : memref<32x144xf32, #tpu.memory_space<vmem>> -> memref<32x136xf32, #tpu.memory_space<vmem>>
    %dma_wait3A_67 = arith.constant 0 : i32
    %dma_wait3A_68 = arith.constant 0 : i32
    %dma_wait3A_69 = tpu.memref_slice %arg6[%add3A_21, %dma_wait3A_63, %dma_wait3A_67, %dma_wait3A_68] : memref<64x129x32x256xf32, #tpu.memory_space<hbm>> -> memref<1x1x32x136xf32, #tpu.memory_space<hbm>>
    %dma_wait3A_70 = tpu.memref_squeeze %dma_wait3A_69 : memref<1x1x32x136xf32, #tpu.memory_space<hbm>> -> memref<32x136xf32, #tpu.memory_space<hbm>>
    %dma_wait3A_71 = arith.constant 0 : i32
    %dma_wait3A_72 = arith.constant 0 : i32
    %dma_wait3A_73 = tpu.memref_slice %arg6[%add3A_21, %dma_wait3A_63, %dma_wait3A_71, %dma_wait3A_72] : memref<64x129x32x256xf32, #tpu.memory_space<hbm>> -> memref<1x1x32x136xf32, #tpu.memory_space<hbm>>
    %dma_wait3A_74 = tpu.memref_squeeze %dma_wait3A_73 : memref<1x1x32x136xf32, #tpu.memory_space<hbm>> -> memref<32x136xf32, #tpu.memory_space<hbm>>
    %dma_wait3A_75 = arith.constant 0 : i32
    %dma_wait3A_76 = arith.constant 0 : i32
    %dma_wait3A_77 = tpu.memref_slice %arg11[%dma_wait3A_75, %dma_wait3A_76] : memref<32x144xf32, #tpu.memory_space<vmem>> -> memref<32x136xf32, #tpu.memory_space<vmem>>
    tpu.wait_dma2 semaphore(%arg15 : memref<!tpu.dma_semaphore, #tpu.memory_space<semaphore_mem>>) src(%dma_wait3A_77 : memref<32x136xf32, #tpu.memory_space<vmem>>) dst(%dma_wait3A_74 : memref<32x136xf32, #tpu.memory_space<hbm>>)
    return
  }
}

</mosaic_0001>

<sc_bundles>
// kernel: kernel.3.cloned.1.call-start
scs
__scs_entry_jumppad:
0x0: {  	(pc) =	sbr.rel $0x88, $3  }
0x1: {  	(tag) =	ssettag $0x0;
	lr =	simm.s32 $0x1  }
0x2: {  	[smem:$0x3F9D] =	sst lr;
	_ =	strace $0xD0000000  }
0x3: {  	_ = 	snop  }
0x4: {  	_ = 	snop  }
0x5: {  	_ = 	snop  }
0x6: {  	_ = 	snop  }
0x7: {  	_ = 	snop  }
__scs_overlays_trampoline_lowered:
0x8: {  	[smem:$0x3FAC] =	sst s0  }
0x9: {  	[smem:$0x3FAD] =	sst s1  }
0xa: {  	[smem:$0x3FAE] =	sst s2  }
0xb: {  	[smem:$0x3FAF] =	sst s3  }
0xc: {  	[smem:$0x3FB0] =	sst s4  }
0xd: {  	[smem:$0x3FB1] =	sst s5  }
0xe: {  	[smem:$0x3FB2] =	sst s6  }
0xf: {  	[smem:$0x3FB3] =	sst s7  }
0x10: {  	[smem:$0x3FB4] =	sst s8  }
0x11: {  	[smem:$0x3FB5] =	sst s9;
	s0 =	simm.s32 @!p0 $0x0  }
0x12: {  	s1 =	sld [smem:$0x3F9B];
	s0 =	simm.s32 @p0 $0x1  }
0x13: {  	[smem:$0x3FB6] =	sst s0;
	s0 =	simm.s32 @!p1 $0x0  }
0x14: {  	s2 =	sld [smem:$0x3F9A];
	s0 =	simm.s32 @p1 $0x1  }
0x15: {  	[smem:$0x3FB7] =	sst s0;
	s0 =	simm.s32 @!p2 $0x0  }
0x16: {  	s3 =	sld [smem:$0x3FDB];
	s0 =	simm.s32 @p2 $0x1  }
0x17: {  	s4 =	simm.s32 $0x1BF5;
	[smem:$0x3FB9] =	sst s0  }
0x18: {  	s0 =	sld [smem:$0x3F9C];
	_ =	swait.ge [sflag:s4], $0x0  }
0x19: {  	s7 =	sld [smem:$0x3F9D]  }
0x1a: {  	s8 =	sadd.s32 $0xFFFFE003, lr  }
0x1b: {  	s9 =	sadd.s32 $0xFFFFFEF7, lr;
	s5 =	simm.s32 $0xFFFFFFFF;
	p2 =	slt.u32 s8, $0xFFFFF086  }
0x1c: {  	p1 =	slt.u32 s9, $0xF7A;
	s5 =	simm.s32 @!p2 $0x0  }
0x1d: {  	s5 =	simm.s32 @p1 $0x1;
	p0 =	seq.s32 s7, s2  }
0x1e: {  	s7 =	smul.u32 @!p0 $0xF7A, s2;
	p2 =	seq.s32 @!p0 s5, $0x0  }
0x1f: {  	s9 =	smul.u32 $0xF7A, s1;
	s8 =	simm.s32 @!p0 $0x1BF5;
	p2 =	por !p2, p0  }
0x20: {  	[sflag:s8] =	ssyncset.s32 @!p0 $0xFFFFF086;
	s6 =	sadd.s32 @!p0 s3, s7;
	s7 =	simm.s32 @!p0 $0x108  }
0x21: {  	s3 =	sadd.s32 s3, s9;
	s6 =	sadd.s32 @!p0 $0x88, s6;
	s7 =	simm.s32 @p2 $0x1082  }
0x22: {  	[simem:s7], [sflag:s8] =	dma.local @!p0 [hbm:s6], $0xF7A  }
0x23: {  	s9 =	sor.u32 $0xD0000000, s2;
	s6 =	simm.s32 $0x108;
	_ =	swait.ge @!p0 [sflag:s8], $0x0  }
0x24: {  	s3 =	sadd.s32 $0x88, s3;
	s6 =	simm.s32 @!p1 $0x1082;
	[sflag:s4] =	ssyncset.s32 $0xFFFFF086  }
0x25: {  	[simem:s6], [sflag:s4] =	dma.local [hbm:s3], $0xF7A  }
0x26: {  	[smem:$0x3F9D] =	sst s1;
	(tag) =	ssettag s2;
	_ =	strace s9  }
0x27: {  	s1 =	sld [smem:$0x3FAD]  }
0x28: {  	s2 =	sld [smem:$0x3FAE]  }
0x29: {  	s4 =	sld [smem:$0x3FB0]  }
0x2a: {  	p0 =	seq.s32 s5, $0x0;
	s5 =	sld [smem:$0x3FB1]  }
0x2b: {  	s6 =	sld [smem:$0x3FB2]  }
0x2c: {  	s7 =	sld [smem:$0x3FB3]  }
0x2d: {  	s3 =	simm.s32 $0x108;
	s8 =	sld [smem:$0x3FB4]  }
0x2e: {  	s3 =	simm.s32 @!p0 $0x1082;
	s9 =	sld [smem:$0x3FB5]  }
0x2f: {  	lr =	sadd.s32 s0, s3;
	s0 =	sld [smem:$0x3FAC]  }
0x30: {  	s3 =	sld [smem:$0x3FAF]  }
0x31: {  	[smem:$0x3FB8] =	sst s10  }
0x32: {  	s10 =	sld [smem:$0x3FB6];
	_ =	sdelay $0x3  }
0x33: {  	p0 =	seq.s32 s10, $0x1;
	s10 =	sld [smem:$0x3FB8];
	_ =	sdelay $0x3  }
0x34: {  	[smem:$0x3FB8] =	sst s10  }
0x35: {  	s10 =	sld [smem:$0x3FB7];
	_ =	sdelay $0x3  }
0x36: {  	p1 =	seq.s32 s10, $0x1;
	s10 =	sld [smem:$0x3FB8];
	_ =	sdelay $0x3  }
0x37: {  	[smem:$0x3FB8] =	sst s10  }
0x38: {  	s10 =	sld [smem:$0x3FB9]  }
0x39: {  	_ = 	snop;
	(pc) =	sbr.ind lr, $3  }
0x3a: {  	_ = 	snop  }
0x3b: {  	_ = 	snop  }
0x3c: {  	p2 =	seq.s32 s10, $0x1;
	s10 =	sld [smem:$0x3FB8]  }
0x3d: {  	_ =	shalt  }
0x3e: {  	_ =	shalt  }
0x3f: {  	_ =	shalt  }
0x40: {  	_ =	shalt  }
0x41: {  	_ =	shalt  }
0x42: {  	_ =	shalt  }
0x43: {  	_ =	shalt  }
0x44: {  	_ =	shalt  }
0x45: {  	_ =	shalt  }
0x46: {  	_ =	shalt  }
0x47: {  	_ =	shalt  }
0x48: {  	_ =	shalt  }
0x49: {  	_ =	shalt  }
0x4a: {  	_ =	shalt  }
0x4b: {  	_ =	shalt  }
0x4c: {  	_ =	shalt  }
0x4d: {  	_ =	shalt  }
0x4e: {  	_ =	shalt  }
0x4f: {  	_ =	shalt  }
0x50: {  	_ =	shalt  }
0x51: {  	_ =	shalt  }
0x52: {  	_ =	shalt  }
0x53: {  	_ =	shalt  }
0x54: {  	_ =	shalt  }
0x55: {  	_ =	shalt  }
0x56: {  	_ =	shalt  }
0x57: {  	_ =	shalt  }
0x58: {  	_ =	shalt  }
0x59: {  	_ =	shalt  }
0x5a: {  	_ =	shalt  }
0x5b: {  	_ =	shalt  }
0x5c: {  	_ =	shalt  }
0x5d: {  	_ =	shalt  }
0x5e: {  	_ =	shalt  }
0x5f: {  	_ =	shalt  }
0x60: {  	_ =	shalt  }
0x61: {  	_ =	shalt  }
0x62: {  	_ =	shalt  }
0x63: {  	_ =	shalt  }
0x64: {  	_ =	shalt  }
0x65: {  	_ =	shalt  }
0x66: {  	_ =	shalt  }
0x67: {  	_ =	shalt  }
0x68: {  	_ =	shalt  }
0x69: {  	_ =	shalt  }
0x6a: {  	_ =	shalt  }
0x6b: {  	_ =	shalt  }
0x6c: {  	_ =	shalt  }
0x6d: {  	_ =	shalt  }
0x6e: {  	_ =	shalt  }
0x6f: {  	_ =	shalt  }
0x70: {  	_ =	shalt  }
0x71: {  	_ =	shalt  }
0x72: {  	_ =	shalt  }
0x73: {  	_ =	shalt  }
0x74: {  	_ =	shalt  }
0x75: {  	_ =	shalt  }
0x76: {  	_ =	shalt  }
0x77: {  	_ =	shalt  }
0x78: {  	_ =	shalt  }
0x79: {  	_ =	shalt  }
0x7a: {  	_ =	shalt  }
0x7b: {  	_ =	shalt  }
0x7c: {  	_ =	shalt  }
0x7d: {  	_ =	shalt  }
0x7e: {  	_ =	shalt  }
0x7f: {  	_ =	shalt  }
0x80: {  	_ =	shalt  }
0x81: {  	_ =	shalt  }
0x82: {  	_ =	shalt  }
0x83: {  	_ =	shalt  }
0x84: {  	_ =	shalt  }
0x85: {  	_ =	shalt  }
0x86: {  	_ =	shalt  }
0x87: {  	_ =	shalt  }
.Lfunc_end0:
.L_simem_size_0:
called_computation_lowered:
.L_overlay_start_0:
0x88: {  	s2 =	sld [smem:$0x3FD9]  }
0x89: {  	s3 =	sld [smem:$0x3FFE];
	_ =	sdelay $0x1  }
0x8a: {  	s1 =	srdreg.scid  }
0x8b: {  	s0 =	sand.u32 $0x1, s1  }
0x8c: {  	s17 =	sshll.u32 s0, $0xA;
	s2 =	sadd.s32 s3, s2  }
0x8d: {  	s2 =	sadd.s32 s2, s17  }
0x8e: {  	[smem:$0x3FC4] =	sst s2  }
0x8f: {  	_ = 	snop  }
0x90: {  	s2 =	sld [smem:$0x3FC8]  }
0x91: {  	s18 =	sld [smem:$0x3FC6]  }
0x92: {  	s4 =	sld [smem:$0x3FD0];
	(tm) =	ssettm $0x1  }
0x93: {  	s5 =	sld [smem:$0x3FFB];
	_ =	sdelay $0x3  }
0x94: {  	_ =	strace s5  }
0x95: {  	s5 =	sld [smem:$0x3FFC];
	_ =	sdelay $0x3  }
0x96: {  	_ =	strace s5  }
0x97: {  	s5 =	sld [smem:$0x3FFD];
	_ =	sdelay $0x3  }
0x98: {  	_ =	strace s5  }
0x99: {  	_ =	strace $0x8FFFFFFF  }
0x9a: {  	s19 =	sld [smem:$0x3FDB];
	_ =	sdelay $0x1  }
0x9b: {  	s6 =	simm.s32 $_scs_section_size  }
0x9c: {  	s7 =	simm.s32 $_size__tile_overlayer_lowered;
	s8 =	simm.s32 $_tile_overlayer_lowered  }
0x9d: {  	s22 =	simm.s32 $0x1BFF;
	s21 =	sshll.u32 s8, $0x1;
	s5 =	sadd.s32 s6, s19  }
0x9e: {  	s9 =	simm.s32 $0x0;
	s20 =	sshll.u32 s7, $0x1;
	s7 =	sadd.s32 s21, s5  }
0x9f: {  	[timem:s9], [sflag:s22] =	dma.local [hbm:s7], s20  }
0xa0: {  	_ =	swait.ge [sflag:s22], s20  }
0xa1: {  	s6 =	ssub.s32 $0x0, s20;
	[sflag:s22] =	ssyncset.done $0x0  }
0xa2: {  	[sflag:s22] =	ssyncadd.s32 s6;
	_ =	sdelay $0x1  }
0xa3: {  	s23 =	simm.s32 $0x1B8B  }
0xa4: {  	_ =	swait.ge [sflag:s23], $0x1  }
0xa5: {  	[sflag:s23] =	ssyncset.done $0x0  }
0xa6: {  	s25 =	simm.s32 $0x1B8E;
	s24 =	sld [smem:$0x3FFE];
	[sflag:s23] =	ssyncadd.s32 $0xFFFFFFFF  }
0xa7: {  	s26 =	simm.s32 $execute0_lowered;
	[smem:$0x3FD2] =	sst s25  }
0xa8: {  	s7 =	sshll.u32 s26, $0x1;
	_ =	strace $0x80000046;
	[dreg:$0x1] =	wrdreg $0xFFFFFFFF  }
0xa9: {  	s28 =	simm.s32 $_size_execute0_lowered;
	s5 =	sadd.s32 s5, s7;
	[dreg:$0x0] =	wrdreg $0x0  }
0xaa: {  	s7 =	sshll.u32 s28, $0x1;
	[dreg:$0x2] =	wrdreg s5  }
0xab: {  	[dreg:$0x3] =	wrdreg s7  }
0xac: {  	[dreg:$0x4] =	wrdreg $0xC0  }
0xad: {  	_ =	task [dreg:s9], $0x5FFFF  }
0xae: {  	[dreg:$0x1] =	wrdreg $0xFFFFFFFF  }
0xaf: {  	[dreg:$0x0] =	wrdreg $0x60  }
0xb0: {  	[dreg:$0x2] =	wrdreg s4  }
0xb1: {  	[dreg:$0x3] =	wrdreg s2  }
0xb2: {  	[dreg:$0x4] =	wrdreg s24  }
0xb3: {  	[dreg:$0x5] =	wrdreg s18  }
0xb4: {  	[dreg:$0x6] =	wrdreg $0x9  }
0xb5: {  	_ =	task.clear_ibuf [dreg:s9], $0x7FFFF;
	_ =	strace $0x90000046  }
0xb6: {  	s29 =	simm.s32 $0x9;
	_ =	strace $0x80000048  }
0xb7: {  	_ =	swait.ge [sflag:s29], $0x1  }
0xb8: {  	[sflag:s29] =	ssyncadd.s32 $0xFFFFFFFF  }
0xb9: {  	_ =	strace $0x90000048  }
0xba: {  	_ =	sfence  }
0xbb: {  	s30 =	sld [smem:$0x0];
	_ =	sdelay $0x2  }
0xbc: {  	s31 =	sshll.u32 s1, $0xD;
	s1 =	sshrl.u32 s1, $0x2  }
0xbd: {  	s3 =	sand.u32 $0x4000, s31;
	s1 =	sadd.s32 s1, s30  }
0xbe: {  	s0 =	sor.u32 s3, s0;
	s1 =	sshll.u32 s1, $0x11  }
0xbf: {  	s0 =	sor.u32 s1, s0  }
0xc0: {  	s0 =	sadd.s32 $0x8F2B, s0  }
0xc1: {  	[sflag:s0] =	ssyncadd.remote.s32 $0x1  }
0xc2: {  	_ =	sfence.sel $0xFFFF  }
0xc3: {  	[dreg:$0x0] =	wrdreg $0xFFFFFFFF;
	(pc) =	sbr.abs _section_cstart, $3  }
0xc4: {  	[dreg:$0x1] =	wrdreg $0xFFFFFFFF  }
0xc5: {  	_ =	task.clear_ibuf [dreg:s9], $0x2FFFF;
	_ =	strace $0x9FFFFFFF  }
0xc6: {  	(tm) =	ssettm $0x7FFFFFFF  }
0xc7: {  	_ =	shalt  }
tec
execute0_lowered:
.L_overlay_start_1:
0x0: {  	(tag) =	ssettag $0x1  }
0x1: {  	s0 =	rddreg [dreg:$0x2];
	s4 =	simm.s32 $0x0;
	s1 =	srdreg.scid  }
0x2: {  	s5 =	stileid.u32;
	[smem:$0x7FF] =	sst s4;
	s1 =	sand.u32 $0x1, s1  }
0x3: {  	s2 =	sadd.s32 $0x400, s0;
	s5 =	sshll.u32 s5, $0x2;
	s0 =	sadd.s32 $0xC00, s0  }
.Ltmp0:
0x4: {  	_ =	strace $0x80000047;
	s30 =	ssub.s32 $0x2, s1;
	(pc) =	sbr.rel .LBB2_1-.Ltmp0, $4  }
0x5: {  	[dreg:$0x5] =	wrdreg s2;
	s1 =	sshll.u32 s1, $0x1;
	s3 =	sshrl.u32 s30, $0x1  }
0x6: {  	[dreg:$0x6] =	wrdreg s0;
	s1 =	sor.u32 s1, s5;
	s31 =	ssub.s32 s30, s3  }
0x7: {  	v1 =	vimm.f32 $0.0e+00;
	vm0 =	vcmask $0x300;
	v2 =	vimm.f32 $1.000000000e+00;
	[dreg:$0x7] =	wrdreg s1;
	s0 =	smax.u32 s31, $0x1  }
0x8: {  	s11 =	simm.s32 $0xC130;
	v0 =	vimm.s32 $0x0;
	v1 =	vsel vm0, $0x3F800000, v1;
	v2 =	vsel vm0, $0x0, v2;
	s2 =	simm.s32 $0x0;
	[dreg:$0x8] =	wrdreg s0  }
.LBB2_23:
0x9: {  	s0 =	simm.s32 $0x1  }
0xa: {  	_ =	swait.ge [sflag:s0], $0x2200  }
0xb: {  	[sflag:s0] =	ssyncset.done $0x0  }
0xc: {  	s30 =	simm.s32 $0x2;
	[sflag:s0] =	ssyncadd.s32 $0xFFFFDE00  }
0xd: {  	_ =	swait.ge [sflag:s30], $0x2200  }
0xe: {  	[sflag:s30] =	ssyncset.done $0x0  }
0xf: {  	s1 =	simm.s32 $0x3;
	[sflag:s30] =	ssyncadd.s32 $0xFFFFDE00  }
0x10: {  	_ =	swait.ge [sflag:s1], $0x1100  }
0x11: {  	s2 =	rddreg [dreg:$0x9]  }
0x12: {  	s31 =	rddreg [dreg:$0x8];
	s2 =	sadd.s32 $0x1, s2  }
0x13: {  	p0 =	sne.s32 s2, s31  }
.Ltmp1:
0x14: {  	_ = 	snop;
	(pc) =	sbr.rel @!p0 .LBB2_24-.Ltmp1, $3  }
0x15: {  	_ =	sdelay $0x1  }
0x16: {  	[sflag:s1] =	ssyncset.done $0x0  }
0x17: {  	[sflag:s1] =	ssyncadd.s32 $0xFFFFEF00  }
.LBB2_1:
0x18: {  	[dreg:$0x9] =	wrdreg s2  }
0x19: {  	s0 =	rddreg [dreg:$0x5];
	s1 =	simm.s32 $0x4  }
0x1a: {  	[tilespmem:s4], [sflag:$0x4] =	stream.linear.gather [hbm4b:s0+s4], $0x4000, $0x38;
	[tilespmem:$0x11B50] =	vst v63  }
0x1b: {  	_ =	swait.ge [sflag:s1], $0x4000  }
0x1c: {  	[sflag:s1] =	ssyncset.done $0x0  }
0x1d: {  	[sflag:s1] =	ssyncadd.s32 $0xFFFFC000  }
.Ltmp2:
0x1e: {  	s31 =	rddreg [dreg:$0x3];
	(pc) =	sbr.rel .LBB2_2-.Ltmp2, $4  }
0x1f: {  	[tilespmem:s11], [sflag:$0x4] =	stream.linear.gather [hbm4b:s31+s4], $0x20, $0x38;
	[tilespmem:$0x11B50] =	vst v63  }
0x20: {  	_ =	swait.ge [sflag:s1], $0x20  }
0x21: {  	p0 =	por $0x0, $0x0;
	[sflag:s1] =	ssyncset.done $0x0  }
0x22: {  	s18 =	simm.s32 $0x0;
	s19 =	simm.s32 $0x0;
	[sflag:s1] =	ssyncadd.s32 $0xFFFFFFE0  }
.LBB2_22:
0x23: {  	s19 =	sadd.s32 $0x1, s19  }
0x24: {  	p1 =	sne.s32 s19, $0x80  }
.Ltmp3:
0x25: {  	_ = 	snop;
	(pc) =	sbr.rel @!p1 .LBB2_23-.Ltmp3, $2  }
0x26: {  	_ =	sdelay $0x2  }
0x27: {  	s18 =	sadd.s32 $0x1, s18;
	p0 =	por !p0, !p0  }
.LBB2_2:
0x28: {  	s0 =	sand.u32 $0x3F, s19;
	p1 =	slt.u32 s19, $0x40  }
0x29: {  	p2 =	sne.s32 @!p1 s0, $0x0  }
0x2a: {  	p1 =	por p1, p2  }
.Ltmp4:
0x2b: {  	_ = 	snop;
	(pc) =	sbr.rel @p1 .LBB2_4-.Ltmp4, $3  }
0x2c: {  	_ =	sdelay $0x1  }
0x2d: {  	s1 =	sshrl.u32 s19, $0x6;
	s2 =	rddreg [dreg:$0x7]  }
0x2e: {  	s20 =	sadd.s32 s2, s1  }
0x2f: {  	s1 =	simm.s32 $0x3  }
0x30: {  	_ =	swait.ge [sflag:s1], $0x1100  }
0x31: {  	[sflag:s1] =	ssyncset.done $0x0  }
0x32: {  	[sflag:s1] =	ssyncadd.s32 $0xFFFFEF00  }
.LBB2_5:
0x33: {  	s1 =	sshll.u32 s20, $0xB;
	s2 =	rddreg [dreg:$0x1]  }
0x34: {  	s28 =	simm.s32 $0x4010;
	s3 =	simm.s32 $0x4;
	s1 =	sadd.s32 s2, s1  }
0x35: {  	[tilespmem:s28], [sflag:$0x4] =	stream.linear.gather [hbm4b:s1+s4], $0x4000, $0x38;
	[tilespmem:$0x11B50] =	vst v63  }
0x36: {  	_ =	swait.ge [sflag:s3], $0x4000  }
0x37: {  	[sflag:s3] =	ssyncset.done $0x0  }
0x38: {  	s29 =	smul.u32 $0x821, s20;
	[sflag:s3] =	ssyncadd.s32 $0xFFFFC000  }
0x39: {  	s30 =	rddreg [dreg:$0x0]  }
0x3a: {  	s31 =	simm.s32 $0x8020;
	s1 =	sadd.s32 s30, s29  }
0x3b: {  	[tilespmem:s31], [sflag:$0x4] =	stream.linear.gather [hbm4b:s1+s4], $0x4101, $0x38;
	[tilespmem:$0x11B50] =	vst v63  }
0x3c: {  	_ =	swait.ge [sflag:s3], $0x4101  }
0x3d: {  	[sflag:s3] =	ssyncset.done $0x0  }
0x3e: {  	[sflag:s3] =	ssyncadd.s32 $0xFFFFBEFF  }
0x3f: {  	[tilespmem:$0x4000] =	vst v0  }
0x40: {  	s2 =	simm.s32 $0x8040;
	[tilespmem:$0x8010] =	vst v0  }
0x41: {  	v3 =	vld [tilespmem:s2+$0xFFFFFFE0]  }
0x42: {  	v5 =	vld [tilespmem:s2+$0x10]  }
0x43: {  	v6 =	vld [tilespmem:s2+$0x0];
	_ =	sdelay $0x1  }
0x44: {  	v7 =	vld [tilespmem:s2+$0xFFFFFFF0]  }
0x45: {  	s1 =	simm.s32 $0x8080;
	v8 =	vadd.f32 v3, v3  }
0x46: {  	v4 =	vld [tilespmem:s1+$0xFFFFFFE0];
	v9 =	vadd.f32 v5, v5  }
0x47: {  	v3 =	vld [tilespmem:s1+$0x10];
	[tilespmem:s2+$0xFFFFFFE0] =	vst v8;
	v8 =	vadd.f32 v6, v6  }
0x48: {  	v5 =	vld [tilespmem:s1+$0x0];
	[tilespmem:s2+$0x10] =	vst v9  }
0x49: {  	s3 =	simm.s32 $0x4;
	v7 =	vadd.f32 v7, v7;
	v6 =	vld [tilespmem:s1+$0xFFFFFFF0];
	[tilespmem:s2+$0x0] =	vst v8  }
.LBB2_6:
0x4a: {  	s3 =	sadd.s32 $0x4, s3  }
0x4b: {  	[tilespmem:s2+$0xFFFFFFF0] =	vst v7;
	s2 =	smov.u32 s1;
	p1 =	slt.u32 s3, $0x40C  }
.Ltmp5:
0x4c: {  	s1 =	sadd.s32 $0x40, s1;
	v7 =	vadd.f32 v4, v4;
	(pc) =	sbr.rel @p1 .LBB2_6-.Ltmp5, $4  }
0x4d: {  	v4 =	vld [tilespmem:s1+$0xFFFFFFE0];
	v8 =	vadd.f32 v3, v3  }
0x4e: {  	v3 =	vld [tilespmem:s1+$0x10];
	[tilespmem:s2+$0xFFFFFFE0] =	vst v7;
	v9 =	vadd.f32 v5, v5  }
0x4f: {  	v5 =	vld [tilespmem:s1+$0x0];
	v7 =	vadd.f32 v6, v6;
	[tilespmem:s2+$0x10] =	vst v8  }
0x50: {  	v6 =	vld [tilespmem:s1+$0xFFFFFFF0];
	[tilespmem:s2+$0x0] =	vst v9  }
0x51: {  	_ = 	snop  }
0x52: {  	v4 =	vadd.f32 v4, v4  }
0x53: {  	[tilespmem:s2+$0xFFFFFFF0] =	vst v7;
	v3 =	vadd.f32 v3, v3  }
0x54: {  	[tilespmem:s1+$0xFFFFFFE0] =	vst v4;
	v4 =	vadd.f32 v5, v5  }
0x55: {  	v5 =	vadd.f32 v6, v6;
	[tilespmem:s1+$0x10] =	vst v3  }
0x56: {  	[tilespmem:s1+$0x0] =	vst v4  }
0x57: {  	s22 =	simm.s32 $0x0;
	[tilespmem:s1+$0xFFFFFFF0] =	vst v5  }
0x58: {  	v4 =	vmov s22;
	v3 =	vld [tilespmem:$0xC120]  }
0x59: {  	v4 =	vand.u32 $0xFFFFFFFE, v4  }
0x5a: {  	v4 =	vbroadcast v4, $0x0;
	_ =	sdelay $0x2  }
0x5b: {  	v3 =	vadd.f32 v3, v3;
	_ =	sdelay $0x1  }
0x5c: {  	[tilespmem:$0xC120] =	vst v3;
	v3 =	vld [tilespmem:$0x8020]  }
0x5d: {  	s23 =	simm.s32 $0x1;
	v11 =	vld.idx.msk [tilespmem:v4+s11+$0x0], $0xffff  }
0x5e: {  	v5 =	vmov s23;
	_ =	sdelay $0x3  }
0x5f: {  	v4 =	vadd.f32 v3, v11  }
0x60: {  	s5 =	simm.s32 $0xC1E0;
	v9 =	vld.idx.msk [tilespmem:v5+s11+$0x0], $0xffff  }
0x61: {  	[tilespmem:s5+$0xFFFFFF70] =	vst v4  }
0x62: {  	s24 =	simm.s32 $0x2;
	v4 =	vld [tilespmem:$0x8030]  }
0x63: {  	v6 =	vmov s24  }
0x64: {  	v6 =	vand.u32 $0xFFFFFFFE, v6  }
0x65: {  	v5 =	vbroadcast v6, $0x0;
	v3 =	vadd.f32 v9, v3;
	_ =	sdelay $0x1  }
0x66: {  	[tilespmem:s5+$0x0] =	vst v3;
	v4 =	vadd.f32 v4, v11  }
0x67: {  	v3 =	vld [tilespmem:$0x8030]  }
0x68: {  	s25 =	simm.s32 $0x3;
	[tilespmem:s5+$0xFFFFFF80] =	vst v4  }
0x69: {  	v6 =	vmov s25;
	v4 =	vld [tilespmem:$0x8040]  }
0x6a: {  	v8 =	vld.idx.msk [tilespmem:v5+s11+$0x0], $0xffff  }
0x6b: {  	v5 =	vld [tilespmem:$0x8020]  }
0x6c: {  	v10 =	vadd.f32 v3, v9;
	_ =	sdelay $0x1  }
0x6d: {  	v3 =	vld.idx.msk [tilespmem:v6+s11+$0x0], $0xffff;
	[tilespmem:s5+$0x10] =	vst v10;
	v4 =	vadd.f32 v4, v11  }
0x6e: {  	v6 =	vld [tilespmem:$0x8040]  }
0x6f: {  	[tilespmem:s5+$0xFFFFFF90] =	vst v4;
	v4 =	vadd.f32 v5, v8  }
0x70: {  	s1 =	simm.s32 $0xC300;
	v7 =	vld [tilespmem:$0x8050]  }
0x71: {  	[tilespmem:s1+$0xFFFFFF70] =	vst v4  }
0x72: {  	v4 =	vld [tilespmem:$0x8030]  }
0x73: {  	v6 =	vadd.f32 v6, v9  }
0x74: {  	s26 =	simm.s32 $0x4;
	v5 =	vadd.f32 v3, v5  }
0x75: {  	v10 =	vmov s26;
	[tilespmem:s5+$0x20] =	vst v6;
	v7 =	vadd.f32 v7, v11  }
0x76: {  	v10 =	vand.u32 $0xFFFFFFFE, v10;
	v6 =	vld [tilespmem:$0x8050];
	[tilespmem:s1+$0x0] =	vst v5  }
0x77: {  	v10 =	vbroadcast v10, $0x0;
	v12 =	vld [tilespmem:$0x8030];
	[tilespmem:s5+$0xFFFFFFA0] =	vst v7;
	v4 =	vadd.f32 v4, v8  }
0x78: {  	v7 =	vld [tilespmem:$0x8060]  }
0x79: {  	[tilespmem:s1+$0xFFFFFF80] =	vst v4  }
0x7a: {  	s28 =	simm.s32 $0x5;
	v4 =	vld [tilespmem:$0x8040]  }
0x7b: {  	v13 =	vmov s28;
	v6 =	vadd.f32 v6, v9  }
0x7c: {  	v12 =	vadd.f32 v12, v3  }
0x7d: {  	v5 =	vld.idx.msk [tilespmem:v10+s11+$0x0], $0xffff;
	[tilespmem:s5+$0x30] =	vst v6;
	v7 =	vadd.f32 v7, v11  }
0x7e: {  	v10 =	vld [tilespmem:$0x8020];
	[tilespmem:s1+$0x10] =	vst v12  }
0x7f: {  	v6 =	vld [tilespmem:$0x8040];
	[tilespmem:s5+$0xFFFFFFB0] =	vst v7;
	v7 =	vadd.f32 v4, v8  }
0x80: {  	v4 =	vld.idx.msk [tilespmem:v13+s11+$0x0], $0xffff  }
0x81: {  	v14 =	vld [tilespmem:$0x8070];
	[tilespmem:s1+$0xFFFFFF90] =	vst v7  }
0x82: {  	v12 =	vld [tilespmem:$0x8050]  }
0x83: {  	v13 =	vld [tilespmem:$0x8060];
	v7 =	vadd.f32 v10, v5  }
0x84: {  	s2 =	simm.s32 $0xC420  }
0x85: {  	[tilespmem:s2+$0xFFFFFF70] =	vst v7;
	v10 =	vadd.f32 v4, v10  }
0x86: {  	s3 =	simm.s32 $0x6;
	v7 =	vadd.f32 v14, v11;
	v14 =	vld [tilespmem:$0x8030]  }
0x87: {  	v15 =	vmov s3;
	[tilespmem:s2+$0x0] =	vst v10;
	v12 =	vadd.f32 v12, v8  }
0x88: {  	v6 =	vadd.f32 v6, v3;
	v10 =	vadd.f32 v13, v9;
	[tilespmem:s5+$0xFFFFFFC0] =	vst v7;
	v7 =	vand.u32 $0xFFFFFFFE, v15;
	v13 =	vld [tilespmem:$0x8030]  }
0x89: {  	v15 =	vld [tilespmem:$0x8080];
	v7 =	vbroadcast v7, $0x0;
	[tilespmem:s1+$0xFFFFFFA0] =	vst v12  }
0x8a: {  	s29 =	simm.s32 $0x7;
	[tilespmem:s1+$0x20] =	vst v6;
	v12 =	vld [tilespmem:$0x8060]  }
0x8b: {  	[tilespmem:s5+$0x40] =	vst v10;
	v10 =	vmov s29;
	v6 =	vadd.f32 v14, v5;
	v14 =	vld [tilespmem:$0x8050]  }
0x8c: {  	v18 =	vld [tilespmem:$0x8020]  }
0x8d: {  	v16 =	vld [tilespmem:$0x8070];
	[tilespmem:s2+$0xFFFFFF80] =	vst v6;
	v13 =	vadd.f32 v13, v4  }
0x8e: {  	v15 =	vadd.f32 v15, v11;
	v17 =	vld [tilespmem:$0x8040]  }
0x8f: {  	v6 =	vld.idx.msk [tilespmem:v7+s11+$0x0], $0xffff;
	[tilespmem:s2+$0x10] =	vst v13;
	v12 =	vadd.f32 v12, v8  }
0x90: {  	v7 =	vld.idx.msk [tilespmem:v10+s11+$0x0], $0xffff;
	[tilespmem:s5+$0xFFFFFFD0] =	vst v15;
	v10 =	vadd.f32 v14, v3  }
0x91: {  	v15 =	vld [tilespmem:$0x8090];
	[tilespmem:s1+$0xFFFFFFB0] =	vst v12  }
0x92: {  	v14 =	vadd.f32 v16, v9;
	[tilespmem:s1+$0x30] =	vst v10;
	v10 =	vld [tilespmem:$0x8040]  }
0x93: {  	v12 =	vadd.f32 v17, v5;
	v13 =	vld [tilespmem:$0x8070]  }
0x94: {  	[tilespmem:s5+$0x50] =	vst v14;
	v14 =	vadd.f32 v18, v6  }
0x95: {  	s3 =	simm.s32 $0xC540;
	v17 =	vld [tilespmem:$0x8080];
	v18 =	vadd.f32 v7, v18;
	[tilespmem:s2+$0xFFFFFF90] =	vst v12  }
0x96: {  	v12 =	vadd.f32 v15, v11;
	v15 =	vld [tilespmem:$0x8050];
	[tilespmem:s3+$0xFFFFFF70] =	vst v14  }
0x97: {  	v16 =	vld [tilespmem:$0x8060];
	[tilespmem:s3+$0x0] =	vst v18;
	v10 =	vadd.f32 v10, v4  }
0x98: {  	v14 =	vld [tilespmem:$0x8030];
	[tilespmem:s5+$0xFFFFFFE0] =	vst v12;
	v12 =	vadd.f32 v13, v8  }
0x99: {  	s6 =	simm.s32 $0x8;
	v19 =	vld [tilespmem:$0x8030];
	[tilespmem:s2+$0x20] =	vst v10  }
0x9a: {  	s30 =	simm.s32 $0x9;
	v18 =	vmov s6;
	v13 =	vld [tilespmem:$0x80A0];
	v10 =	vadd.f32 v17, v9;
	[tilespmem:s1+$0xFFFFFFC0] =	vst v12  }
0x9b: {  	v12 =	vand.u32 $0xFFFFFFFE, v18;
	v18 =	vmov s30;
	v15 =	vadd.f32 v15, v5;
	v20 =	vld [tilespmem:$0x8080]  }
0x9c: {  	v16 =	vadd.f32 v16, v3;
	v17 =	vld [tilespmem:$0x8050];
	v12 =	vbroadcast v12, $0x0;
	[tilespmem:s5+$0x60] =	vst v10  }
0x9d: {  	v21 =	vld [tilespmem:$0x8090];
	[tilespmem:s2+$0xFFFFFFA0] =	vst v15  }
0x9e: {  	[tilespmem:s1+$0x40] =	vst v16;
	v14 =	vadd.f32 v14, v6;
	v16 =	vld [tilespmem:$0x8060]  }
0x9f: {  	v15 =	vld [tilespmem:$0x8070]  }
0xa0: {  	[tilespmem:s3+$0xFFFFFF80] =	vst v14;
	v10 =	vld.idx.msk [tilespmem:v18+s11+$0x0], $0xffff;
	v14 =	vadd.f32 v20, v8  }
0xa1: {  	v13 =	vadd.f32 v13, v11;
	v18 =	vld [tilespmem:$0x8040]  }
0xa2: {  	v19 =	vadd.f32 v19, v7;
	v11 =	vld.idx.msk [tilespmem:v12+s11+$0x0], $0xffff;
	[tilespmem:s1+$0xFFFFFFD0] =	vst v14  }
0xa3: {  	[tilespmem:s5+$0xFFFFFFF0] =	vst v13;
	v12 =	vadd.f32 v16, v5;
	v13 =	vld [tilespmem:$0x8090]  }
0xa4: {  	[tilespmem:s3+$0x10] =	vst v19;
	v14 =	vadd.f32 v17, v4;
	v16 =	vld [tilespmem:$0x8020]  }
0xa5: {  	v19 =	vld [tilespmem:$0x8040];
	v15 =	vadd.f32 v15, v3;
	[tilespmem:s2+$0xFFFFFFB0] =	vst v12  }
0xa6: {  	[tilespmem:s2+$0x30] =	vst v14;
	v12 =	vadd.f32 v18, v6;
	v14 =	vld [tilespmem:$0x8070]  }
0xa7: {  	[tilespmem:s1+$0x50] =	vst v15;
	v15 =	vadd.f32 v21, v9;
	v18 =	vld [tilespmem:$0x8060]  }
0xa8: {  	[tilespmem:s3+$0xFFFFFF90] =	vst v12;
	v12 =	vadd.f32 v13, v8;
	v13 =	vld [tilespmem:$0x8080]  }
0xa9: {  	[tilespmem:s5+$0x70] =	vst v15;
	v15 =	vadd.f32 v16, v11;
	v20 =	vld [tilespmem:$0x8050]  }
0xaa: {  	s6 =	simm.s32 $0xC660;
	v17 =	vld [tilespmem:$0x80A0];
	v16 =	vadd.f32 v10, v16;
	[tilespmem:s1+$0xFFFFFFE0] =	vst v12  }
0xab: {  	[tilespmem:s6+$0xFFFFFF70] =	vst v15;
	v12 =	vadd.f32 v14, v5;
	v14 =	vld [tilespmem:$0x80A0]  }
0xac: {  	s7 =	simm.s32 $0xA;
	v15 =	vadd.f32 v19, v7;
	[tilespmem:s6+$0x0] =	vst v16;
	v19 =	vld [tilespmem:$0x8030]  }
0xad: {  	s31 =	simm.s32 $0xB;
	v22 =	vmov s7;
	v18 =	vadd.f32 v18, v4;
	v21 =	vld [tilespmem:$0x8030];
	[tilespmem:s2+$0xFFFFFFC0] =	vst v12;
	v16 =	vadd.f32 v13, v3  }
0xae: {  	s8 =	simm.s32 $0xC;
	[tilespmem:s3+$0x20] =	vst v15;
	v13 =	vand.u32 $0xFFFFFFFE, v22;
	v12 =	vmov s31;
	v20 =	vadd.f32 v20, v6;
	v15 =	vld [tilespmem:$0x8080]  }
.LBB2_8:
0xaf: {  	p1 =	slt.u32 s8, $0x1E;
	v13 =	vbroadcast v13, $0x0;
	v22 =	vld [tilespmem:$0x8050];
	[tilespmem:s2+$0x40] =	vst v18;
	v17 =	vadd.f32 v17, v9;
	v9 =	vmovc v3;
	v3 =	vmovc v4;
	v4 =	vmov v7  }
0xb0: {  	v7 =	vmovc v10;
	[tilespmem:s3+$0xFFFFFFA0] =	vst v20;
	v18 =	vld [tilespmem:$0x8070];
	v14 =	vadd.f32 v14, v8;
	v8 =	vmovc v5;
	v5 =	vmov v6;
	v6 =	vmov v11  }
0xb1: {  	v11 =	vadd.f32 v19, v6;
	v19 =	vld [tilespmem:$0x8060];
	[tilespmem:s1+$0x60] =	vst v16  }
0xb2: {  	v16 =	vadd.f32 v21, v7;
	[tilespmem:s1+$0xFFFFFFF0] =	vst v14;
	v14 =	vld [tilespmem:$0x8090]  }
0xb3: {  	v10 =	vld.idx.msk [tilespmem:v12+s11+$0x0], $0xffff;
	[tilespmem:s6+$0xFFFFFF80] =	vst v11;
	v12 =	vadd.f32 v15, v8  }
0xb4: {  	v15 =	vld [tilespmem:$0x8040];
	[tilespmem:s6+$0x10] =	vst v16;
	v16 =	vadd.f32 v22, v4  }
0xb5: {  	v11 =	vld.idx.msk [tilespmem:v13+s11+$0x0], $0xffff;
	[tilespmem:s2+$0xFFFFFFD0] =	vst v12;
	v12 =	vadd.f32 v18, v3  }
0xb6: {  	v13 =	vadd.f32 v19, v5;
	[tilespmem:s3+$0x30] =	vst v16;
	v16 =	vld [tilespmem:$0x8090]  }
0xb7: {  	v18 =	vld [tilespmem:$0x8020];
	[tilespmem:s2+$0x50] =	vst v12;
	v12 =	vadd.f32 v14, v9  }
0xb8: {  	v14 =	vld [tilespmem:$0x8040];
	[tilespmem:s3+$0xFFFFFFB0] =	vst v13  }
0xb9: {  	v13 =	vadd.f32 v15, v6;
	v15 =	vld [tilespmem:$0x8070];
	[tilespmem:s1+$0x70] =	vst v12  }
0xba: {  	v12 =	vld [tilespmem:$0x8060];
	[tilespmem:s5+$0x80] =	vst v17;
	s5 =	smov.u32 s1;
	s1 =	smov.u32 s2;
	s2 =	smov.u32 s3  }
0xbb: {  	s3 =	smov.u32 s6;
	[tilespmem:s6+$0xFFFFFF90] =	vst v13;
	v13 =	vadd.f32 v16, v8;
	v16 =	vld [tilespmem:$0x8080]  }
0xbc: {  	v19 =	vadd.f32 v18, v11;
	v18 =	vadd.f32 v10, v18;
	v20 =	vld [tilespmem:$0x8050]  }
.Ltmp6:
0xbd: {  	s6 =	sadd.s32 $0x120, s6;
	v22 =	vadd.f32 v14, v7;
	[tilespmem:s1+$0xFFFFFFE0] =	vst v13;
	v17 =	vld [tilespmem:$0x80A0];
	(pc) =	sbr.rel @p1 .LBB2_8-.Ltmp6, $4  }
0xbe: {  	[tilespmem:s6+$0xFFFFFF70] =	vst v19;
	v13 =	vadd.f32 v15, v5;
	v14 =	vld [tilespmem:$0x80A0]  }
0xbf: {  	v19 =	vld [tilespmem:$0x8030];
	[tilespmem:s6+$0x0] =	vst v18;
	v18 =	vadd.f32 v12, v4  }
0xc0: {  	s7 =	sadd.s32 $0x1, s8;
	v12 =	vmov s8;
	v21 =	vld [tilespmem:$0x8030];
	[tilespmem:s2+$0xFFFFFFC0] =	vst v13;
	v16 =	vadd.f32 v16, v3  }
0xc1: {  	s8 =	sadd.s32 $0x2, s8;
	v13 =	vand.u32 $0xFFFFFFFE, v12;
	v12 =	vmov s7;
	v20 =	vadd.f32 v20, v6;
	[tilespmem:s3+$0x20] =	vst v22;
	v15 =	vld [tilespmem:$0x8080]  }
0xc2: {  	v13 =	vbroadcast v13, $0x0;
	_ =	sdelay $0x4  }
0xc3: {  	v22 =	vld [tilespmem:$0x8020]  }
0xc4: {  	v13 =	vld.idx.msk [tilespmem:v13+s11+$0x0], $0xffff;
	_ =	sdelay $0x2  }
0xc5: {  	v12 =	vld.idx.msk [tilespmem:v12+s11+$0x0], $0xffff;
	_ =	sdelay $0x1  }
0xc6: {  	v23 =	vadd.f32 v22, v13  }
0xc7: {  	s8 =	sadd.s32 $0x120, s6  }
0xc8: {  	[tilespmem:s8+$0xFFFFFF70] =	vst v23  }
0xc9: {  	v22 =	vadd.f32 v12, v22;
	v23 =	vld [tilespmem:$0x8030];
	_ =	sdelay $0x1  }
0xca: {  	[tilespmem:s8+$0x0] =	vst v22  }
0xcb: {  	v21 =	vadd.f32 v21, v10;
	v22 =	vld [tilespmem:$0x8030]  }
0xcc: {  	v19 =	vadd.f32 v19, v11  }
0xcd: {  	[tilespmem:s6+$0x10] =	vst v21;
	v34 =	vadd.f32 v23, v13  }
0xce: {  	[tilespmem:s6+$0xFFFFFF80] =	vst v19;
	v21 =	vld [tilespmem:$0x8040]  }
0xcf: {  	v35 =	vld [tilespmem:$0x8040];
	[tilespmem:s8+$0xFFFFFF80] =	vst v34  }
0xd0: {  	v22 =	vadd.f32 v22, v12;
	v19 =	vld [tilespmem:$0x8040];
	_ =	sdelay $0x1  }
0xd1: {  	v39 =	vld [tilespmem:$0x8050];
	[tilespmem:s8+$0x10] =	vst v22  }
0xd2: {  	v38 =	vadd.f32 v21, v10;
	v22 =	vld [tilespmem:$0x8040]  }
0xd3: {  	[tilespmem:s2+$0x40] =	vst v18;
	v23 =	vadd.f32 v35, v11  }
0xd4: {  	[tilespmem:s6+$0x20] =	vst v38;
	v36 =	vadd.f32 v19, v13  }
0xd5: {  	v42 =	vld [tilespmem:$0x8050];
	[tilespmem:s6+$0xFFFFFF90] =	vst v23  }
0xd6: {  	v44 =	vadd.f32 v39, v7;
	v37 =	vld [tilespmem:$0x8050];
	[tilespmem:s8+$0xFFFFFF90] =	vst v36  }
0xd7: {  	[tilespmem:s1+$0x60] =	vst v16;
	v40 =	vadd.f32 v22, v12;
	v41 =	vld [tilespmem:$0x8050]  }
0xd8: {  	[tilespmem:s3+$0x30] =	vst v44  }
0xd9: {  	v9 =	vadd.f32 v17, v9;
	v48 =	vld [tilespmem:$0x8060];
	[tilespmem:s8+$0x20] =	vst v40  }
0xda: {  	[tilespmem:s3+$0xFFFFFFA0] =	vst v20;
	v47 =	vadd.f32 v42, v10;
	v17 =	vld [tilespmem:$0x8050]  }
0xdb: {  	[tilespmem:s5+$0x80] =	vst v9;
	v9 =	vadd.f32 v37, v11  }
0xdc: {  	v43 =	vld [tilespmem:$0x8060];
	[tilespmem:s6+$0x30] =	vst v47;
	v45 =	vadd.f32 v41, v13  }
0xdd: {  	v8 =	vadd.f32 v14, v8;
	v52 =	vld [tilespmem:$0x8060];
	[tilespmem:s6+$0xFFFFFFA0] =	vst v9  }
0xde: {  	v56 =	vadd.f32 v48, v7;
	v46 =	vld [tilespmem:$0x8060];
	[tilespmem:s8+$0xFFFFFFA0] =	vst v45  }
0xdf: {  	[tilespmem:s1+$0xFFFFFFF0] =	vst v8;
	v49 =	vadd.f32 v17, v12;
	v50 =	vld [tilespmem:$0x8060]  }
0xe0: {  	v54 =	vld [tilespmem:$0x8070];
	v53 =	vadd.f32 v15, v5;
	[tilespmem:s3+$0x40] =	vst v56  }
0xe1: {  	v51 =	vadd.f32 v43, v6;
	v59 =	vld [tilespmem:$0x8070];
	[tilespmem:s8+$0x30] =	vst v49  }
0xe2: {  	[tilespmem:s2+$0xFFFFFFD0] =	vst v53;
	v58 =	vadd.f32 v52, v10;
	v9 =	vld [tilespmem:$0x8060]  }
0xe3: {  	v57 =	vld [tilespmem:$0x8090];
	[tilespmem:s3+$0xFFFFFFB0] =	vst v51;
	v16 =	vadd.f32 v46, v11  }
0xe4: {  	v55 =	vld [tilespmem:$0x8070];
	[tilespmem:s6+$0x40] =	vst v58;
	v14 =	vadd.f32 v50, v13  }
0xe5: {  	v60 =	vadd.f32 v54, v4;
	v17 =	vld [tilespmem:$0x8070];
	[tilespmem:s6+$0xFFFFFFB0] =	vst v16  }
0xe6: {  	v24 =	vadd.f32 v59, v7;
	v16 =	vld [tilespmem:$0x8070];
	[tilespmem:s8+$0xFFFFFFB0] =	vst v14  }
0xe7: {  	[tilespmem:s2+$0x50] =	vst v60;
	v9 =	vadd.f32 v9, v12;
	v61 =	vld [tilespmem:$0x8070]  }
0xe8: {  	v62 =	vadd.f32 v57, v3;
	v25 =	vld [tilespmem:$0x8080];
	[tilespmem:s3+$0x50] =	vst v24  }
0xe9: {  	v8 =	vadd.f32 v55, v6;
	v29 =	vld [tilespmem:$0x8080];
	[tilespmem:s8+$0x40] =	vst v9  }
0xea: {  	[tilespmem:s1+$0x70] =	vst v62;
	v28 =	vadd.f32 v17, v10;
	v63 =	vld [tilespmem:$0x8070]  }
0xeb: {  	v21 =	vld [tilespmem:$0x8090];
	[tilespmem:s3+$0xFFFFFFC0] =	vst v8;
	v22 =	vadd.f32 v16, v11  }
0xec: {  	v23 =	vld [tilespmem:$0x8080];
	[tilespmem:s6+$0x50] =	vst v28;
	v26 =	vadd.f32 v61, v13  }
0xed: {  	v34 =	vadd.f32 v25, v4;
	v33 =	vld [tilespmem:$0x8080];
	[tilespmem:s6+$0xFFFFFFC0] =	vst v22  }
0xee: {  	v39 =	vadd.f32 v29, v7;
	v27 =	vld [tilespmem:$0x8080];
	[tilespmem:s8+$0xFFFFFFC0] =	vst v26  }
0xef: {  	[tilespmem:s2+$0x60] =	vst v34;
	v30 =	vadd.f32 v63, v12;
	v32 =	vld [tilespmem:$0x8080]  }
0xf0: {  	v31 =	vadd.f32 v21, v5;
	v40 =	vld [tilespmem:$0x8090];
	[tilespmem:s3+$0x60] =	vst v39  }
0xf1: {  	v44 =	vld [tilespmem:$0x8090];
	v9 =	vadd.f32 v23, v6;
	[tilespmem:s8+$0x50] =	vst v30  }
0xf2: {  	[tilespmem:s2+$0xFFFFFFE0] =	vst v31;
	v43 =	vadd.f32 v33, v10;
	v35 =	vld [tilespmem:$0x8080]  }
0xf3: {  	v49 =	vld [tilespmem:$0x80A0];
	[tilespmem:s3+$0xFFFFFFD0] =	vst v9;
	v37 =	vadd.f32 v27, v11  }
0xf4: {  	v38 =	vld [tilespmem:$0x8090];
	[tilespmem:s6+$0x60] =	vst v43;
	v41 =	vadd.f32 v32, v13  }
0xf5: {  	v48 =	vadd.f32 v40, v4;
	v16 =	vld [tilespmem:$0x8090];
	[tilespmem:s6+$0xFFFFFFD0] =	vst v37  }
0xf6: {  	v52 =	vadd.f32 v44, v7;
	v42 =	vld [tilespmem:$0x8090];
	[tilespmem:s8+$0xFFFFFFD0] =	vst v41  }
0xf7: {  	[tilespmem:s2+$0x70] =	vst v48;
	v45 =	vadd.f32 v35, v12;
	v47 =	vld [tilespmem:$0x8090]  }
0xf8: {  	v36 =	vld [tilespmem:$0x80A0];
	[tilespmem:s3+$0x70] =	vst v52;
	v3 =	vadd.f32 v49, v3  }
0xf9: {  	v53 =	vld [tilespmem:$0x80A0];
	v8 =	vadd.f32 v38, v6;
	[tilespmem:s8+$0x60] =	vst v45  }
0xfa: {  	[tilespmem:s1+$0x80] =	vst v3;
	v56 =	vadd.f32 v16, v10;
	v9 =	vld [tilespmem:$0x8090]  }
0xfb: {  	v57 =	vld [tilespmem:$0x80A0];
	[tilespmem:s3+$0xFFFFFFE0] =	vst v8;
	v50 =	vadd.f32 v42, v11  }
0xfc: {  	v51 =	vld [tilespmem:$0x80A0];
	[tilespmem:s6+$0x70] =	vst v56;
	v54 =	vadd.f32 v47, v13  }
0xfd: {  	v46 =	vadd.f32 v36, v5;
	v60 =	vld [tilespmem:$0x80A0];
	[tilespmem:s6+$0xFFFFFFE0] =	vst v50  }
0xfe: {  	v3 =	vadd.f32 v53, v4;
	v55 =	vld [tilespmem:$0x80A0];
	[tilespmem:s8+$0xFFFFFFE0] =	vst v54  }
0xff: {  	[tilespmem:s2+$0xFFFFFFF0] =	vst v46;
	v58 =	vadd.f32 v9, v12;
	v59 =	vld [tilespmem:$0x80A0]  }
0x100: {  	[tilespmem:s2+$0x80] =	vst v3;
	v3 =	vadd.f32 v57, v7  }
0x101: {  	v5 =	vadd.f32 v51, v6;
	[tilespmem:s8+$0x70] =	vst v58  }
0x102: {  	[tilespmem:s3+$0x80] =	vst v3;
	v3 =	vadd.f32 v60, v10;
	v61 =	vld [tilespmem:$0x80A0]  }
0x103: {  	[tilespmem:s3+$0xFFFFFFF0] =	vst v5;
	v62 =	vadd.f32 v55, v11  }
0x104: {  	[tilespmem:s6+$0x80] =	vst v3;
	v63 =	vadd.f32 v59, v13  }
0x105: {  	[tilespmem:s6+$0xFFFFFFF0] =	vst v62  }
0x106: {  	s31 =	smul.u32 $0x20400, s20;
	[tilespmem:s8+$0xFFFFFFF0] =	vst v63  }
0x107: {  	v4 =	vadd.f32 v61, v12;
	s2 =	rddreg [dreg:$0x6]  }
0x108: {  	s5 =	simm.s32 $0xC1E0;
	s1 =	sadd.s32 s2, s31  }
0x109: {  	s3 =	simm.s32 $0x20;
	[tilespmem:s8+$0x80] =	vst v4;
	s2 =	simm.s32 $0xC150;
	s6 =	sadd.s32 $0x0, s1  }
.LBB2_10:
0x10a: {  	[hbm4b:s6+s4] =	stream.linear.scatter [tilespmem:s2], [sflag:$0x3], $0x88, $0x38;
	[tilespmem:$0x11B50] =	vst v63  }
0x10b: {  	s6 =	smov.u32 s3;
	s2 =	smov.u32 s5;
	p1 =	sne.s32 s3, $0x3E0  }
.Ltmp7:
0x10c: {  	s3 =	sadd.s32 $0x20, s3;
	(pc) =	sbr.rel @p1 .LBB2_10-.Ltmp7, $2  }
0x10d: {  	_ =	sdelay $0x2  }
0x10e: {  	s5 =	sadd.s32 $0x90, s5;
	s6 =	sadd.s32 s6, s1  }
.Ltmp8:
0x10f: {  	(pc) =	sbr.rel .LBB2_12-.Ltmp8, $2  }
0x110: {  	_ =	sdelay $0x2  }
0x111: {  	[hbm4b:s6+s4] =	stream.linear.scatter [tilespmem:s2], [sflag:$0x3], $0x88, $0x38;
	[tilespmem:$0x11B50] =	vst v63  }
.LBB2_4:
0x112: {  	p1 =	sne.s32 s0, $0x0  }
.Ltmp9:
0x113: {  	_ = 	snop;
	(pc) =	sbr.rel @!p1 .LBB2_5-.Ltmp9, $1  }
0x114: {  	_ =	sdelay $0x3  }
.LBB2_12:
0x115: {  	s21 =	sand.u32 $0x1, s19;
	p2 =	slt.u32 s19, $0x2  }
0x116: {  	p1 =	sne.s32 @!p2 s21, $0x0  }
0x117: {  	p3 =	por p1, p2  }
0x118: {  	s1 =	simm.s32 @!p3 $0x1  }
0x119: {  	p1 =	seq.s32 s21, $0x1;
	_ =	swait.ge @!p3 [sflag:s1], $0x2200  }
0x11a: {  	p2 =	por !p1, p2;
	[sflag:s1] =	ssyncset.done @!p3 $0x0  }
0x11b: {  	s2 =	simm.s32 @!p2 $0x2;
	[sflag:s1] =	ssyncadd.s32 @!p3 $0xFFFFDE00  }
0x11c: {  	s25 =	sand.u32 $0x7, s18;
	_ =	swait.ge @!p2 [sflag:s2], $0x2200  }
0x11d: {  	s3 =	sshll.u32 s25, $0xB;
	[sflag:s2] =	ssyncset.done @!p2 $0x0  }
0x11e: {  	s16 =	sor.u32 $0x4087, s3;
	[sflag:s2] =	ssyncadd.s32 @!p2 $0xFFFFDE00  }
0x11f: {  	v3 =	vld [tilespmem:s16+$0x8];
	_ =	sdelay $0x2  }
0x120: {  	s22 =	sshrl.u32 s0, $0x3  }
0x121: {  	s26 =	sshll.u32 s22, $0x2  }
0x122: {  	v6 =	vmov s26;
	v10 =	vshll.u32 v3, $0x5  }
0x123: {  	v3 =	vor.u32 v6, v10;
	_ =	sdelay $0x2  }
0x124: {  	s5 =	smul.u32 $0x2040, s25;
	_ =	sdelay $0x1  }
0x125: {  	s0 =	sshrl.u32 s5, $0x2;
	v7 =	vld.idx.msk [tilespmem:v3+s4+$0x0], $0xffff  }
0x126: {  	s0 =	sadd.s32 $0x8122, s0;
	v8 =	vld.idx.msk [tilespmem:v6+s11+$0x0], $0xffff  }
0x127: {  	v11 =	vld [tilespmem:s0+$0x0]  }
0x128: {  	s6 =	sor.u32 $0x1, s26  }
0x129: {  	s7 =	sor.u32 $0x2, s26;
	v5 =	vmov s6  }
0x12a: {  	s3 =	simm.s32 $0x1;
	v4 =	vmov s7;
	s2 =	sor.u32 $0x3, s26;
	v9 =	vmul.f32 v2, v7  }
0x12b: {  	s3 =	simm.s32 @!p0 $0x0;
	v3 =	vmov s2;
	v7 =	vmul.f32 v1, v8;
	v8 =	vld [tilespmem:s16+$0xFFFFFF88]  }
0x12c: {  	s8 =	smul.u32 $0x9000, s3;
	v12 =	vor.u32 v5, v10;
	v9 =	vadd.f32 v9, v11;
	_ =	sdelay $0x1  }
0x12d: {  	v13 =	vld.idx.msk [tilespmem:v5+s11+$0x0], $0xffff;
	s2 =	sshrl.u32 s8, $0x2;
	v9 =	vadd.f32 v9, v7  }
0x12e: {  	v14 =	vld.idx.msk [tilespmem:v4+s11+$0x0], $0xffff;
	s23 =	sadd.s32 $0xD590, s2  }
0x12f: {  	v15 =	vld.idx.msk [tilespmem:v3+s11+$0x0], $0xffff;
	v16 =	vshll.u32 v8, $0x5;
	[tilespmem:s23+$0x0] =	vst v9  }
0x130: {  	v9 =	vor.u32 v6, v16;
	v8 =	vld.idx.msk [tilespmem:v12+s4+$0x0], $0xffff;
	_ =	sdelay $0x4  }
0x131: {  	v9 =	vld.idx.msk [tilespmem:v9+s4+$0x0], $0xffff;
	v12 =	vmul.f32 v2, v8;
	_ =	sdelay $0x1  }
0x132: {  	v17 =	vld [tilespmem:s0+$0xFFFFFF7F];
	v8 =	vmul.f32 v1, v13;
	v13 =	vor.u32 v4, v10;
	v12 =	vadd.f32 v12, v11;
	_ =	sdelay $0x1  }
0x133: {  	v12 =	vadd.f32 v12, v8  }
0x134: {  	v9 =	vmul.f32 v2, v9  }
0x135: {  	[tilespmem:s23+$0x90] =	vst v12  }
0x136: {  	v9 =	vadd.f32 v9, v17;
	v12 =	vld.idx.msk [tilespmem:v13+s4+$0x0], $0xffff;
	v13 =	vor.u32 v5, v16;
	_ =	sdelay $0x1  }
0x137: {  	v9 =	vadd.f32 v9, v7;
	_ =	sdelay $0x1  }
0x138: {  	[tilespmem:s23+$0xFFFFFDC0] =	vst v9  }
0x139: {  	v12 =	vmul.f32 v2, v12;
	v13 =	vld.idx.msk [tilespmem:v13+s4+$0x0], $0xffff;
	_ =	sdelay $0x1  }
0x13a: {  	v10 =	vor.u32 v3, v10;
	v9 =	vmul.f32 v1, v14;
	v12 =	vadd.f32 v12, v11;
	_ =	sdelay $0x1  }
0x13b: {  	v12 =	vadd.f32 v12, v9  }
0x13c: {  	v13 =	vmul.f32 v2, v13  }
0x13d: {  	[tilespmem:s23+$0x120] =	vst v12  }
0x13e: {  	v12 =	vor.u32 v4, v16;
	v10 =	vld.idx.msk [tilespmem:v10+s4+$0x0], $0xffff;
	v13 =	vadd.f32 v13, v17;
	_ =	sdelay $0x1  }
0x13f: {  	v13 =	vadd.f32 v13, v8;
	_ =	sdelay $0x1  }
0x140: {  	[tilespmem:s23+$0xFFFFFE50] =	vst v13  }
0x141: {  	v13 =	vmul.f32 v2, v10;
	v12 =	vld.idx.msk [tilespmem:v12+s4+$0x0], $0xffff;
	_ =	sdelay $0x1  }
0x142: {  	v10 =	vmul.f32 v1, v15;
	v11 =	vadd.f32 v13, v11;
	_ =	sdelay $0x1  }
0x143: {  	v11 =	vadd.f32 v11, v10  }
0x144: {  	v12 =	vmul.f32 v2, v12  }
0x145: {  	[tilespmem:s23+$0x1B0] =	vst v11  }
0x146: {  	v13 =	vor.u32 v3, v16;
	v11 =	vld [tilespmem:s16+$0x18];
	v12 =	vadd.f32 v12, v17;
	_ =	sdelay $0x1  }
0x147: {  	v12 =	vadd.f32 v12, v9;
	_ =	sdelay $0x1  }
0x148: {  	[tilespmem:s23+$0xFFFFFEE0] =	vst v12  }
0x149: {  	s1 =	smul.u32 $0x810, s25;
	v11 =	vshll.u32 v11, $0x5;
	v12 =	vld.idx.msk [tilespmem:v13+s4+$0x0], $0xffff  }
0x14a: {  	v13 =	vor.u32 v6, v11  }
0x14b: {  	s9 =	sadd.s32 $0x81, s1  }
0x14c: {  	s1 =	sadd.s32 $0x81, s9  }
0x14d: {  	s1 =	sand.u32 $0x7FFE, s1  }
0x14e: {  	v14 =	vld [tilespmem:s1+$0x8030];
	v12 =	vmul.f32 v2, v12  }
0x14f: {  	v13 =	vld.idx.msk [tilespmem:v13+s4+$0x0], $0xffff  }
0x150: {  	v12 =	vadd.f32 v12, v17;
	_ =	sdelay $0x1  }
0x151: {  	v15 =	vor.u32 v5, v11;
	v12 =	vadd.f32 v12, v10;
	_ =	sdelay $0x1  }
0x152: {  	[tilespmem:s23+$0xFFFFFF70] =	vst v12;
	v12 =	vadd.f32 v13, v14  }
0x153: {  	v13 =	vld [tilespmem:s16+$0xFFFFFF98]  }
0x154: {  	[tilespmem:s23+$0x10] =	vst v12  }
0x155: {  	v12 =	vld.idx.msk [tilespmem:v15+s4+$0x0], $0xffff;
	_ =	sdelay $0x2  }
0x156: {  	v15 =	vor.u32 v4, v11;
	v13 =	vshll.u32 v13, $0x5  }
0x157: {  	v16 =	vor.u32 v6, v13  }
0x158: {  	v12 =	vadd.f32 v12, v14  }
0x159: {  	s12 =	sand.u32 $0x3FFF, s9  }
0x15a: {  	v17 =	vld [tilespmem:s12+$0x8030];
	[tilespmem:s23+$0xA0] =	vst v12  }
0x15b: {  	v12 =	vld.idx.msk [tilespmem:v15+s4+$0x0], $0xffff  }
0x15c: {  	v15 =	vld.idx.msk [tilespmem:v16+s4+$0x0], $0xffff;
	_ =	sdelay $0x2  }
0x15d: {  	v16 =	vor.u32 v5, v13  }
0x15e: {  	v11 =	vor.u32 v3, v11  }
0x15f: {  	v15 =	vadd.f32 v15, v17  }
0x160: {  	v12 =	vadd.f32 v12, v14  }
0x161: {  	[tilespmem:s23+$0xFFFFFDD0] =	vst v15  }
0x162: {  	[tilespmem:s23+$0x130] =	vst v12;
	v12 =	vld.idx.msk [tilespmem:v16+s4+$0x0], $0xffff  }
0x163: {  	v11 =	vld.idx.msk [tilespmem:v11+s4+$0x0], $0xffff;
	_ =	sdelay $0x1  }
0x164: {  	v15 =	vor.u32 v4, v13;
	_ =	sdelay $0x1  }
0x165: {  	v12 =	vadd.f32 v12, v17  }
0x166: {  	s25 =	sadd.s32 $0x100, s16;
	v11 =	vadd.f32 v11, v14  }
0x167: {  	v14 =	vld [tilespmem:s25+$0x8];
	[tilespmem:s23+$0xFFFFFE60] =	vst v12  }
0x168: {  	[tilespmem:s23+$0x1C0] =	vst v11;
	v12 =	vld.idx.msk [tilespmem:v15+s4+$0x0], $0xffff  }
0x169: {  	v11 =	vld [tilespmem:s16+$0x28];
	_ =	sdelay $0x1  }
0x16a: {  	v13 =	vor.u32 v3, v13  }
0x16b: {  	v14 =	vshll.u32 v14, $0x5  }
0x16c: {  	v15 =	vor.u32 v6, v14;
	v12 =	vadd.f32 v12, v17  }
0x16d: {  	v11 =	vshll.u32 v11, $0x5  }
0x16e: {  	v16 =	vor.u32 v6, v11;
	[tilespmem:s23+$0xFFFFFEF0] =	vst v12;
	v12 =	vld [tilespmem:s25+$0xFFFFFF88]  }
0x16f: {  	s0 =	sadd.s32 $0x102, s0;
	v13 =	vld.idx.msk [tilespmem:v13+s4+$0x0], $0xffff  }
0x170: {  	v19 =	vld [tilespmem:s0+$0x0]  }
0x171: {  	v15 =	vld.idx.msk [tilespmem:v15+s4+$0x0], $0xffff  }
0x172: {  	v18 =	vld [tilespmem:s1+$0x8040]  }
0x173: {  	v16 =	vld.idx.msk [tilespmem:v16+s4+$0x0], $0xffff;
	v12 =	vshll.u32 v12, $0x5  }
0x174: {  	v20 =	vor.u32 v6, v12;
	v13 =	vadd.f32 v13, v17;
	_ =	sdelay $0x1  }
0x175: {  	v15 =	vmul.f32 v2, v15;
	[tilespmem:s23+$0xFFFFFF80] =	vst v13;
	v13 =	vor.u32 v5, v11;
	_ =	sdelay $0x1  }
0x176: {  	v21 =	vor.u32 v5, v14;
	v15 =	vadd.f32 v15, v19;
	v16 =	vadd.f32 v16, v18;
	v17 =	vld [tilespmem:s16+$0xFFFFFFA8]  }
0x177: {  	v20 =	vld.idx.msk [tilespmem:v20+s4+$0x0], $0xffff  }
0x178: {  	v22 =	vld [tilespmem:s0+$0xFFFFFF7F];
	v15 =	vadd.f32 v15, v7;
	[tilespmem:s23+$0x20] =	vst v16  }
0x179: {  	s24 =	sadd.s32 $0x480, s23;
	v13 =	vld.idx.msk [tilespmem:v13+s4+$0x0], $0xffff  }
0x17a: {  	[tilespmem:s24+$0x0] =	vst v15  }
0x17b: {  	v16 =	vld.idx.msk [tilespmem:v21+s4+$0x0], $0xffff;
	v15 =	vshll.u32 v17, $0x5  }
0x17c: {  	v17 =	vor.u32 v6, v15;
	v20 =	vmul.f32 v2, v20  }
0x17d: {  	v21 =	vor.u32 v4, v11  }
0x17e: {  	v23 =	vor.u32 v5, v12;
	v20 =	vadd.f32 v20, v22;
	v13 =	vadd.f32 v13, v18;
	_ =	sdelay $0x1  }
0x17f: {  	v24 =	vld [tilespmem:s12+$0x8040];
	v20 =	vadd.f32 v20, v7;
	[tilespmem:s23+$0xB0] =	vst v13;
	v13 =	vmul.f32 v2, v16  }
0x180: {  	v17 =	vld.idx.msk [tilespmem:v17+s4+$0x0], $0xffff  }
0x181: {  	v16 =	vld.idx.msk [tilespmem:v21+s4+$0x0], $0xffff;
	[tilespmem:s24+$0xFFFFFDC0] =	vst v20;
	v13 =	vadd.f32 v13, v19;
	v20 =	vor.u32 v4, v14  }
0x182: {  	v23 =	vld.idx.msk [tilespmem:v23+s4+$0x0], $0xffff  }
0x183: {  	v21 =	vor.u32 v5, v15;
	v13 =	vadd.f32 v13, v8  }
0x184: {  	v11 =	vor.u32 v3, v11  }
0x185: {  	v17 =	vadd.f32 v17, v24;
	[tilespmem:s24+$0x90] =	vst v13  }
0x186: {  	v13 =	vadd.f32 v16, v18;
	v16 =	vld.idx.msk [tilespmem:v20+s4+$0x0], $0xffff  }
0x187: {  	[tilespmem:s23+$0xFFFFFDE0] =	vst v17;
	v17 =	vmul.f32 v2, v23  }
0x188: {  	v20 =	vld.idx.msk [tilespmem:v21+s4+$0x0], $0xffff;
	[tilespmem:s23+$0x140] =	vst v13  }
0x189: {  	v11 =	vld.idx.msk [tilespmem:v11+s4+$0x0], $0xffff;
	v13 =	vadd.f32 v17, v22;
	_ =	sdelay $0x1  }
0x18a: {  	v17 =	vor.u32 v4, v12;
	v13 =	vadd.f32 v13, v8;
	v16 =	vmul.f32 v2, v16;
	_ =	sdelay $0x1  }
0x18b: {  	v14 =	vor.u32 v3, v14;
	v20 =	vadd.f32 v20, v24;
	[tilespmem:s24+$0xFFFFFE50] =	vst v13;
	v13 =	vadd.f32 v16, v19  }
0x18c: {  	v11 =	vadd.f32 v11, v18  }
0x18d: {  	[tilespmem:s23+$0xFFFFFE70] =	vst v20;
	v13 =	vadd.f32 v13, v9  }
0x18e: {  	v16 =	vld.idx.msk [tilespmem:v17+s4+$0x0], $0xffff;
	[tilespmem:s23+$0x1D0] =	vst v11  }
0x18f: {  	v11 =	vld [tilespmem:s16+$0x38];
	[tilespmem:s24+$0x120] =	vst v13  }
0x190: {  	v13 =	vld.idx.msk [tilespmem:v14+s4+$0x0], $0xffff;
	_ =	sdelay $0x3  }
0x191: {  	v11 =	vshll.u32 v11, $0x5  }
0x192: {  	v14 =	vor.u32 v6, v11;
	v13 =	vmul.f32 v2, v13;
	_ =	sdelay $0x1  }
0x193: {  	v13 =	vadd.f32 v13, v19;
	_ =	sdelay $0x1  }
0x194: {  	v17 =	vld [tilespmem:s1+$0x8050];
	v13 =	vadd.f32 v13, v10  }
0x195: {  	v16 =	vmul.f32 v2, v16;
	v14 =	vld.idx.msk [tilespmem:v14+s4+$0x0], $0xffff  }
0x196: {  	[tilespmem:s24+$0x1B0] =	vst v13  }
0x197: {  	v12 =	vor.u32 v3, v12;
	v16 =	vadd.f32 v16, v22;
	v13 =	vld [tilespmem:s25+$0x18]  }
0x198: {  	v18 =	vor.u32 v5, v11  }
0x199: {  	v16 =	vadd.f32 v16, v9  }
0x19a: {  	v14 =	vadd.f32 v14, v17  }
0x19b: {  	v19 =	vor.u32 v4, v15;
	[tilespmem:s24+$0xFFFFFEE0] =	vst v16  }
0x19c: {  	v12 =	vld.idx.msk [tilespmem:v12+s4+$0x0], $0xffff;
	[tilespmem:s23+$0x30] =	vst v14;
	v13 =	vshll.u32 v13, $0x5  }
0x19d: {  	v18 =	vld.idx.msk [tilespmem:v18+s4+$0x0], $0xffff;
	v14 =	vor.u32 v6, v13  }
0x19e: {  	s10 =	sadd.s32 $0x102, s9  }
0x19f: {  	s2 =	sadd.s32 $0x81, s10  }
0x1a0: {  	s2 =	sand.u32 $0x7FFE, s2;
	v16 =	vld.idx.msk [tilespmem:v19+s4+$0x0], $0xffff;
	v19 =	vor.u32 v4, v11  }
0x1a1: {  	v20 =	vld [tilespmem:s2+$0x8030]  }
0x1a2: {  	v12 =	vmul.f32 v2, v12;
	v18 =	vadd.f32 v18, v17;
	v14 =	vld.idx.msk [tilespmem:v14+s4+$0x0], $0xffff  }
0x1a3: {  	v15 =	vor.u32 v3, v15  }
0x1a4: {  	v12 =	vadd.f32 v12, v22;
	[tilespmem:s23+$0xC0] =	vst v18  }
0x1a5: {  	v16 =	vadd.f32 v16, v24;
	v18 =	vld.idx.msk [tilespmem:v19+s4+$0x0], $0xffff;
	v19 =	vor.u32 v5, v13  }
0x1a6: {  	v12 =	vadd.f32 v12, v10  }
0x1a7: {  	[tilespmem:s23+$0xFFFFFF00] =	vst v16;
	v14 =	vadd.f32 v14, v20  }
0x1a8: {  	[tilespmem:s24+$0xFFFFFF70] =	vst v12;
	v15 =	vld.idx.msk [tilespmem:v15+s4+$0x0], $0xffff  }
0x1a9: {  	v11 =	vor.u32 v3, v11;
	v16 =	vld [tilespmem:s25+$0xFFFFFF98];
	[tilespmem:s24+$0x10] =	vst v14  }
0x1aa: {  	v12 =	vld.idx.msk [tilespmem:v19+s4+$0x0], $0xffff  }
0x1ab: {  	v14 =	vadd.f32 v18, v17;
	_ =	sdelay $0x1  }
0x1ac: {  	[tilespmem:s23+$0x150] =	vst v14;
	v14 =	vadd.f32 v15, v24;
	v15 =	vor.u32 v4, v13  }
0x1ad: {  	v11 =	vld.idx.msk [tilespmem:v11+s4+$0x0], $0xffff  }
0x1ae: {  	v16 =	vshll.u32 v16, $0x5;
	[tilespmem:s23+$0xFFFFFF90] =	vst v14;
	v12 =	vadd.f32 v12, v20  }
0x1af: {  	v18 =	vor.u32 v6, v16;
	v14 =	vld [tilespmem:s16+$0xFFFFFFB8]  }
0x1b0: {  	[tilespmem:s24+$0xA0] =	vst v12  }
0x1b1: {  	v12 =	vld.idx.msk [tilespmem:v15+s4+$0x0], $0xffff  }
0x1b2: {  	v11 =	vadd.f32 v11, v17;
	_ =	sdelay $0x1  }
0x1b3: {  	v13 =	vor.u32 v3, v13;
	v18 =	vld.idx.msk [tilespmem:v18+s4+$0x0], $0xffff;
	[tilespmem:s23+$0x1E0] =	vst v11;
	v11 =	vshll.u32 v14, $0x5  }
0x1b4: {  	s28 =	sand.u32 $0x3FFF, s10;
	v14 =	vld [tilespmem:s16+$0x48];
	v17 =	vor.u32 v6, v11  }
0x1b5: {  	v15 =	vld [tilespmem:s28+$0x8030];
	v12 =	vadd.f32 v12, v20;
	_ =	sdelay $0x1  }
0x1b6: {  	v19 =	vld [tilespmem:s12+$0x8050];
	[tilespmem:s24+$0x130] =	vst v12  }
0x1b7: {  	v12 =	vld.idx.msk [tilespmem:v13+s4+$0x0], $0xffff  }
0x1b8: {  	v21 =	vor.u32 v5, v16;
	v13 =	vshll.u32 v14, $0x5;
	v14 =	vld.idx.msk [tilespmem:v17+s4+$0x0], $0xffff  }
0x1b9: {  	v17 =	vadd.f32 v18, v15;
	v18 =	vor.u32 v6, v13;
	_ =	sdelay $0x1  }
0x1ba: {  	s29 =	sadd.s32 $0x100, s25;
	[tilespmem:s24+$0xFFFFFDD0] =	vst v17;
	v17 =	vor.u32 v5, v11  }
0x1bb: {  	v22 =	vld [tilespmem:s29+$0x8];
	v12 =	vadd.f32 v12, v20  }
0x1bc: {  	v21 =	vld.idx.msk [tilespmem:v21+s4+$0x0], $0xffff;
	v14 =	vadd.f32 v14, v19  }
0x1bd: {  	v18 =	vld.idx.msk [tilespmem:v18+s4+$0x0], $0xffff;
	[tilespmem:s24+$0x1C0] =	vst v12  }
0x1be: {  	v12 =	vld [tilespmem:s1+$0x8060];
	[tilespmem:s23+$0xFFFFFDF0] =	vst v14  }
0x1bf: {  	v17 =	vld.idx.msk [tilespmem:v17+s4+$0x0], $0xffff  }
0x1c0: {  	v20 =	vor.u32 v4, v16;
	v14 =	vld [tilespmem:s25+$0x28]  }
0x1c1: {  	v22 =	vshll.u32 v22, $0x5;
	v23 =	vor.u32 v5, v13  }
0x1c2: {  	v25 =	vld [tilespmem:s29+$0xFFFFFF88];
	v26 =	vor.u32 v6, v22;
	v21 =	vadd.f32 v21, v15  }
0x1c3: {  	v24 =	vor.u32 v4, v11;
	v18 =	vadd.f32 v18, v12  }
0x1c4: {  	[tilespmem:s24+$0xFFFFFE60] =	vst v21;
	v17 =	vadd.f32 v17, v19  }
0x1c5: {  	v20 =	vld.idx.msk [tilespmem:v20+s4+$0x0], $0xffff;
	v14 =	vshll.u32 v14, $0x5;
	[tilespmem:s23+$0x40] =	vst v18  }
0x1c6: {  	v21 =	vor.u32 v6, v14;
	[tilespmem:s23+$0xFFFFFE80] =	vst v17;
	v17 =	vld.idx.msk [tilespmem:v23+s4+$0x0], $0xffff  }
0x1c7: {  	v23 =	vshll.u32 v25, $0x5;
	v25 =	vld.idx.msk [tilespmem:v26+s4+$0x0], $0xffff  }
0x1c8: {  	s0 =	sadd.s32 $0x102, s0;
	v18 =	vld.idx.msk [tilespmem:v24+s4+$0x0], $0xffff;
	v24 =	vor.u32 v6, v23  }
0x1c9: {  	v27 =	vld [tilespmem:s0+$0x0];
	v26 =	vor.u32 v4, v13  }
0x1ca: {  	v16 =	vor.u32 v3, v16;
	v28 =	vld [tilespmem:s2+$0x8040]  }
0x1cb: {  	v21 =	vld.idx.msk [tilespmem:v21+s4+$0x0], $0xffff;
	v17 =	vadd.f32 v17, v12  }
0x1cc: {  	v11 =	vor.u32 v3, v11;
	v20 =	vadd.f32 v20, v15  }
0x1cd: {  	v24 =	vld.idx.msk [tilespmem:v24+s4+$0x0], $0xffff;
	[tilespmem:s23+$0xD0] =	vst v17;
	v17 =	vmul.f32 v2, v25  }
0x1ce: {  	[tilespmem:s24+$0xFFFFFEF0] =	vst v20;
	v20 =	vor.u32 v5, v14;
	v18 =	vadd.f32 v18, v19;
	v25 =	vld.idx.msk [tilespmem:v26+s4+$0x0], $0xffff  }
0x1cf: {  	v16 =	vld.idx.msk [tilespmem:v16+s4+$0x0], $0xffff;
	v26 =	vor.u32 v5, v22;
	v17 =	vadd.f32 v17, v27  }
0x1d0: {  	[tilespmem:s23+$0xFFFFFF10] =	vst v18;
	v18 =	vld [tilespmem:s0+$0xFFFFFF7F];
	v21 =	vadd.f32 v21, v28  }
0x1d1: {  	v13 =	vor.u32 v3, v13;
	v11 =	vld.idx.msk [tilespmem:v11+s4+$0x0], $0xffff;
	v17 =	vadd.f32 v17, v7  }
0x1d2: {  	s26 =	sadd.s32 $0x480, s24;
	[tilespmem:s24+$0x20] =	vst v21  }
0x1d3: {  	v21 =	vmul.f32 v2, v24;
	v20 =	vld.idx.msk [tilespmem:v20+s4+$0x0], $0xffff;
	[tilespmem:s26+$0x0] =	vst v17;
	v17 =	vadd.f32 v25, v12  }
0x1d4: {  	v24 =	vld.idx.msk [tilespmem:v26+s4+$0x0], $0xffff  }
0x1d5: {  	v15 =	vadd.f32 v16, v15;
	v16 =	vadd.f32 v21, v18;
	[tilespmem:s23+$0x160] =	vst v17  }
0x1d6: {  	v11 =	vadd.f32 v11, v19;
	v17 =	vor.u32 v4, v14;
	v13 =	vld.idx.msk [tilespmem:v13+s4+$0x0], $0xffff  }
0x1d7: {  	[tilespmem:s24+$0xFFFFFF80] =	vst v15;
	v19 =	vor.u32 v5, v23;
	v15 =	vadd.f32 v16, v7  }
0x1d8: {  	[tilespmem:s23+$0xFFFFFFA0] =	vst v11;
	v11 =	vadd.f32 v20, v28  }
0x1d9: {  	v16 =	vld [tilespmem:s25+$0xFFFFFFA8];
	[tilespmem:s26+$0xFFFFFDC0] =	vst v15;
	v15 =	vmul.f32 v2, v24  }
0x1da: {  	v20 =	vld [tilespmem:s16+$0xFFFFFFC8];
	[tilespmem:s24+$0xB0] =	vst v11  }
0x1db: {  	v11 =	vld.idx.msk [tilespmem:v17+s4+$0x0], $0xffff;
	v17 =	vor.u32 v4, v22;
	v15 =	vadd.f32 v15, v27;
	v12 =	vadd.f32 v13, v12  }
0x1dc: {  	v13 =	vld.idx.msk [tilespmem:v19+s4+$0x0], $0xffff  }
0x1dd: {  	v15 =	vadd.f32 v15, v8;
	[tilespmem:s23+$0x1F0] =	vst v12  }
0x1de: {  	v12 =	vor.u32 v3, v14;
	v14 =	vld [tilespmem:s16+$0x58]  }
0x1df: {  	v16 =	vshll.u32 v16, $0x5;
	[tilespmem:s26+$0x90] =	vst v15  }
0x1e0: {  	v15 =	vor.u32 v6, v16;
	v11 =	vadd.f32 v11, v28;
	v17 =	vld.idx.msk [tilespmem:v17+s4+$0x0], $0xffff  }
0x1e1: {  	v19 =	vshll.u32 v20, $0x5;
	v13 =	vmul.f32 v2, v13  }
0x1e2: {  	v20 =	vor.u32 v6, v19;
	[tilespmem:s24+$0x140] =	vst v11  }
0x1e3: {  	v11 =	vor.u32 v4, v23;
	v13 =	vadd.f32 v13, v18;
	v12 =	vld.idx.msk [tilespmem:v12+s4+$0x0], $0xffff;
	v14 =	vshll.u32 v14, $0x5  }
0x1e4: {  	v21 =	vld [tilespmem:s28+$0x8040];
	v24 =	vor.u32 v6, v14  }
0x1e5: {  	v15 =	vld.idx.msk [tilespmem:v15+s4+$0x0], $0xffff;
	v13 =	vadd.f32 v13, v8;
	v17 =	vmul.f32 v2, v17  }
0x1e6: {  	v25 =	vld [tilespmem:s12+$0x8060]  }
0x1e7: {  	v20 =	vld.idx.msk [tilespmem:v20+s4+$0x0], $0xffff;
	[tilespmem:s26+$0xFFFFFE50] =	vst v13;
	v13 =	vadd.f32 v17, v27;
	v17 =	vor.u32 v3, v22  }
0x1e8: {  	v22 =	vor.u32 v5, v16;
	v11 =	vld.idx.msk [tilespmem:v11+s4+$0x0], $0xffff;
	v12 =	vadd.f32 v12, v28  }
0x1e9: {  	v24 =	vld.idx.msk [tilespmem:v24+s4+$0x0], $0xffff;
	v13 =	vadd.f32 v13, v9  }
0x1ea: {  	v15 =	vadd.f32 v15, v21;
	[tilespmem:s24+$0x1D0] =	vst v12;
	v12 =	vld [tilespmem:s1+$0x8070]  }
0x1eb: {  	v26 =	vld [tilespmem:s25+$0x38];
	[tilespmem:s26+$0x120] =	vst v13  }
0x1ec: {  	[tilespmem:s24+$0xFFFFFDE0] =	vst v15;
	v13 =	vld.idx.msk [tilespmem:v17+s4+$0x0], $0xffff  }
0x1ed: {  	v15 =	vld.idx.msk [tilespmem:v22+s4+$0x0], $0xffff;
	v11 =	vmul.f32 v2, v11;
	v17 =	vor.u32 v5, v14  }
0x1ee: {  	v20 =	vadd.f32 v20, v25;
	v22 =	vor.u32 v5, v19  }
0x1ef: {  	v23 =	vor.u32 v3, v23;
	v11 =	vadd.f32 v11, v18;
	v24 =	vadd.f32 v24, v12  }
0x1f0: {  	v28 =	vor.u32 v4, v16;
	[tilespmem:s23+$0xFFFFFE00] =	vst v20  }
0x1f1: {  	v26 =	vshll.u32 v26, $0x5;
	v11 =	vadd.f32 v11, v9;
	[tilespmem:s23+$0x50] =	vst v24  }
0x1f2: {  	v29 =	vor.u32 v6, v26;
	v13 =	vmul.f32 v2, v13;
	v15 =	vadd.f32 v15, v21;
	v17 =	vld.idx.msk [tilespmem:v17+s4+$0x0], $0xffff  }
0x1f3: {  	v20 =	vld.idx.msk [tilespmem:v22+s4+$0x0], $0xffff;
	[tilespmem:s26+$0xFFFFFEE0] =	vst v11  }
0x1f4: {  	v11 =	vadd.f32 v13, v27;
	[tilespmem:s24+$0xFFFFFE70] =	vst v15;
	v13 =	vld.idx.msk [tilespmem:v23+s4+$0x0], $0xffff  }
0x1f5: {  	v22 =	vor.u32 v4, v14;
	v15 =	vld.idx.msk [tilespmem:v28+s4+$0x0], $0xffff  }
0x1f6: {  	v24 =	vld [tilespmem:s2+$0x8050];
	v11 =	vadd.f32 v11, v10  }
0x1f7: {  	v23 =	vld.idx.msk [tilespmem:v29+s4+$0x0], $0xffff;
	v17 =	vadd.f32 v17, v12  }
0x1f8: {  	[tilespmem:s26+$0x1B0] =	vst v11;
	v11 =	vor.u32 v3, v16  }
0x1f9: {  	v16 =	vld [tilespmem:s29+$0x18];
	v13 =	vmul.f32 v2, v13;
	[tilespmem:s23+$0xE0] =	vst v17  }
0x1fa: {  	v17 =	vor.u32 v5, v26;
	v15 =	vadd.f32 v15, v21;
	v22 =	vld.idx.msk [tilespmem:v22+s4+$0x0], $0xffff  }
0x1fb: {  	v27 =	vor.u32 v4, v19;
	v20 =	vadd.f32 v20, v25;
	v13 =	vadd.f32 v13, v18  }
0x1fc: {  	[tilespmem:s24+$0xFFFFFF00] =	vst v15;
	v15 =	vadd.f32 v23, v24  }
0x1fd: {  	v14 =	vor.u32 v3, v14;
	[tilespmem:s23+$0xFFFFFE90] =	vst v20;
	v11 =	vld.idx.msk [tilespmem:v11+s4+$0x0], $0xffff;
	v13 =	vadd.f32 v13, v10  }
0x1fe: {  	v16 =	vshll.u32 v16, $0x5;
	[tilespmem:s24+$0x30] =	vst v15  }
0x1ff: {  	v15 =	vor.u32 v6, v16;
	[tilespmem:s26+$0xFFFFFF70] =	vst v13;
	v13 =	vld.idx.msk [tilespmem:v17+s4+$0x0], $0xffff;
	v17 =	vadd.f32 v22, v12  }
0x200: {  	s3 =	sadd.s32 $0x102, s10;
	v18 =	vld.idx.msk [tilespmem:v27+s4+$0x0], $0xffff  }
0x201: {  	s5 =	sadd.s32 $0x81, s3;
	v20 =	vld [tilespmem:s29+$0xFFFFFF98];
	[tilespmem:s23+$0x170] =	vst v17  }
0x202: {  	s30 =	sand.u32 $0x7FFE, s5;
	v11 =	vadd.f32 v11, v21;
	v14 =	vld.idx.msk [tilespmem:v14+s4+$0x0], $0xffff  }
0x203: {  	v17 =	vor.u32 v4, v26;
	v21 =	vld [tilespmem:s30+$0x8030]  }
0x204: {  	v15 =	vld.idx.msk [tilespmem:v15+s4+$0x0], $0xffff;
	[tilespmem:s24+$0xFFFFFF90] =	vst v11;
	v11 =	vadd.f32 v13, v24  }
0x205: {  	v19 =	vor.u32 v3, v19;
	v13 =	vadd.f32 v18, v25  }
0x206: {  	v18 =	vld [tilespmem:s25+$0xFFFFFFB8];
	[tilespmem:s24+$0xC0] =	vst v11  }
0x207: {  	[tilespmem:s23+$0xFFFFFF20] =	vst v13;
	v13 =	vor.u32 v5, v16  }
0x208: {  	v20 =	vshll.u32 v20, $0x5;
	v11 =	vld.idx.msk [tilespmem:v17+s4+$0x0], $0xffff;
	v12 =	vadd.f32 v14, v12  }
0x209: {  	v22 =	vor.u32 v6, v20;
	v15 =	vadd.f32 v15, v21  }
0x20a: {  	v14 =	vld.idx.msk [tilespmem:v19+s4+$0x0], $0xffff;
	[tilespmem:s23+$0x200] =	vst v12  }
0x20b: {  	v19 =	vor.u32 v3, v26;
	v12 =	vshll.u32 v18, $0x5;
	v18 =	vld [tilespmem:s16+$0x68];
	[tilespmem:s26+$0x10] =	vst v15  }
0x20c: {  	s31 =	sand.u32 $0x3FFF, s3;
	v23 =	vor.u32 v6, v12;
	v13 =	vld.idx.msk [tilespmem:v13+s4+$0x0], $0xffff  }
0x20d: {  	v17 =	vld [tilespmem:s31+$0x8030];
	v11 =	vadd.f32 v11, v24  }
0x20e: {  	v22 =	vld.idx.msk [tilespmem:v22+s4+$0x0], $0xffff  }
0x20f: {  	v15 =	vld [tilespmem:s28+$0x8050];
	[tilespmem:s24+$0x150] =	vst v11;
	v11 =	vadd.f32 v14, v25;
	v14 =	vor.u32 v4, v16  }
0x210: {  	v18 =	vshll.u32 v18, $0x5;
	v19 =	vld.idx.msk [tilespmem:v19+s4+$0x0], $0xffff  }
0x211: {  	v23 =	vld.idx.msk [tilespmem:v23+s4+$0x0], $0xffff;
	v25 =	vor.u32 v6, v18;
	[tilespmem:s23+$0xFFFFFFB0] =	vst v11;
	v11 =	vadd.f32 v13, v21  }
0x212: {  	v26 =	vor.u32 v5, v20  }
0x213: {  	v22 =	vadd.f32 v22, v17;
	v13 =	vld [tilespmem:s16+$0xFFFFFFD8];
	[tilespmem:s26+$0xA0] =	vst v11  }
0x214: {  	v11 =	vld.idx.msk [tilespmem:v14+s4+$0x0], $0xffff  }
0x215: {  	[tilespmem:s26+$0xFFFFFDD0] =	vst v22;
	v22 =	vor.u32 v5, v12;
	v14 =	vadd.f32 v19, v24;
	v24 =	vld [tilespmem:s1+$0x8080]  }
0x216: {  	v19 =	vadd.f32 v23, v15;
	v23 =	vld.idx.msk [tilespmem:v25+s4+$0x0], $0xffff  }
0x217: {  	v26 =	vld.idx.msk [tilespmem:v26+s4+$0x0], $0xffff;
	[tilespmem:s24+$0x1E0] =	vst v14  }
0x218: {  	v16 =	vor.u32 v3, v16;
	[tilespmem:s24+$0xFFFFFDF0] =	vst v19;
	v19 =	vld [tilespmem:s25+$0x48]  }
0x219: {  	v27 =	vor.u32 v5, v18;
	v14 =	vshll.u32 v13, $0x5  }
0x21a: {  	v25 =	vor.u32 v6, v14;
	v22 =	vld.idx.msk [tilespmem:v22+s4+$0x0], $0xffff;
	v11 =	vadd.f32 v11, v21  }
0x21b: {  	v28 =	vor.u32 v4, v20;
	v23 =	vadd.f32 v23, v24  }
0x21c: {  	v13 =	vld [tilespmem:s12+$0x8070];
	[tilespmem:s26+$0x130] =	vst v11;
	v11 =	vadd.f32 v26, v17  }
0x21d: {  	v29 =	vor.u32 v4, v12;
	v16 =	vld.idx.msk [tilespmem:v16+s4+$0x0], $0xffff;
	v19 =	vshll.u32 v19, $0x5;
	[tilespmem:s23+$0x60] =	vst v23  }
0x21e: {  	v23 =	vor.u32 v6, v19;
	[tilespmem:s26+$0xFFFFFE60] =	vst v11;
	v11 =	vld.idx.msk [tilespmem:v27+s4+$0x0], $0xffff  }
0x21f: {  	v25 =	vld.idx.msk [tilespmem:v25+s4+$0x0], $0xffff;
	v22 =	vadd.f32 v22, v15  }
0x220: {  	s5 =	sadd.s32 $0x100, s29;
	v26 =	vld.idx.msk [tilespmem:v28+s4+$0x0], $0xffff  }
0x221: {  	v27 =	vor.u32 v4, v18;
	v28 =	vld [tilespmem:s5+$0x8];
	[tilespmem:s24+$0xFFFFFE80] =	vst v22  }
0x222: {  	v22 =	vld.idx.msk [tilespmem:v29+s4+$0x0], $0xffff;
	v16 =	vadd.f32 v16, v21  }
0x223: {  	v21 =	vld.idx.msk [tilespmem:v23+s4+$0x0], $0xffff;
	v11 =	vadd.f32 v11, v24  }
0x224: {  	[tilespmem:s26+$0x1C0] =	vst v16;
	v16 =	vld [tilespmem:s2+$0x8060]  }
0x225: {  	v23 =	vor.u32 v5, v14;
	v29 =	vld [tilespmem:s29+$0x28];
	[tilespmem:s23+$0xF0] =	vst v11  }
0x226: {  	v11 =	vor.u32 v3, v12;
	v12 =	vadd.f32 v25, v13;
	v25 =	vld.idx.msk [tilespmem:v27+s4+$0x0], $0xffff  }
0x227: {  	v26 =	vadd.f32 v26, v17;
	v27 =	vor.u32 v5, v19  }
0x228: {  	v20 =	vor.u32 v3, v20;
	[tilespmem:s23+$0xFFFFFE10] =	vst v12;
	v12 =	vadd.f32 v22, v15;
	v22 =	vld [tilespmem:s5+$0xFFFFFF88]  }
0x229: {  	v18 =	vor.u32 v3, v18;
	v28 =	vshll.u32 v28, $0x5;
	v32 =	vld [tilespmem:s30+$0x8040];
	[tilespmem:s26+$0xFFFFFEF0] =	vst v26;
	v21 =	vadd.f32 v21, v16  }
0x22a: {  	v30 =	vor.u32 v6, v28;
	v23 =	vld.idx.msk [tilespmem:v23+s4+$0x0], $0xffff;
	[tilespmem:s24+$0xFFFFFF10] =	vst v12;
	v26 =	vshll.u32 v29, $0x5  }
0x22b: {  	v29 =	vld.idx.msk [tilespmem:v11+s4+$0x0], $0xffff;
	v12 =	vor.u32 v6, v26;
	[tilespmem:s24+$0x40] =	vst v21;
	v11 =	vadd.f32 v25, v24  }
0x22c: {  	v21 =	vld.idx.msk [tilespmem:v27+s4+$0x0], $0xffff  }
0x22d: {  	v20 =	vld.idx.msk [tilespmem:v20+s4+$0x0], $0xffff;
	v25 =	vor.u32 v4, v14;
	v22 =	vshll.u32 v22, $0x5;
	[tilespmem:s23+$0x180] =	vst v11  }
0x22e: {  	v11 =	vor.u32 v6, v22;
	v18 =	vld.idx.msk [tilespmem:v18+s4+$0x0], $0xffff  }
0x22f: {  	v31 =	vor.u32 v4, v19;
	v27 =	vld.idx.msk [tilespmem:v30+s4+$0x0], $0xffff;
	v23 =	vadd.f32 v23, v13  }
0x230: {  	s13 =	sadd.s32 $0x102, s0;
	v30 =	vld.idx.msk [tilespmem:v12+s4+$0x0], $0xffff  }
0x231: {  	[tilespmem:s23+$0xFFFFFEA0] =	vst v23;
	v12 =	vld [tilespmem:s13+$0x0];
	v21 =	vadd.f32 v21, v16  }
0x232: {  	v23 =	vld.idx.msk [tilespmem:v25+s4+$0x0], $0xffff  }
0x233: {  	v33 =	vor.u32 v5, v26;
	v25 =	vld.idx.msk [tilespmem:v11+s4+$0x0], $0xffff;
	[tilespmem:s24+$0xD0] =	vst v21;
	v18 =	vadd.f32 v18, v24  }
0x234: {  	v21 =	vmul.f32 v2, v27;
	v24 =	vld.idx.msk [tilespmem:v31+s4+$0x0], $0xffff  }
0x235: {  	v11 =	vld [tilespmem:s13+$0xFFFFFF7F];
	v27 =	vadd.f32 v30, v32;
	[tilespmem:s23+$0x210] =	vst v18  }
0x236: {  	v17 =	vadd.f32 v20, v17;
	v20 =	vor.u32 v5, v28;
	v18 =	vadd.f32 v21, v12;
	v21 =	vld [tilespmem:s16+$0x78]  }
0x237: {  	v19 =	vor.u32 v3, v19;
	v15 =	vadd.f32 v29, v15;
	[tilespmem:s26+$0x20] =	vst v27  }
0x238: {  	[tilespmem:s26+$0xFFFFFF80] =	vst v17;
	v17 =	vmul.f32 v2, v25;
	v18 =	vadd.f32 v18, v7;
	v25 =	vld.idx.msk [tilespmem:v33+s4+$0x0], $0xffff  }
0x239: {  	s0 =	sadd.s32 $0x480, s26;
	[tilespmem:s24+$0xFFFFFFA0] =	vst v15;
	v15 =	vld [tilespmem:s29+$0xFFFFFFA8];
	v27 =	vor.u32 v3, v14;
	v14 =	vadd.f32 v24, v16  }
0x23a: {  	v29 =	vld [tilespmem:s25+$0xFFFFFFC8];
	v24 =	vor.u32 v5, v22;
	v17 =	vadd.f32 v17, v11;
	[tilespmem:s0+$0x0] =	vst v18  }
0x23b: {  	v18 =	vadd.f32 v23, v13;
	v23 =	vor.u32 v4, v26;
	v20 =	vld.idx.msk [tilespmem:v20+s4+$0x0], $0xffff;
	[tilespmem:s24+$0x160] =	vst v14;
	v21 =	vshll.u32 v21, $0x5  }
0x23c: {  	v17 =	vadd.f32 v17, v7;
	v19 =	vld.idx.msk [tilespmem:v19+s4+$0x0], $0xffff;
	v30 =	vor.u32 v6, v21  }
0x23d: {  	v31 =	vld [tilespmem:s28+$0x8060];
	[tilespmem:s23+$0xFFFFFF30] =	vst v18;
	v18 =	vadd.f32 v25, v32  }
0x23e: {  	v25 =	vld.idx.msk [tilespmem:v27+s4+$0x0], $0xffff;
	[tilespmem:s0+$0xFFFFFDC0] =	vst v17  }
0x23f: {  	v15 =	vshll.u32 v15, $0x5;
	v17 =	vld.idx.msk [tilespmem:v24+s4+$0x0], $0xffff;
	[tilespmem:s26+$0xB0] =	vst v18  }
0x240: {  	v24 =	vshll.u32 v29, $0x5;
	v18 =	vor.u32 v6, v15;
	v20 =	vmul.f32 v2, v20;
	v23 =	vld.idx.msk [tilespmem:v23+s4+$0x0], $0xffff  }
0x241: {  	v27 =	vor.u32 v6, v24;
	v29 =	vld.idx.msk [tilespmem:v30+s4+$0x0], $0xffff;
	v16 =	vadd.f32 v19, v16  }
0x242: {  	v19 =	vadd.f32 v20, v12;
	v20 =	vor.u32 v4, v28;
	v30 =	vld [tilespmem:s1+$0x8090]  }
0x243: {  	v26 =	vor.u32 v3, v26;
	v14 =	vld [tilespmem:s31+$0x8040];
	[tilespmem:s24+$0x1F0] =	vst v16  }
0x244: {  	v16 =	vadd.f32 v19, v8;
	v19 =	vld [tilespmem:s25+$0x58]  }
0x245: {  	v61 =	vor.u32 v5, v21;
	v17 =	vmul.f32 v2, v17;
	v18 =	vld.idx.msk [tilespmem:v18+s4+$0x0], $0xffff;
	v23 =	vadd.f32 v23, v32  }
0x246: {  	v34 =	vor.u32 v4, v22;
	v13 =	vadd.f32 v25, v13;
	v25 =	vld.idx.msk [tilespmem:v27+s4+$0x0], $0xffff;
	[tilespmem:s0+$0x90] =	vst v16  }
0x247: {  	v16 =	vadd.f32 v17, v11;
	v17 =	vld.idx.msk [tilespmem:v20+s4+$0x0], $0xffff;
	v20 =	vadd.f32 v29, v30;
	[tilespmem:s26+$0x140] =	vst v23  }
0x248: {  	[tilespmem:s23+$0xFFFFFFC0] =	vst v13;
	v23 =	vor.u32 v5, v15;
	v13 =	vld.idx.msk [tilespmem:v26+s4+$0x0], $0xffff  }
0x249: {  	v27 =	vld [tilespmem:s16+$0xFFFFFFE8];
	v16 =	vadd.f32 v16, v8;
	v26 =	vor.u32 v5, v24;
	[tilespmem:s23+$0x70] =	vst v20;
	v19 =	vshll.u32 v19, $0x5  }
0x24a: {  	s9 =	sadd.s32 $0x100, s5;
	v18 =	vadd.f32 v18, v14;
	v20 =	vld.idx.msk [tilespmem:v61+s4+$0x0], $0xffff;
	v29 =	vor.u32 v6, v19  }
0x24b: {  	v42 =	vld [tilespmem:s9+$0x8];
	v25 =	vadd.f32 v25, v31;
	[tilespmem:s0+$0xFFFFFE50] =	vst v16  }
0x24c: {  	v16 =	vld.idx.msk [tilespmem:v34+s4+$0x0], $0xffff;
	[tilespmem:s26+$0xFFFFFDE0] =	vst v18;
	v17 =	vmul.f32 v2, v17  }
0x24d: {  	[tilespmem:s24+$0xFFFFFE00] =	vst v25;
	v18 =	vld.idx.msk [tilespmem:v23+s4+$0x0], $0xffff;
	v23 =	vor.u32 v4, v21;
	v13 =	vadd.f32 v13, v32  }
0x24e: {  	v25 =	vld.idx.msk [tilespmem:v26+s4+$0x0], $0xffff;
	v17 =	vadd.f32 v17, v12;
	v26 =	vor.u32 v3, v28  }
0x24f: {  	v27 =	vshll.u32 v27, $0x5;
	v20 =	vadd.f32 v20, v30;
	v28 =	vld.idx.msk [tilespmem:v29+s4+$0x0], $0xffff;
	[tilespmem:s26+$0x1D0] =	vst v13  }
0x250: {  	v29 =	vor.u32 v6, v27;
	v13 =	vadd.f32 v17, v9;
	v17 =	vld [tilespmem:s29+$0x38]  }
0x251: {  	v62 =	vor.u32 v4, v15;
	v63 =	vld [tilespmem:s2+$0x8070];
	v16 =	vmul.f32 v2, v16;
	[tilespmem:s23+$0x100] =	vst v20  }
0x252: {  	v20 =	vor.u32 v4, v24;
	[tilespmem:s0+$0x120] =	vst v13;
	v23 =	vld.idx.msk [tilespmem:v23+s4+$0x0], $0xffff  }
0x253: {  	v22 =	vor.u32 v3, v22;
	v18 =	vadd.f32 v18, v14;
	v16 =	vadd.f32 v16, v11;
	v26 =	vld.idx.msk [tilespmem:v26+s4+$0x0], $0xffff  }
0x254: {  	v36 =	vor.u32 v5, v19;
	v13 =	vld [tilespmem:s12+$0x8080];
	v25 =	vadd.f32 v25, v31  }
0x255: {  	[tilespmem:s26+$0xFFFFFE70] =	vst v18;
	v16 =	vadd.f32 v16, v9;
	v29 =	vld.idx.msk [tilespmem:v29+s4+$0x0], $0xffff;
	v18 =	vshll.u32 v17, $0x5;
	v17 =	vor.u32 v3, v21  }
0x256: {  	[tilespmem:s24+$0xFFFFFE90] =	vst v25;
	v25 =	vadd.f32 v28, v63;
	v21 =	vld.idx.msk [tilespmem:v62+s4+$0x0], $0xffff;
	v28 =	vor.u32 v6, v18  }
0x257: {  	v20 =	vld.idx.msk [tilespmem:v20+s4+$0x0], $0xffff;
	[tilespmem:s0+$0xFFFFFEE0] =	vst v16;
	v16 =	vadd.f32 v23, v30  }
0x258: {  	v23 =	vor.u32 v5, v27;
	v22 =	vld.idx.msk [tilespmem:v22+s4+$0x0], $0xffff;
	[tilespmem:s24+$0x50] =	vst v25;
	v25 =	vmul.f32 v2, v26  }
0x259: {  	v15 =	vor.u32 v3, v15;
	v26 =	vld.idx.msk [tilespmem:v36+s4+$0x0], $0xffff;
	[tilespmem:s23+$0x190] =	vst v16  }
0x25a: {  	v16 =	vadd.f32 v29, v13;
	v12 =	vadd.f32 v25, v12;
	v17 =	vld.idx.msk [tilespmem:v17+s4+$0x0], $0xffff  }
0x25b: {  	v24 =	vor.u32 v3, v24;
	v21 =	vadd.f32 v21, v14;
	v25 =	vld.idx.msk [tilespmem:v28+s4+$0x0], $0xffff  }
0x25c: {  	[tilespmem:s23+$0xFFFFFE20] =	vst v16;
	v16 =	vor.u32 v4, v19;
	v12 =	vadd.f32 v12, v10;
	v28 =	vld [tilespmem:s30+$0x8050]  }
0x25d: {  	v20 =	vadd.f32 v20, v31;
	v23 =	vld.idx.msk [tilespmem:v23+s4+$0x0], $0xffff;
	[tilespmem:s26+$0xFFFFFF00] =	vst v21  }
0x25e: {  	v21 =	vmul.f32 v2, v22;
	v22 =	vadd.f32 v26, v63;
	v15 =	vld.idx.msk [tilespmem:v15+s4+$0x0], $0xffff;
	[tilespmem:s0+$0x1B0] =	vst v12  }
0x25f: {  	s8 =	sadd.s32 $0x102, s3;
	[tilespmem:s24+$0xFFFFFF20] =	vst v20;
	v20 =	vor.u32 v5, v18;
	v12 =	vld [tilespmem:s5+$0x18]  }
0x260: {  	s3 =	sadd.s32 $0x81, s8;
	v11 =	vadd.f32 v21, v11;
	v21 =	vld.idx.msk [tilespmem:v24+s4+$0x0], $0xffff;
	[tilespmem:s24+$0xE0] =	vst v22;
	v17 =	vadd.f32 v17, v30  }
0x261: {  	s6 =	sand.u32 $0x7FFE, s3;
	v22 =	vor.u32 v4, v27;
	v16 =	vld.idx.msk [tilespmem:v16+s4+$0x0], $0xffff;
	v24 =	vadd.f32 v25, v28  }
0x262: {  	v26 =	vld [tilespmem:s6+$0x8030];
	v11 =	vadd.f32 v11, v10;
	[tilespmem:s23+$0x220] =	vst v17  }
0x263: {  	v17 =	vadd.f32 v23, v13;
	[tilespmem:s26+$0x30] =	vst v24;
	v23 =	vld [tilespmem:s16+$0x80]  }
0x264: {  	v14 =	vadd.f32 v15, v14;
	[tilespmem:s0+$0xFFFFFF70] =	vst v11;
	v15 =	vor.u32 v3, v19;
	v11 =	vshll.u32 v12, $0x5;
	v12 =	vld.idx.msk [tilespmem:v20+s4+$0x0], $0xffff  }
0x265: {  	[tilespmem:s23+$0xFFFFFEB0] =	vst v17;
	v17 =	vadd.f32 v21, v31;
	v19 =	vld [tilespmem:s5+$0xFFFFFF98];
	v20 =	vor.u32 v6, v11  }
0x266: {  	v21 =	vld.idx.msk [tilespmem:v22+s4+$0x0], $0xffff;
	[tilespmem:s26+$0xFFFFFF90] =	vst v14;
	v14 =	vadd.f32 v16, v63  }
0x267: {  	v16 =	vld [tilespmem:s29+$0xFFFFFFB8];
	[tilespmem:s24+$0xFFFFFFB0] =	vst v17  }
0x268: {  	v17 =	vor.u32 v4, v18;
	v22 =	vld [tilespmem:s25+$0xFFFFFFD8];
	[tilespmem:s24+$0x170] =	vst v14  }
0x269: {  	v23 =	vshll.u32 v23, $0x5;
	v14 =	vld.idx.msk [tilespmem:v15+s4+$0x0], $0xffff  }
0x26a: {  	s3 =	sand.u32 $0x3FFF, s8;
	v24 =	vor.u32 v6, v23;
	v19 =	vshll.u32 v19, $0x5;
	v12 =	vadd.f32 v12, v28;
	v20 =	vld.idx.msk [tilespmem:v20+s4+$0x0], $0xffff  }
0x26b: {  	v15 =	vld [tilespmem:s3+$0x8030];
	v25 =	vor.u32 v6, v19  }
0x26c: {  	[tilespmem:s26+$0xC0] =	vst v12;
	v12 =	vld [tilespmem:s1+$0x8098]  }
0x26d: {  	v30 =	vor.u32 v5, v11;
	v29 =	vld.idx.msk [tilespmem:v17+s4+$0x0], $0xffff  }
0x26e: {  	v27 =	vor.u32 v3, v27;
	v31 =	vshll.u32 v16, $0x5;
	v16 =	vld [tilespmem:s31+$0x8050];
	v14 =	vadd.f32 v14, v63  }
0x26f: {  	v24 =	vld.idx.msk [tilespmem:v24+s4+$0x0], $0xffff;
	v20 =	vadd.f32 v20, v26  }
0x270: {  	v18 =	vor.u32 v3, v18;
	v21 =	vadd.f32 v21, v13;
	v25 =	vld.idx.msk [tilespmem:v25+s4+$0x0], $0xffff;
	[tilespmem:s24+$0x200] =	vst v14  }
0x271: {  	v37 =	vor.u32 v6, v31;
	v17 =	vshll.u32 v22, $0x5;
	v22 =	vld [tilespmem:s25+$0x68];
	[tilespmem:s0+$0x10] =	vst v20  }
0x272: {  	[tilespmem:s23+$0xFFFFFF40] =	vst v21;
	v20 =	vor.u32 v5, v23;
	v29 =	vadd.f32 v29, v28;
	v30 =	vld.idx.msk [tilespmem:v30+s4+$0x0], $0xffff  }
0x273: {  	v39 =	vor.u32 v5, v19;
	v27 =	vld.idx.msk [tilespmem:v27+s4+$0x0], $0xffff  }
0x274: {  	v14 =	vld [tilespmem:s28+$0x8070];
	v24 =	vadd.f32 v24, v12;
	[tilespmem:s26+$0x150] =	vst v29  }
0x275: {  	v29 =	vor.u32 v4, v11;
	v25 =	vadd.f32 v25, v15;
	v18 =	vld.idx.msk [tilespmem:v18+s4+$0x0], $0xffff  }
0x276: {  	v38 =	vor.u32 v6, v17;
	v32 =	vld.idx.msk [tilespmem:v37+s4+$0x0], $0xffff;
	[tilespmem:s23+$0x78] =	vst v24;
	v22 =	vshll.u32 v22, $0x5  }
0x277: {  	v20 =	vld.idx.msk [tilespmem:v20+s4+$0x0], $0xffff;
	[tilespmem:s0+$0xFFFFFDD0] =	vst v25;
	v24 =	vor.u32 v6, v22;
	v25 =	vadd.f32 v30, v26  }
0x278: {  	v21 =	vld.idx.msk [tilespmem:v39+s4+$0x0], $0xffff  }
0x279: {  	v35 =	vld [tilespmem:s2+$0x8080];
	v30 =	vor.u32 v5, v31;
	[tilespmem:s0+$0xA0] =	vst v25  }
0x27a: {  	v25 =	vor.u32 v4, v23;
	v18 =	vadd.f32 v18, v28;
	v29 =	vld.idx.msk [tilespmem:v29+s4+$0x0], $0xffff  }
0x27b: {  	v33 =	vld.idx.msk [tilespmem:v38+s4+$0x0], $0xffff;
	v32 =	vadd.f32 v32, v16  }
0x27c: {  	v28 =	vor.u32 v4, v19;
	v20 =	vadd.f32 v20, v12;
	[tilespmem:s26+$0x1E0] =	vst v18;
	v24 =	vld.idx.msk [tilespmem:v24+s4+$0x0], $0xffff  }
0x27d: {  	v13 =	vadd.f32 v27, v13;
	v11 =	vor.u32 v3, v11;
	[tilespmem:s26+$0xFFFFFDF0] =	vst v32;
	v18 =	vadd.f32 v21, v15;
	v21 =	vld [tilespmem:s29+$0x48]  }
0x27e: {  	v40 =	vor.u32 v5, v17;
	v30 =	vld.idx.msk [tilespmem:v30+s4+$0x0], $0xffff;
	[tilespmem:s23+$0x108] =	vst v20  }
0x27f: {  	[tilespmem:s23+$0xFFFFFFD0] =	vst v13;
	v20 =	vld.idx.msk [tilespmem:v25+s4+$0x0], $0xffff;
	v25 =	vadd.f32 v29, v26  }
0x280: {  	v41 =	vadd.f32 v33, v14;
	v43 =	vld [tilespmem:s30+$0x8060];
	[tilespmem:s0+$0xFFFFFE60] =	vst v18;
	v18 =	vor.u32 v5, v22  }
0x281: {  	v27 =	vld.idx.msk [tilespmem:v28+s4+$0x0], $0xffff;
	v28 =	vor.u32 v4, v31;
	v24 =	vadd.f32 v24, v35;
	[tilespmem:s0+$0x130] =	vst v25  }
0x282: {  	[tilespmem:s24+$0xFFFFFE10] =	vst v41;
	v21 =	vshll.u32 v21, $0x5;
	v13 =	vld.idx.msk [tilespmem:v11+s4+$0x0], $0xffff  }
0x283: {  	v29 =	vld.idx.msk [tilespmem:v40+s4+$0x0], $0xffff;
	v11 =	vadd.f32 v30, v16;
	[tilespmem:s24+$0x60] =	vst v24;
	v24 =	vor.u32 v6, v21  }
0x284: {  	v23 =	vor.u32 v3, v23;
	v25 =	vld [tilespmem:s16+$0xFFFFFFF8]  }
0x285: {  	v18 =	vld.idx.msk [tilespmem:v18+s4+$0x0], $0xffff;
	[tilespmem:s26+$0xFFFFFE80] =	vst v11  }
0x286: {  	v20 =	vadd.f32 v20, v12;
	v28 =	vld.idx.msk [tilespmem:v28+s4+$0x0], $0xffff  }
0x287: {  	v11 =	vld [tilespmem:s12+$0x8090];
	v13 =	vadd.f32 v13, v26  }
0x288: {  	v30 =	vor.u32 v4, v22;
	[tilespmem:s23+$0x198] =	vst v20;
	v24 =	vld.idx.msk [tilespmem:v24+s4+$0x0], $0xffff  }
0x289: {  	v26 =	vor.u32 v3, v19;
	[tilespmem:s0+$0x1C0] =	vst v13;
	v13 =	vld.idx.msk [tilespmem:v23+s4+$0x0], $0xffff  }
0x28a: {  	v36 =	vor.u32 v4, v17;
	v31 =	vor.u32 v3, v31;
	v18 =	vadd.f32 v18, v35;
	v44 =	vld [tilespmem:s5+$0x28]  }
0x28b: {  	v20 =	vadd.f32 v27, v15;
	v19 =	vshll.u32 v25, $0x5;
	v23 =	vadd.f32 v28, v16;
	v28 =	vld [tilespmem:s9+$0xFFFFFF88]  }
0x28c: {  	v47 =	vld [tilespmem:s6+$0x8040];
	[tilespmem:s24+$0xF0] =	vst v18;
	v18 =	vor.u32 v6, v19  }
0x28d: {  	v27 =	vadd.f32 v29, v14;
	v29 =	vor.u32 v5, v21;
	[tilespmem:s0+$0xFFFFFEF0] =	vst v20;
	v20 =	vshll.u32 v42, $0x5;
	v25 =	vld.idx.msk [tilespmem:v30+s4+$0x0], $0xffff  }
0x28e: {  	[tilespmem:s26+$0xFFFFFF10] =	vst v23;
	v23 =	vld.idx.msk [tilespmem:v26+s4+$0x0], $0xffff;
	v26 =	vor.u32 v6, v20  }
0x28f: {  	[tilespmem:s24+$0xFFFFFEA0] =	vst v27;
	v27 =	vld.idx.msk [tilespmem:v31+s4+$0x0], $0xffff;
	v24 =	vadd.f32 v24, v43  }
0x290: {  	v22 =	vor.u32 v3, v22;
	v31 =	vld.idx.msk [tilespmem:v36+s4+$0x0], $0xffff;
	v30 =	vshll.u32 v44, $0x5  }
0x291: {  	[tilespmem:s26+$0x40] =	vst v24;
	v45 =	vor.u32 v6, v30;
	v24 =	vld.idx.msk [tilespmem:v18+s4+$0x0], $0xffff  }
0x292: {  	v18 =	vadd.f32 v25, v35;
	v25 =	vshll.u32 v28, $0x5;
	v28 =	vld.idx.msk [tilespmem:v29+s4+$0x0], $0xffff  }
0x293: {  	s14 =	sadd.s32 $0x102, s13;
	v26 =	vld.idx.msk [tilespmem:v26+s4+$0x0], $0xffff;
	v29 =	vor.u32 v6, v25  }
0x294: {  	[tilespmem:s24+$0x180] =	vst v18;
	v18 =	vld [tilespmem:s14+$0x0]  }
0x295: {  	v46 =	vor.u32 v4, v21;
	v22 =	vld.idx.msk [tilespmem:v22+s4+$0x0], $0xffff  }
0x296: {  	v23 =	vadd.f32 v23, v15;
	v32 =	vld.idx.msk [tilespmem:v45+s4+$0x0], $0xffff  }
0x297: {  	v15 =	vld [tilespmem:s14+$0xFFFFFF7F];
	v28 =	vadd.f32 v28, v43  }
0x298: {  	[tilespmem:s0+$0xFFFFFF80] =	vst v23;
	v23 =	vmul.f32 v2, v26;
	v29 =	vld.idx.msk [tilespmem:v29+s4+$0x0], $0xffff  }
0x299: {  	v37 =	vor.u32 v5, v30;
	v27 =	vadd.f32 v27, v16;
	[tilespmem:s26+$0xD0] =	vst v28;
	v28 =	vld [tilespmem:s5+$0xFFFFFFA8]  }
0x29a: {  	v48 =	vor.u32 v5, v20;
	v23 =	vadd.f32 v23, v18;
	v26 =	vld.idx.msk [tilespmem:v46+s4+$0x0], $0xffff;
	v22 =	vadd.f32 v22, v35  }
0x29b: {  	v16 =	vld [tilespmem:s3+$0x8040];
	[tilespmem:s26+$0xFFFFFFA0] =	vst v27;
	v32 =	vadd.f32 v32, v47  }
0x29c: {  	v51 =	vld [tilespmem:s29+$0xFFFFFFC8];
	v23 =	vadd.f32 v23, v7;
	[tilespmem:s24+$0x210] =	vst v22;
	v22 =	vor.u32 v3, v17  }
0x29d: {  	s1 =	sadd.s32 $0x480, s0;
	v21 =	vor.u32 v3, v21;
	v50 =	vor.u32 v5, v25;
	[tilespmem:s0+$0x20] =	vst v32;
	v49 =	vld [tilespmem:s25+$0x78];
	v17 =	vmul.f32 v2, v29  }
0x29e: {  	v31 =	vadd.f32 v31, v14;
	v29 =	vor.u32 v5, v19;
	[tilespmem:s1+$0x0] =	vst v23;
	v27 =	vld.idx.msk [tilespmem:v37+s4+$0x0], $0xffff  }
0x29f: {  	v23 =	vshll.u32 v28, $0x5;
	v28 =	vld.idx.msk [tilespmem:v48+s4+$0x0], $0xffff;
	v26 =	vadd.f32 v26, v43;
	v38 =	vadd.f32 v17, v15  }
0x2a0: {  	[tilespmem:s24+$0xFFFFFF30] =	vst v31;
	v24 =	vadd.f32 v24, v11;
	v17 =	vld [tilespmem:s31+$0x8060];
	v52 =	vor.u32 v6, v23  }
0x2a1: {  	v31 =	vor.u32 v4, v30;
	[tilespmem:s26+$0x160] =	vst v26;
	v26 =	vadd.f32 v38, v7;
	v22 =	vld.idx.msk [tilespmem:v22+s4+$0x0], $0xffff  }
0x2a2: {  	[tilespmem:s23+$0xFFFFFE30] =	vst v24;
	v32 =	vshll.u32 v49, $0x5;
	v21 =	vld.idx.msk [tilespmem:v21+s4+$0x0], $0xffff  }
0x2a3: {  	v24 =	vor.u32 v6, v32;
	[tilespmem:s1+$0xFFFFFDC0] =	vst v26;
	v26 =	vadd.f32 v27, v47;
	v27 =	vld.idx.msk [tilespmem:v29+s4+$0x0], $0xffff;
	v29 =	vshll.u32 v51, $0x5  }
0x2a4: {  	v35 =	vld.idx.msk [tilespmem:v50+s4+$0x0], $0xffff;
	v37 =	vor.u32 v6, v29  }
0x2a5: {  	v34 =	vld.idx.msk [tilespmem:v52+s4+$0x0], $0xffff;
	[tilespmem:s0+$0xB0] =	vst v26  }
0x2a6: {  	v26 =	vmul.f32 v2, v28;
	v28 =	vld.idx.msk [tilespmem:v31+s4+$0x0], $0xffff  }
0x2a7: {  	v14 =	vadd.f32 v22, v14;
	v31 =	vld [tilespmem:s2+$0x8090]  }
0x2a8: {  	v21 =	vadd.f32 v21, v43;
	v24 =	vld.idx.msk [tilespmem:v24+s4+$0x0], $0xffff  }
0x2a9: {  	v22 =	vadd.f32 v26, v18;
	v26 =	vor.u32 v4, v20;
	[tilespmem:s24+$0xFFFFFFC0] =	vst v14;
	v37 =	vld.idx.msk [tilespmem:v37+s4+$0x0], $0xffff  }
0x2aa: {  	v27 =	vadd.f32 v27, v11;
	[tilespmem:s26+$0x1F0] =	vst v21;
	v21 =	vor.u32 v5, v23;
	v54 =	vld [tilespmem:s25+$0xFFFFFFE8]  }
0x2ab: {  	v30 =	vor.u32 v3, v30;
	v14 =	vmul.f32 v2, v35;
	v22 =	vadd.f32 v22, v8;
	v53 =	vld [tilespmem:s29+$0x58]  }
0x2ac: {  	v55 =	vor.u32 v5, v32;
	v34 =	vadd.f32 v34, v16;
	[tilespmem:s23+$0xFFFFFEC0] =	vst v27  }
0x2ad: {  	v39 =	vor.u32 v4, v25;
	v28 =	vadd.f32 v28, v47;
	v40 =	vadd.f32 v14, v15;
	[tilespmem:s1+$0x90] =	vst v22;
	v14 =	vld [tilespmem:s28+$0x8080]  }
0x2ae: {  	v22 =	vor.u32 v5, v29;
	[tilespmem:s0+$0xFFFFFDE0] =	vst v34;
	v26 =	vld.idx.msk [tilespmem:v26+s4+$0x0], $0xffff;
	v24 =	vadd.f32 v24, v31  }
0x2af: {  	[tilespmem:s0+$0x140] =	vst v28;
	v28 =	vor.u32 v4, v19;
	v56 =	vadd.f32 v40, v8;
	v57 =	vld.idx.msk [tilespmem:v21+s4+$0x0], $0xffff;
	v21 =	vshll.u32 v54, $0x5  }
0x2b0: {  	v30 =	vld.idx.msk [tilespmem:v30+s4+$0x0], $0xffff;
	v37 =	vadd.f32 v37, v17;
	v33 =	vshll.u32 v53, $0x5;
	[tilespmem:s24+$0x70] =	vst v24;
	v27 =	vor.u32 v6, v21  }
0x2b1: {  	[tilespmem:s1+$0xFFFFFE50] =	vst v56;
	v24 =	vor.u32 v6, v33;
	v58 =	vld.idx.msk [tilespmem:v55+s4+$0x0], $0xffff  }
0x2b2: {  	v59 =	vld.idx.msk [tilespmem:v39+s4+$0x0], $0xffff;
	[tilespmem:s26+$0xFFFFFE00] =	vst v37  }
0x2b3: {  	v22 =	vld.idx.msk [tilespmem:v22+s4+$0x0], $0xffff;
	v26 =	vmul.f32 v2, v26  }
0x2b4: {  	v60 =	vor.u32 v4, v32;
	v28 =	vld.idx.msk [tilespmem:v28+s4+$0x0], $0xffff  }
0x2b5: {  	v20 =	vor.u32 v3, v20;
	v30 =	vadd.f32 v30, v47;
	v26 =	vadd.f32 v26, v18;
	v27 =	vld.idx.msk [tilespmem:v27+s4+$0x0], $0xffff  }
0x2b6: {  	v61 =	vor.u32 v4, v23;
	v24 =	vld.idx.msk [tilespmem:v24+s4+$0x0], $0xffff;
	v34 =	vadd.f32 v58, v31  }
0x2b7: {  	[tilespmem:s0+$0x1D0] =	vst v30;
	v30 =	vld [tilespmem:s30+$0x8070];
	v35 =	vmul.f32 v2, v59;
	v26 =	vadd.f32 v26, v9  }
0x2b8: {  	v25 =	vor.u32 v3, v25;
	v62 =	vor.u32 v4, v29;
	v40 =	vadd.f32 v57, v16;
	v63 =	vld [tilespmem:s5+$0x38];
	[tilespmem:s24+$0x100] =	vst v34  }
0x2b9: {  	v22 =	vadd.f32 v22, v17;
	v41 =	vadd.f32 v35, v15;
	[tilespmem:s1+$0x120] =	vst v26;
	v26 =	vld.idx.msk [tilespmem:v60+s4+$0x0], $0xffff  }
0x2ba: {  	v42 =	vor.u32 v5, v33;
	[tilespmem:s0+$0xFFFFFE70] =	vst v40;
	v28 =	vadd.f32 v28, v11;
	v20 =	vld.idx.msk [tilespmem:v20+s4+$0x0], $0xffff  }
0x2bb: {  	v19 =	vor.u32 v3, v19;
	v44 =	vld.idx.msk [tilespmem:v61+s4+$0x0], $0xffff;
	[tilespmem:s26+$0xFFFFFE90] =	vst v22;
	v22 =	vadd.f32 v41, v9  }
0x2bc: {  	v43 =	vor.u32 v5, v21;
	v48 =	vld [tilespmem:s6+$0x8050];
	[tilespmem:s23+$0xFFFFFF50] =	vst v28;
	v24 =	vadd.f32 v24, v30  }
0x2bd: {  	v32 =	vor.u32 v3, v32;
	v28 =	vld.idx.msk [tilespmem:v62+s4+$0x0], $0xffff;
	v45 =	vshll.u32 v63, $0x5;
	[tilespmem:s1+$0xFFFFFEE0] =	vst v22  }
0x2be: {  	v27 =	vadd.f32 v27, v14;
	v22 =	vor.u32 v6, v45;
	v25 =	vld.idx.msk [tilespmem:v25+s4+$0x0], $0xffff;
	[tilespmem:s26+$0x50] =	vst v24  }
0x2bf: {  	v23 =	vor.u32 v3, v23;
	v24 =	vadd.f32 v26, v31;
	v26 =	vld.idx.msk [tilespmem:v42+s4+$0x0], $0xffff;
	v20 =	vmul.f32 v2, v20  }
0x2c0: {  	v19 =	vld.idx.msk [tilespmem:v19+s4+$0x0], $0xffff;
	[tilespmem:s24+$0xFFFFFE20] =	vst v27;
	v27 =	vor.u32 v3, v29  }
0x2c1: {  	v29 =	vld.idx.msk [tilespmem:v43+s4+$0x0], $0xffff;
	[tilespmem:s24+$0x190] =	vst v24;
	v24 =	vadd.f32 v44, v16;
	v18 =	vadd.f32 v20, v18  }
0x2c2: {  	v46 =	vor.u32 v4, v33;
	v28 =	vadd.f32 v28, v17;
	v20 =	vld.idx.msk [tilespmem:v32+s4+$0x0], $0xffff  }
0x2c3: {  	v47 =	vor.u32 v4, v21;
	v22 =	vld.idx.msk [tilespmem:v22+s4+$0x0], $0xffff;
	[tilespmem:s0+$0xFFFFFF00] =	vst v24;
	v18 =	vadd.f32 v18, v10  }
0x2c4: {  	[tilespmem:s26+$0xFFFFFF20] =	vst v28;
	v25 =	vmul.f32 v2, v25;
	v23 =	vld.idx.msk [tilespmem:v23+s4+$0x0], $0xffff;
	v24 =	vadd.f32 v26, v30  }
0x2c5: {  	s15 =	sadd.s32 $0x102, s8;
	v11 =	vadd.f32 v19, v11;
	[tilespmem:s1+$0x1B0] =	vst v18;
	v18 =	vld.idx.msk [tilespmem:v27+s4+$0x0], $0xffff  }
0x2c6: {  	s7 =	sadd.s32 $0x81, s15;
	v26 =	vadd.f32 v29, v14;
	v15 =	vadd.f32 v25, v15;
	v19 =	vld [tilespmem:s9+$0x18];
	[tilespmem:s26+$0xE0] =	vst v24  }
0x2c7: {  	s17 =	sand.u32 $0x7FFE, s7;
	[tilespmem:s23+$0xFFFFFFE0] =	vst v11;
	v24 =	vld.idx.msk [tilespmem:v46+s4+$0x0], $0xffff;
	v20 =	vadd.f32 v20, v31  }
0x2c8: {  	[tilespmem:s24+$0xFFFFFEB0] =	vst v26;
	v15 =	vadd.f32 v15, v10;
	v31 =	vld [tilespmem:s17+$0x8030]  }
0x2c9: {  	v27 =	vor.u32 v5, v45;
	v11 =	vadd.f32 v22, v48;
	v22 =	vld.idx.msk [tilespmem:v47+s4+$0x0], $0xffff;
	[tilespmem:s24+$0x220] =	vst v20  }
0x2ca: {  	v20 =	vld [tilespmem:s16+$0x0];
	[tilespmem:s1+$0xFFFFFF70] =	vst v15  }
0x2cb: {  	v16 =	vadd.f32 v23, v16;
	[tilespmem:s0+$0x30] =	vst v11;
	v11 =	vld [tilespmem:s25+$0x80]  }
0x2cc: {  	v23 =	vor.u32 v3, v33;
	s16 =	sand.u32 $0x3FFF, s15;
	v17 =	vadd.f32 v18, v17;
	v18 =	vld [tilespmem:s9+$0xFFFFFF98];
	v19 =	vshll.u32 v19, $0x5  }
0x2cd: {  	v28 =	vld [tilespmem:s16+$0x8030];
	v25 =	vor.u32 v6, v19  }
0x2ce: {  	v15 =	vld.idx.msk [tilespmem:v27+s4+$0x0], $0xffff;
	[tilespmem:s0+$0xFFFFFF90] =	vst v16;
	v26 =	vadd.f32 v24, v30  }
0x2cf: {  	v21 =	vor.u32 v3, v21;
	v16 =	vld [tilespmem:s5+$0xFFFFFFB8]  }
0x2d0: {  	v24 =	vld [tilespmem:s3+$0x8050];
	[tilespmem:s26+$0x170] =	vst v26;
	v26 =	vshll.u32 v11, $0x5  }
0x2d1: {  	v22 =	vadd.f32 v22, v14;
	v11 =	vld.idx.msk [tilespmem:v23+s4+$0x0], $0xffff;
	v23 =	vor.u32 v6, v26  }
0x2d2: {  	[tilespmem:s26+$0xFFFFFFB0] =	vst v17;
	v17 =	vor.u32 v4, v45;
	v18 =	vshll.u32 v18, $0x5;
	v25 =	vld.idx.msk [tilespmem:v25+s4+$0x0], $0xffff  }
0x2d3: {  	v27 =	vld [tilespmem:s29+$0xFFFFFFD8];
	[tilespmem:s24+$0xFFFFFF40] =	vst v22;
	v15 =	vadd.f32 v15, v48;
	v29 =	vor.u32 v6, v18  }
0x2d4: {  	v56 =	vld.idx.msk [tilespmem:v21+s4+$0x0], $0xffff  }
0x2d5: {  	v16 =	vshll.u32 v16, $0x5;
	[tilespmem:s0+$0xC0] =	vst v15;
	v15 =	vld [tilespmem:s2+$0x8098]  }
0x2d6: {  	v51 =	vor.u32 v6, v16;
	v11 =	vadd.f32 v11, v30;
	v23 =	vld.idx.msk [tilespmem:v23+s4+$0x0], $0xffff  }
0x2d7: {  	v50 =	vor.u32 v5, v19;
	v54 =	vshll.u32 v20, $0x5;
	v49 =	vld.idx.msk [tilespmem:v17+s4+$0x0], $0xffff;
	v25 =	vadd.f32 v25, v31  }
0x2d8: {  	v55 =	vor.u32 v6, v54;
	v29 =	vld.idx.msk [tilespmem:v29+s4+$0x0], $0xffff;
	[tilespmem:s26+$0x200] =	vst v11  }
0x2d9: {  	v17 =	vld [tilespmem:s31+$0x8070];
	[tilespmem:s1+$0x10] =	vst v25;
	v25 =	vor.u32 v5, v26  }
0x2da: {  	v53 =	vor.u32 v3, v45;
	v11 =	vld [tilespmem:s29+$0x68]  }
0x2db: {  	v20 =	vor.u32 v5, v18;
	v52 =	vshll.u32 v27, $0x5;
	v34 =	vld.idx.msk [tilespmem:v51+s4+$0x0], $0xffff;
	v23 =	vadd.f32 v23, v15  }
0x2dc: {  	v27 =	vor.u32 v6, v52;
	v22 =	vadd.f32 v49, v48;
	v30 =	vld.idx.msk [tilespmem:v50+s4+$0x0], $0xffff  }
0x2dd: {  	v58 =	vld.idx.msk [tilespmem:v55+s4+$0x0], $0xffff;
	v29 =	vadd.f32 v29, v28;
	[tilespmem:s24+$0x78] =	vst v23  }
0x2de: {  	[tilespmem:s0+$0x150] =	vst v22;
	v22 =	vld.idx.msk [tilespmem:v25+s4+$0x0], $0xffff  }
0x2df: {  	v23 =	vor.u32 v4, v19;
	v21 =	vshll.u32 v11, $0x5;
	[tilespmem:s1+$0xFFFFFDD0] =	vst v29;
	v25 =	vld.idx.msk [tilespmem:v53+s4+$0x0], $0xffff  }
0x2e0: {  	v29 =	vor.u32 v6, v21;
	v57 =	vld.idx.msk [tilespmem:v20+s4+$0x0], $0xffff;
	v20 =	vadd.f32 v34, v24  }
0x2e1: {  	v27 =	vld.idx.msk [tilespmem:v27+s4+$0x0], $0xffff;
	v11 =	vadd.f32 v30, v31;
	v30 =	vor.u32 v5, v16  }
0x2e2: {  	v59 =	vor.u32 v4, v26;
	[tilespmem:s0+$0xFFFFFDF0] =	vst v20;
	v20 =	vld [tilespmem:s30+$0x8080]  }
0x2e3: {  	v12 =	vadd.f32 v13, v12;
	[tilespmem:s1+$0xA0] =	vst v11;
	v11 =	vld [tilespmem:s12+$0x8098]  }
0x2e4: {  	v60 =	vor.u32 v4, v18;
	v23 =	vld.idx.msk [tilespmem:v23+s4+$0x0], $0xffff;
	v22 =	vadd.f32 v22, v15  }
0x2e5: {  	[tilespmem:s23+$0x228] =	vst v12;
	v61 =	vor.u32 v5, v52;
	v29 =	vld.idx.msk [tilespmem:v29+s4+$0x0], $0xffff;
	v25 =	vadd.f32 v25, v48  }
0x2e6: {  	v33 =	vadd.f32 v57, v28;
	v30 =	vld.idx.msk [tilespmem:v30+s4+$0x0], $0xffff;
	[tilespmem:s24+$0x108] =	vst v22  }
0x2e7: {  	v19 =	vor.u32 v3, v19;
	v22 =	vadd.f32 v27, v17;
	[tilespmem:s0+$0x1E0] =	vst v25;
	v25 =	vld.idx.msk [tilespmem:v59+s4+$0x0], $0xffff  }
0x2e8: {  	v12 =	vor.u32 v3, v54;
	v13 =	vadd.f32 v56, v14;
	[tilespmem:s1+$0xFFFFFE60] =	vst v33;
	v62 =	vld [tilespmem:s5+$0x48]  }
0x2e9: {  	v33 =	vld.idx.msk [tilespmem:v60+s4+$0x0], $0xffff;
	[tilespmem:s26+$0xFFFFFE10] =	vst v22;
	v22 =	vor.u32 v5, v21;
	v23 =	vadd.f32 v23, v31  }
0x2ea: {  	v63 =	vor.u32 v4, v16;
	[tilespmem:s24+$0xFFFFFFD0] =	vst v13;
	v40 =	vld.idx.msk [tilespmem:v61+s4+$0x0], $0xffff;
	v27 =	vadd.f32 v29, v20  }
0x2eb: {  	v41 =	vor.u32 v3, v26;
	v34 =	vor.u32 v3, v18;
	v29 =	vld [tilespmem:s25+$0xFFFFFFF8];
	[tilespmem:s1+$0x130] =	vst v23;
	v18 =	vadd.f32 v30, v24  }
0x2ec: {  	v14 =	vor.u32 v5, v54;
	v37 =	vld.idx.msk [tilespmem:v19+s4+$0x0], $0xffff;
	[tilespmem:s26+$0x60] =	vst v27;
	v19 =	vadd.f32 v58, v11  }
0x2ed: {  	v30 =	vor.u32 v3, v16;
	v16 =	vadd.f32 v25, v15;
	[tilespmem:s0+$0xFFFFFE80] =	vst v18;
	v32 =	vshll.u32 v62, $0x5  }
0x2ee: {  	v25 =	vadd.f32 v33, v28;
	v27 =	vld.idx.msk [tilespmem:v22+s4+$0x0], $0xffff;
	[tilespmem:s23+$0xFFFFFE38] =	vst v19;
	v36 =	vor.u32 v6, v32  }
0x2ef: {  	s13 =	sshll.u32 s19, $0x4;
	v13 =	vor.u32 v4, v54;
	v26 =	vor.u32 v4, v52;
	v35 =	vld.idx.msk [tilespmem:v63+s4+$0x0], $0xffff;
	[tilespmem:s24+$0x198] =	vst v16  }
0x2f0: {  	s8 =	simm.s32 $0x8;
	s2 =	sand.u32 $0x70, s13;
	v22 =	vor.u32 v3, v52;
	v33 =	vadd.f32 v40, v17;
	v23 =	vshll.u32 v29, $0x5;
	v16 =	vld [tilespmem:s28+$0x8090];
	[tilespmem:s1+$0xFFFFFEF0] =	vst v25  }
0x2f1: {  	s13 =	sadd.s32 $0x100, s9;
	s12 =	sor.u32 $0x1, s2;
	s2 =	smov.u32 s1;
	v29 =	vor.u32 v4, v21;
	v18 =	vld.idx.msk [tilespmem:v41+s4+$0x0], $0xffff;
	v25 =	vor.u32 v6, v23;
	v19 =	vor.u32 v5, v23  }
.LBB2_13:
0x2f2: {  	v38 =	vld [tilespmem:s13+$0x8];
	v37 =	vadd.f32 v37, v31;
	[tilespmem:s26+$0xFFFFFEA0] =	vst v33;
	v31 =	vor.u32 v4, v23;
	v23 =	vor.u32 v3, v23  }
0x2f3: {  	v27 =	vadd.f32 v27, v20;
	v36 =	vld.idx.msk [tilespmem:v36+s4+$0x0], $0xffff  }
0x2f4: {  	[tilespmem:s1+$0x1C0] =	vst v37;
	v33 =	vld [tilespmem:s6+$0x8060]  }
0x2f5: {  	v35 =	vadd.f32 v35, v24;
	v37 =	vld [tilespmem:s9+$0x28];
	[tilespmem:s26+$0xF0] =	vst v27  }
0x2f6: {  	s8 =	sadd.s32 $0x2, s8;
	v15 =	vadd.f32 v18, v15;
	v29 =	vld.idx.msk [tilespmem:v29+s4+$0x0], $0xffff  }
0x2f7: {  	p2 =	slt.u32 s8, $0xE;
	v18 =	vld [tilespmem:s13+$0xFFFFFF88];
	[tilespmem:s0+$0xFFFFFF10] =	vst v35;
	v35 =	vor.u32 v5, v32  }
0x2f8: {  	v27 =	vshll.u32 v38, $0x5;
	v34 =	vld.idx.msk [tilespmem:v34+s4+$0x0], $0xffff;
	[tilespmem:s24+$0x228] =	vst v15  }
0x2f9: {  	v15 =	vor.u32 v6, v27;
	v30 =	vld.idx.msk [tilespmem:v30+s4+$0x0], $0xffff;
	v36 =	vadd.f32 v36, v33  }
0x2fa: {  	v21 =	vor.u32 v3, v21;
	v37 =	vshll.u32 v37, $0x5;
	v26 =	vld.idx.msk [tilespmem:v26+s4+$0x0], $0xffff  }
0x2fb: {  	v38 =	vor.u32 v6, v37;
	[tilespmem:s0+$0x40] =	vst v36;
	v36 =	vld.idx.msk [tilespmem:v25+s4+$0x0], $0xffff  }
0x2fc: {  	v39 =	vadd.f32 v29, v20;
	v18 =	vshll.u32 v18, $0x5;
	v35 =	vld.idx.msk [tilespmem:v35+s4+$0x0], $0xffff  }
0x2fd: {  	v40 =	vor.u32 v6, v18;
	v41 =	vor.u32 v5, v18;
	v29 =	vor.u32 v4, v18;
	v14 =	vld.idx.msk [tilespmem:v14+s4+$0x0], $0xffff  }
0x2fe: {  	v25 =	vor.u32 v3, v18;
	v18 =	vadd.f32 v34, v28;
	v15 =	vld.idx.msk [tilespmem:v15+s4+$0x0], $0xffff;
	[tilespmem:s26+$0x180] =	vst v39  }
0x2ff: {  	v24 =	vadd.f32 v30, v24;
	v30 =	vld.idx.msk [tilespmem:v21+s4+$0x0], $0xffff  }
0x300: {  	v34 =	vor.u32 v4, v32;
	v21 =	vadd.f32 v26, v17;
	[tilespmem:s1+$0xFFFFFF80] =	vst v18;
	v18 =	vld.idx.msk [tilespmem:v38+s4+$0x0], $0xffff  }
0x301: {  	s14 =	sadd.s32 $0x102, s14;
	v26 =	vadd.f32 v36, v16;
	v28 =	vld [tilespmem:s17+$0x8040];
	[tilespmem:s0+$0xFFFFFFA0] =	vst v24  }
0x302: {  	v35 =	vadd.f32 v35, v33;
	v24 =	vld [tilespmem:s14+$0x0];
	[tilespmem:s26+$0xFFFFFF30] =	vst v21  }
0x303: {  	v14 =	vadd.f32 v14, v11;
	v36 =	vld.idx.msk [tilespmem:v40+s4+$0x0], $0xffff;
	[tilespmem:s24+$0xFFFFFE30] =	vst v26  }
0x304: {  	v26 =	vor.u32 v5, v37;
	v21 =	vld [tilespmem:s14+$0xFFFFFF7F];
	[tilespmem:s0+$0xD0] =	vst v35  }
0x305: {  	v15 =	vmul.f32 v2, v15;
	v20 =	vadd.f32 v30, v20;
	v34 =	vld.idx.msk [tilespmem:v34+s4+$0x0], $0xffff;
	[tilespmem:s23+$0xFFFFFEC8] =	vst v14  }
0x306: {  	v30 =	vld [tilespmem:s9+$0xFFFFFFA8];
	v18 =	vadd.f32 v18, v28  }
0x307: {  	v35 =	vor.u32 v5, v27;
	v15 =	vadd.f32 v15, v24;
	v14 =	vld [tilespmem:s16+$0x8040];
	[tilespmem:s26+$0x210] =	vst v20  }
0x308: {  	[tilespmem:s1+$0x20] =	vst v18;
	v18 =	vld [tilespmem:s29+$0x78]  }
0x309: {  	v32 =	vor.u32 v3, v32;
	v20 =	vmul.f32 v2, v36;
	v15 =	vadd.f32 v15, v7;
	v26 =	vld.idx.msk [tilespmem:v26+s4+$0x0], $0xffff  }
0x30a: {  	s1 =	sadd.s32 $0x480, s1;
	v36 =	vld [tilespmem:s5+$0xFFFFFFC8]  }
0x30b: {  	v20 =	vadd.f32 v20, v21;
	v34 =	vadd.f32 v34, v33;
	[tilespmem:s1+$0x0] =	vst v15;
	v30 =	vshll.u32 v30, $0x5;
	v15 =	vld [tilespmem:s3+$0x8060]  }
0x30c: {  	v35 =	vld.idx.msk [tilespmem:v35+s4+$0x0], $0xffff;
	v38 =	vor.u32 v6, v30;
	v39 =	vor.u32 v5, v30;
	v40 =	vor.u32 v4, v30  }
0x30d: {  	v43 =	vor.u32 v4, v37;
	v42 =	vadd.f32 v20, v7;
	[tilespmem:s0+$0x160] =	vst v34;
	v34 =	vld.idx.msk [tilespmem:v22+s4+$0x0], $0xffff;
	v44 =	vshll.u32 v18, $0x5  }
0x30e: {  	v20 =	vor.u32 v3, v30;
	v18 =	vld.idx.msk [tilespmem:v32+s4+$0x0], $0xffff;
	v30 =	vor.u32 v6, v44  }
0x30f: {  	v22 =	vadd.f32 v26, v28;
	[tilespmem:s1+$0xFFFFFDC0] =	vst v42;
	v26 =	vshll.u32 v36, $0x5;
	v19 =	vld.idx.msk [tilespmem:v19+s4+$0x0], $0xffff  }
0x310: {  	v32 =	vld.idx.msk [tilespmem:v41+s4+$0x0], $0xffff;
	v36 =	vor.u32 v6, v26;
	v41 =	vor.u32 v5, v26;
	v42 =	vor.u32 v4, v26  }
0x311: {  	v38 =	vld.idx.msk [tilespmem:v38+s4+$0x0], $0xffff;
	[tilespmem:s2+$0xB0] =	vst v22;
	v22 =	vor.u32 v3, v26  }
0x312: {  	v26 =	vmul.f32 v2, v35;
	v35 =	vld.idx.msk [tilespmem:v43+s4+$0x0], $0xffff  }
0x313: {  	v17 =	vadd.f32 v34, v17;
	v30 =	vld.idx.msk [tilespmem:v30+s4+$0x0], $0xffff  }
0x314: {  	v43 =	vor.u32 v4, v27;
	v34 =	vadd.f32 v26, v24;
	v18 =	vadd.f32 v18, v33;
	v26 =	vld [tilespmem:s30+$0x8090]  }
0x315: {  	v33 =	vld.idx.msk [tilespmem:v36+s4+$0x0], $0xffff;
	[tilespmem:s26+$0xFFFFFFC0] =	vst v17;
	v17 =	vadd.f32 v19, v16  }
0x316: {  	v19 =	vmul.f32 v2, v32;
	v32 =	vadd.f32 v34, v8;
	v34 =	vor.u32 v3, v37;
	[tilespmem:s0+$0x1F0] =	vst v18;
	v36 =	vld [tilespmem:s29+$0xFFFFFFE8]  }
0x317: {  	v45 =	vor.u32 v5, v44;
	v37 =	vadd.f32 v38, v14;
	v38 =	vld [tilespmem:s5+$0x58];
	[tilespmem:s24+$0xFFFFFEC0] =	vst v17  }
0x318: {  	v17 =	vadd.f32 v19, v21;
	v19 =	vadd.f32 v35, v28;
	[tilespmem:s1+$0x90] =	vst v32;
	v18 =	vld [tilespmem:s31+$0x8080]  }
0x319: {  	v32 =	vld.idx.msk [tilespmem:v43+s4+$0x0], $0xffff;
	[tilespmem:s2+$0xFFFFFDE0] =	vst v37;
	v30 =	vadd.f32 v30, v26  }
0x31a: {  	v17 =	vadd.f32 v17, v8;
	v35 =	vld.idx.msk [tilespmem:v39+s4+$0x0], $0xffff;
	[tilespmem:s2+$0x140] =	vst v19  }
0x31b: {  	v19 =	vadd.f32 v33, v15;
	v34 =	vld.idx.msk [tilespmem:v34+s4+$0x0], $0xffff;
	v33 =	vshll.u32 v36, $0x5;
	[tilespmem:s26+$0x70] =	vst v30  }
0x31c: {  	[tilespmem:s1+$0xFFFFFE50] =	vst v17;
	v30 =	vshll.u32 v38, $0x5;
	v17 =	vor.u32 v6, v33;
	v36 =	vor.u32 v5, v33;
	v37 =	vld.idx.msk [tilespmem:v45+s4+$0x0], $0xffff  }
0x31d: {  	v39 =	vor.u32 v4, v33;
	v29 =	vld.idx.msk [tilespmem:v29+s4+$0x0], $0xffff;
	[tilespmem:s0+$0xFFFFFE00] =	vst v19;
	v38 =	vor.u32 v6, v30  }
0x31e: {  	v19 =	vor.u32 v3, v33;
	v41 =	vld.idx.msk [tilespmem:v41+s4+$0x0], $0xffff  }
0x31f: {  	v32 =	vmul.f32 v2, v32;
	v31 =	vld.idx.msk [tilespmem:v31+s4+$0x0], $0xffff  }
0x320: {  	v33 =	vadd.f32 v35, v14;
	v35 =	vor.u32 v4, v44;
	v13 =	vld.idx.msk [tilespmem:v13+s4+$0x0], $0xffff  }
0x321: {  	v27 =	vor.u32 v3, v27;
	v32 =	vadd.f32 v32, v24;
	v28 =	vadd.f32 v34, v28;
	v34 =	vld.idx.msk [tilespmem:v17+s4+$0x0], $0xffff  }
0x322: {  	v37 =	vadd.f32 v37, v26;
	[tilespmem:s2+$0xFFFFFE70] =	vst v33;
	v33 =	vld.idx.msk [tilespmem:v38+s4+$0x0], $0xffff  }
0x323: {  	v29 =	vmul.f32 v2, v29;
	v32 =	vadd.f32 v32, v9;
	[tilespmem:s2+$0x1D0] =	vst v28;
	v17 =	vld [tilespmem:s6+$0x8070]  }
0x324: {  	v38 =	vadd.f32 v41, v15;
	v28 =	vld [tilespmem:s9+$0x38];
	[tilespmem:s26+$0x100] =	vst v37  }
0x325: {  	v29 =	vadd.f32 v29, v21;
	v31 =	vadd.f32 v31, v16;
	[tilespmem:s1+$0x120] =	vst v32;
	v32 =	vld.idx.msk [tilespmem:v35+s4+$0x0], $0xffff  }
0x326: {  	v37 =	vor.u32 v5, v30;
	v13 =	vadd.f32 v13, v11;
	v35 =	vld.idx.msk [tilespmem:v27+s4+$0x0], $0xffff;
	[tilespmem:s0+$0xFFFFFE90] =	vst v38  }
0x327: {  	v27 =	vadd.f32 v29, v9;
	v34 =	vadd.f32 v34, v18;
	v29 =	vld.idx.msk [tilespmem:v40+s4+$0x0], $0xffff;
	[tilespmem:s24+$0xFFFFFF50] =	vst v31  }
0x328: {  	v31 =	vld.idx.msk [tilespmem:v42+s4+$0x0], $0xffff;
	v33 =	vadd.f32 v33, v17;
	[tilespmem:s23+$0xFFFFFF58] =	vst v13  }
0x329: {  	v13 =	vor.u32 v3, v44;
	[tilespmem:s1+$0xFFFFFEE0] =	vst v27;
	v27 =	vshll.u32 v28, $0x5;
	v23 =	vld.idx.msk [tilespmem:v23+s4+$0x0], $0xffff  }
0x32a: {  	v25 =	vld.idx.msk [tilespmem:v25+s4+$0x0], $0xffff;
	v28 =	vor.u32 v6, v27;
	[tilespmem:s0+$0x50] =	vst v33  }
0x32b: {  	v32 =	vadd.f32 v32, v26;
	v33 =	vld.idx.msk [tilespmem:v37+s4+$0x0], $0xffff;
	[tilespmem:s26+$0xFFFFFE20] =	vst v34  }
0x32c: {  	v34 =	vmul.f32 v2, v35;
	v35 =	vld.idx.msk [tilespmem:v36+s4+$0x0], $0xffff  }
0x32d: {  	v29 =	vadd.f32 v29, v14;
	[tilespmem:s26+$0x190] =	vst v32;
	v12 =	vld.idx.msk [tilespmem:v12+s4+$0x0], $0xffff  }
0x32e: {  	v24 =	vadd.f32 v34, v24;
	v31 =	vadd.f32 v31, v15;
	v13 =	vld.idx.msk [tilespmem:v13+s4+$0x0], $0xffff  }
0x32f: {  	v23 =	vadd.f32 v23, v16;
	[tilespmem:s2+$0xFFFFFF00] =	vst v29;
	v28 =	vld.idx.msk [tilespmem:v28+s4+$0x0], $0xffff;
	v29 =	vor.u32 v4, v30  }
0x330: {  	v25 =	vmul.f32 v2, v25;
	v24 =	vadd.f32 v24, v10;
	v16 =	vld [tilespmem:s17+$0x8050];
	[tilespmem:s0+$0xFFFFFF20] =	vst v31  }
0x331: {  	v31 =	vadd.f32 v33, v17;
	v20 =	vld.idx.msk [tilespmem:v20+s4+$0x0], $0xffff;
	[tilespmem:s24+$0xFFFFFFE0] =	vst v23  }
0x332: {  	v21 =	vadd.f32 v25, v21;
	v23 =	vadd.f32 v35, v18;
	[tilespmem:s1+$0x1B0] =	vst v24;
	v22 =	vld.idx.msk [tilespmem:v22+s4+$0x0], $0xffff  }
0x333: {  	v25 =	vor.u32 v5, v27;
	v11 =	vadd.f32 v12, v11;
	v24 =	vld [tilespmem:s13+$0x18];
	[tilespmem:s0+$0xE0] =	vst v31  }
0x334: {  	v12 =	vadd.f32 v21, v10;
	v13 =	vadd.f32 v13, v26;
	v21 =	vld.idx.msk [tilespmem:v29+s4+$0x0], $0xffff;
	[tilespmem:s26+$0xFFFFFEB0] =	vst v23  }
0x335: {  	v23 =	vadd.f32 v28, v16;
	v26 =	vld.idx.msk [tilespmem:v39+s4+$0x0], $0xffff;
	[tilespmem:s23+$0xFFFFFFE8] =	vst v11;
	s23 =	smov.u32 s24;
	s24 =	smov.u32 s26;
	s26 =	smov.u32 s0  }
0x336: {  	s0 =	smov.u32 s2;
	s2 =	smov.u32 s1;
	[tilespmem:s24+$0x220] =	vst v13;
	v11 =	vld [tilespmem:s25+$0x0];
	s25 =	smov.u32 s29  }
0x337: {  	v13 =	vadd.f32 v20, v14;
	s29 =	smov.u32 s5;
	s5 =	smov.u32 s9;
	s9 =	smov.u32 s13;
	[tilespmem:s0+$0x30] =	vst v23;
	v14 =	vld [tilespmem:s25+$0x80]  }
0x338: {  	v20 =	vor.u32 v3, v30;
	v15 =	vadd.f32 v22, v15;
	[tilespmem:s1+$0xFFFFFF70] =	vst v12;
	v23 =	vshll.u32 v24, $0x5;
	v12 =	vld.idx.msk [tilespmem:v25+s4+$0x0], $0xffff  }
0x339: {  	v22 =	vld [tilespmem:s13+$0xFFFFFF98];
	v25 =	vor.u32 v6, v23;
	[tilespmem:s0+$0xFFFFFF90] =	vst v13  }
0x33a: {  	v13 =	vadd.f32 v21, v17;
	v29 =	vld [tilespmem:s5+$0xFFFFFFB8];
	[tilespmem:s26+$0xFFFFFFB0] =	vst v15  }
0x33b: {  	v15 =	vadd.f32 v26, v18;
	v24 =	vld [tilespmem:s16+$0x8050];
	v11 =	vshll.u32 v11, $0x5  }
0x33c: {  	s15 =	sadd.s32 $0x102, s15;
	v21 =	vor.u32 v4, v27;
	v26 =	vld [tilespmem:s29+$0xFFFFFFD8];
	[tilespmem:s26+$0x170] =	vst v13;
	v32 =	vshll.u32 v14, $0x5;
	v33 =	vor.u32 v6, v11  }
0x33d: {  	s7 =	sand.u32 $0x3FFF, s15;
	s10 =	sadd.s32 $0x81, s15;
	v14 =	vor.u32 v5, v11;
	v20 =	vld.idx.msk [tilespmem:v20+s4+$0x0], $0xffff;
	[tilespmem:s24+$0xFFFFFF40] =	vst v15;
	v15 =	vor.u32 v6, v32  }
0x33e: {  	s10 =	sand.u32 $0x7FFE, s10;
	v13 =	vor.u32 v4, v11;
	v12 =	vadd.f32 v12, v16;
	v22 =	vshll.u32 v22, $0x5;
	v25 =	vld.idx.msk [tilespmem:v25+s4+$0x0], $0xffff  }
0x33f: {  	v35 =	vor.u32 v6, v22;
	v36 =	vor.u32 v5, v22;
	v37 =	vor.u32 v4, v22;
	v31 =	vld [tilespmem:s10+$0x8030]  }
0x340: {  	v34 =	vor.u32 v3, v22;
	v22 =	vshll.u32 v29, $0x5;
	v28 =	vld [tilespmem:s7+$0x8030];
	[tilespmem:s0+$0xC0] =	vst v12;
	v12 =	vor.u32 v3, v11  }
0x341: {  	v11 =	vor.u32 v6, v22;
	v29 =	vor.u32 v5, v22;
	v38 =	vor.u32 v4, v22;
	v21 =	vld.idx.msk [tilespmem:v21+s4+$0x0], $0xffff  }
0x342: {  	v39 =	vor.u32 v5, v23;
	v30 =	vor.u32 v3, v22;
	v22 =	vshll.u32 v26, $0x5;
	v40 =	vld.idx.msk [tilespmem:v15+s4+$0x0], $0xffff  }
0x343: {  	v41 =	vor.u32 v6, v22;
	v42 =	vor.u32 v5, v22;
	v20 =	vadd.f32 v20, v17;
	v15 =	vld [tilespmem:s30+$0x8098];
	s30 =	smov.u32 s6;
	s6 =	smov.u32 s17;
	s17 =	smov.u32 s10  }
0x344: {  	v26 =	vor.u32 v4, v22;
	v22 =	vor.u32 v3, v22;
	v35 =	vld.idx.msk [tilespmem:v35+s4+$0x0], $0xffff;
	v25 =	vadd.f32 v25, v31  }
0x345: {  	v17 =	vld [tilespmem:s3+$0x8070];
	[tilespmem:s26+$0x200] =	vst v20  }
0x346: {  	[tilespmem:s1+$0x10] =	vst v25;
	v20 =	vld [tilespmem:s29+$0x68];
	v25 =	vor.u32 v5, v32  }
0x347: {  	v27 =	vor.u32 v3, v27;
	v39 =	vld.idx.msk [tilespmem:v39+s4+$0x0], $0xffff  }
0x348: {  	v11 =	vld.idx.msk [tilespmem:v11+s4+$0x0], $0xffff;
	v40 =	vadd.f32 v40, v15  }
0x349: {  	v21 =	vadd.f32 v21, v16;
	v41 =	vld.idx.msk [tilespmem:v41+s4+$0x0], $0xffff  }
0x34a: {  	v35 =	vadd.f32 v35, v28;
	v19 =	vld.idx.msk [tilespmem:v19+s4+$0x0], $0xffff;
	[tilespmem:s24+$0x78] =	vst v40  }
0x34b: {  	v40 =	vor.u32 v4, v23;
	[tilespmem:s0+$0x150] =	vst v21;
	v21 =	vshll.u32 v20, $0x5;
	v20 =	vld.idx.msk [tilespmem:v25+s4+$0x0], $0xffff  }
0x34c: {  	[tilespmem:s1+$0xFFFFFDD0] =	vst v35;
	v25 =	vld.idx.msk [tilespmem:v27+s4+$0x0], $0xffff;
	v27 =	vor.u32 v6, v21  }
0x34d: {  	v35 =	vld.idx.msk [tilespmem:v36+s4+$0x0], $0xffff;
	v36 =	vadd.f32 v39, v31  }
0x34e: {  	v39 =	vadd.f32 v11, v24;
	v33 =	vld.idx.msk [tilespmem:v33+s4+$0x0], $0xffff  }
0x34f: {  	[tilespmem:s1+$0xA0] =	vst v36;
	v36 =	vadd.f32 v41, v17;
	v41 =	vor.u32 v4, v32;
	v11 =	vld [tilespmem:s28+$0x8098];
	s28 =	smov.u32 s31;
	s31 =	smov.u32 s3;
	s3 =	smov.u32 s16  }
0x350: {  	v18 =	vadd.f32 v19, v18;
	s16 =	smov.u32 s7;
	v40 =	vld.idx.msk [tilespmem:v40+s4+$0x0], $0xffff;
	[tilespmem:s0+$0xFFFFFDF0] =	vst v39  }
0x351: {  	[tilespmem:s26+$0xFFFFFE10] =	vst v36;
	v19 =	vld.idx.msk [tilespmem:v27+s4+$0x0], $0xffff;
	v27 =	vadd.f32 v20, v15  }
0x352: {  	v16 =	vadd.f32 v25, v16;
	v20 =	vld [tilespmem:s30+$0x8080];
	[tilespmem:s24+$0xFFFFFFD0] =	vst v18  }
0x353: {  	v18 =	vadd.f32 v35, v28;
	v25 =	vld.idx.msk [tilespmem:v29+s4+$0x0], $0xffff;
	[tilespmem:s24+$0x108] =	vst v27  }
0x354: {  	v23 =	vor.u32 v3, v23;
	[tilespmem:s0+$0x1E0] =	vst v16;
	v16 =	vld.idx.msk [tilespmem:v41+s4+$0x0], $0xffff;
	v27 =	vadd.f32 v33, v11  }
0x355: {  	v29 =	vor.u32 v5, v21;
	[tilespmem:s1+$0xFFFFFE60] =	vst v18;
	v18 =	vld [tilespmem:s5+$0x48]  }
0x356: {  	v35 =	vadd.f32 v40, v31;
	v33 =	vld.idx.msk [tilespmem:v37+s4+$0x0], $0xffff;
	[tilespmem:s23+$0xFFFFFE38] =	vst v27  }
0x357: {  	v39 =	vld.idx.msk [tilespmem:v42+s4+$0x0], $0xffff;
	v19 =	vadd.f32 v19, v20  }
0x358: {  	v41 =	vor.u32 v3, v32;
	[tilespmem:s1+$0x130] =	vst v35;
	v40 =	vld [tilespmem:s25+$0xFFFFFFF8]  }
0x359: {  	v37 =	vld.idx.msk [tilespmem:v23+s4+$0x0], $0xffff;
	v23 =	vadd.f32 v25, v24;
	[tilespmem:s26+$0x60] =	vst v19  }
.Ltmp10:
0x35a: {  	v32 =	vshll.u32 v18, $0x5;
	v27 =	vld.idx.msk [tilespmem:v29+s4+$0x0], $0xffff;
	v18 =	vadd.f32 v16, v15;
	(pc) =	sbr.rel @p2 .LBB2_13-.Ltmp10, $4  }
0x35b: {  	[tilespmem:s0+$0xFFFFFE80] =	vst v23;
	v36 =	vor.u32 v6, v32;
	v16 =	vld [tilespmem:s28+$0x8090]  }
0x35c: {  	v19 =	vadd.f32 v33, v28;
	v35 =	vld.idx.msk [tilespmem:v38+s4+$0x0], $0xffff;
	[tilespmem:s24+$0x198] =	vst v18  }
0x35d: {  	v33 =	vadd.f32 v39, v17;
	v23 =	vshll.u32 v40, $0x5;
	v18 =	vld.idx.msk [tilespmem:v41+s4+$0x0], $0xffff  }
0x35e: {  	s13 =	sadd.s32 $0x100, s13;
	v29 =	vor.u32 v4, v21;
	[tilespmem:s1+$0xFFFFFEF0] =	vst v19;
	v25 =	vor.u32 v6, v23;
	v19 =	vor.u32 v5, v23  }
0x35f: {  	_ =	sdelay $0x1  }
0x360: {  	v7 =	vadd.f32 v37, v31;
	_ =	sdelay $0x1  }
0x361: {  	v8 =	vld.idx.msk [tilespmem:v34+s4+$0x0], $0xffff;
	[tilespmem:s1+$0x1C0] =	vst v7  }
0x362: {  	v7 =	vld [tilespmem:s9+$0x28];
	_ =	sdelay $0x3  }
0x363: {  	v8 =	vadd.f32 v8, v28  }
0x364: {  	v7 =	vshll.u32 v7, $0x5  }
0x365: {  	[tilespmem:s1+$0xFFFFFF80] =	vst v8;
	v9 =	vor.u32 v6, v7  }
0x366: {  	v10 =	vld [tilespmem:s9+$0xFFFFFFA8];
	_ =	sdelay $0x2  }
0x367: {  	v49 =	vld [tilespmem:s17+$0x8040]  }
0x368: {  	v9 =	vld.idx.msk [tilespmem:v9+s4+$0x0], $0xffff  }
0x369: {  	v10 =	vshll.u32 v10, $0x5  }
0x36a: {  	v51 =	vor.u32 v6, v10;
	_ =	sdelay $0x2  }
0x36b: {  	v9 =	vadd.f32 v9, v49  }
0x36c: {  	v52 =	vld [tilespmem:s16+$0x8040]  }
0x36d: {  	[tilespmem:s1+$0x20] =	vst v9;
	v9 =	vld.idx.msk [tilespmem:v51+s4+$0x0], $0xffff  }
0x36e: {  	v50 =	vor.u32 v5, v7;
	_ =	sdelay $0x1  }
0x36f: {  	v54 =	vor.u32 v5, v10;
	_ =	sdelay $0x1  }
0x370: {  	v9 =	vadd.f32 v9, v52  }
0x371: {  	v28 =	vld.idx.msk [tilespmem:v50+s4+$0x0], $0xffff  }
0x372: {  	[tilespmem:s2+$0xFFFFFDE0] =	vst v9  }
0x373: {  	v9 =	vld.idx.msk [tilespmem:v54+s4+$0x0], $0xffff  }
0x374: {  	v53 =	vor.u32 v4, v7;
	_ =	sdelay $0x1  }
0x375: {  	v55 =	vor.u32 v4, v10;
	v28 =	vadd.f32 v28, v49;
	_ =	sdelay $0x1  }
0x376: {  	[tilespmem:s2+$0xB0] =	vst v28;
	v9 =	vadd.f32 v9, v52  }
0x377: {  	v28 =	vld.idx.msk [tilespmem:v53+s4+$0x0], $0xffff  }
0x378: {  	[tilespmem:s2+$0xFFFFFE70] =	vst v9  }
0x379: {  	v9 =	vld.idx.msk [tilespmem:v55+s4+$0x0], $0xffff  }
0x37a: {  	v7 =	vor.u32 v3, v7;
	_ =	sdelay $0x1  }
0x37b: {  	v56 =	vor.u32 v3, v10;
	v28 =	vadd.f32 v28, v49;
	_ =	sdelay $0x1  }
0x37c: {  	[tilespmem:s2+$0x140] =	vst v28;
	v9 =	vadd.f32 v9, v52  }
0x37d: {  	v7 =	vld.idx.msk [tilespmem:v7+s4+$0x0], $0xffff  }
0x37e: {  	[tilespmem:s2+$0xFFFFFF00] =	vst v9  }
0x37f: {  	v8 =	vld.idx.msk [tilespmem:v56+s4+$0x0], $0xffff;
	_ =	sdelay $0x2  }
0x380: {  	v7 =	vadd.f32 v7, v49;
	_ =	sdelay $0x1  }
0x381: {  	[tilespmem:s2+$0x1D0] =	vst v7;
	v8 =	vadd.f32 v8, v52  }
0x382: {  	v7 =	vld [tilespmem:s9+$0x38]  }
0x383: {  	[tilespmem:s2+$0xFFFFFF90] =	vst v8  }
0x384: {  	v8 =	vld [tilespmem:s9+$0xFFFFFFB8];
	_ =	sdelay $0x2  }
0x385: {  	v7 =	vshll.u32 v7, $0x5  }
0x386: {  	v57 =	vor.u32 v6, v7  }
0x387: {  	v8 =	vshll.u32 v8, $0x5  }
0x388: {  	v60 =	vor.u32 v6, v8;
	_ =	sdelay $0x1  }
0x389: {  	v58 =	vld [tilespmem:s17+$0x8050]  }
0x38a: {  	v9 =	vld.idx.msk [tilespmem:v57+s4+$0x0], $0xffff  }
0x38b: {  	v61 =	vld [tilespmem:s16+$0x8050]  }
0x38c: {  	v31 =	vld.idx.msk [tilespmem:v60+s4+$0x0], $0xffff  }
0x38d: {  	v59 =	vor.u32 v5, v7;
	_ =	sdelay $0x1  }
0x38e: {  	v63 =	vor.u32 v5, v8;
	v9 =	vadd.f32 v9, v58;
	_ =	sdelay $0x1  }
0x38f: {  	[tilespmem:s2+$0x30] =	vst v9;
	v31 =	vadd.f32 v31, v61  }
0x390: {  	v9 =	vld.idx.msk [tilespmem:v59+s4+$0x0], $0xffff  }
0x391: {  	[tilespmem:s2+$0xFFFFFDF0] =	vst v31  }
0x392: {  	v31 =	vld.idx.msk [tilespmem:v63+s4+$0x0], $0xffff  }
0x393: {  	v62 =	vor.u32 v4, v7;
	_ =	sdelay $0x1  }
0x394: {  	v39 =	vor.u32 v4, v8;
	v9 =	vadd.f32 v9, v58;
	_ =	sdelay $0x1  }
0x395: {  	[tilespmem:s2+$0xC0] =	vst v9;
	v31 =	vadd.f32 v31, v61  }
0x396: {  	v9 =	vld.idx.msk [tilespmem:v62+s4+$0x0], $0xffff  }
0x397: {  	[tilespmem:s2+$0xFFFFFE80] =	vst v31  }
0x398: {  	v40 =	vld.idx.msk [tilespmem:v39+s4+$0x0], $0xffff  }
0x399: {  	v41 =	vadd.f32 v35, v24;
	v7 =	vor.u32 v3, v7;
	_ =	sdelay $0x1  }
0x39a: {  	[tilespmem:s0+$0xFFFFFF10] =	vst v41;
	v8 =	vor.u32 v3, v8;
	v9 =	vadd.f32 v9, v58  }
0x39b: {  	v30 =	vld.idx.msk [tilespmem:v30+s4+$0x0], $0xffff  }
0x39c: {  	v42 =	vld.idx.msk [tilespmem:v36+s4+$0x0], $0xffff;
	[tilespmem:s2+$0x150] =	vst v9;
	v9 =	vadd.f32 v40, v61  }
0x39d: {  	v7 =	vld.idx.msk [tilespmem:v7+s4+$0x0], $0xffff  }
0x39e: {  	v43 =	vld [tilespmem:s6+$0x8060];
	[tilespmem:s2+$0xFFFFFF10] =	vst v9  }
0x39f: {  	v8 =	vld.idx.msk [tilespmem:v8+s4+$0x0], $0xffff  }
0x3a0: {  	v46 =	vadd.f32 v30, v24  }
0x3a1: {  	v44 =	vor.u32 v5, v32  }
0x3a2: {  	[tilespmem:s0+$0xFFFFFFA0] =	vst v46;
	v7 =	vadd.f32 v7, v58  }
0x3a3: {  	v45 =	vadd.f32 v42, v43;
	v24 =	vld [tilespmem:s5+$0xFFFFFFC8]  }
0x3a4: {  	[tilespmem:s2+$0x1E0] =	vst v7;
	v8 =	vadd.f32 v8, v61  }
0x3a5: {  	[tilespmem:s0+$0x40] =	vst v45;
	v7 =	vld [tilespmem:s9+$0x48]  }
0x3a6: {  	v9 =	vld.idx.msk [tilespmem:v44+s4+$0x0], $0xffff;
	[tilespmem:s2+$0xFFFFFFA0] =	vst v8  }
0x3a7: {  	v49 =	vld [tilespmem:s9+$0xFFFFFFC8]  }
0x3a8: {  	v24 =	vshll.u32 v24, $0x5  }
0x3a9: {  	v50 =	vor.u32 v6, v24  }
0x3aa: {  	v48 =	vor.u32 v4, v32;
	v7 =	vshll.u32 v7, $0x5  }
0x3ab: {  	v47 =	vor.u32 v6, v7  }
0x3ac: {  	v55 =	vld [tilespmem:s3+$0x8060];
	v9 =	vadd.f32 v9, v43;
	v30 =	vshll.u32 v49, $0x5  }
0x3ad: {  	v51 =	vld [tilespmem:s17+$0x8060];
	v52 =	vor.u32 v6, v30  }
0x3ae: {  	[tilespmem:s0+$0xD0] =	vst v9;
	v9 =	vld.idx.msk [tilespmem:v50+s4+$0x0], $0xffff  }
0x3af: {  	v8 =	vld.idx.msk [tilespmem:v48+s4+$0x0], $0xffff  }
0x3b0: {  	v28 =	vld.idx.msk [tilespmem:v47+s4+$0x0], $0xffff  }
0x3b1: {  	v56 =	vld [tilespmem:s16+$0x8060]  }
0x3b2: {  	v58 =	vor.u32 v5, v24;
	v57 =	vld.idx.msk [tilespmem:v52+s4+$0x0], $0xffff  }
0x3b3: {  	v53 =	vor.u32 v5, v7;
	v9 =	vadd.f32 v9, v55  }
0x3b4: {  	v54 =	vor.u32 v3, v32;
	v8 =	vadd.f32 v8, v43  }
0x3b5: {  	[tilespmem:s0+$0xFFFFFE00] =	vst v9;
	v60 =	vor.u32 v5, v30;
	v28 =	vadd.f32 v28, v51  }
0x3b6: {  	[tilespmem:s0+$0x160] =	vst v8  }
0x3b7: {  	v8 =	vld.idx.msk [tilespmem:v58+s4+$0x0], $0xffff;
	[tilespmem:s2+$0x40] =	vst v28;
	v61 =	vadd.f32 v57, v56  }
0x3b8: {  	v59 =	vld.idx.msk [tilespmem:v53+s4+$0x0], $0xffff  }
0x3b9: {  	v32 =	vld.idx.msk [tilespmem:v54+s4+$0x0], $0xffff;
	[tilespmem:s2+$0xFFFFFE00] =	vst v61  }
0x3ba: {  	v63 =	vor.u32 v4, v24;
	v9 =	vld.idx.msk [tilespmem:v60+s4+$0x0], $0xffff  }
0x3bb: {  	v38 =	vor.u32 v4, v7  }
0x3bc: {  	v8 =	vadd.f32 v8, v55  }
0x3bd: {  	v41 =	vor.u32 v4, v30;
	v62 =	vadd.f32 v59, v51  }
0x3be: {  	v10 =	vadd.f32 v32, v43;
	[tilespmem:s0+$0xFFFFFE90] =	vst v8  }
0x3bf: {  	v43 =	vld.idx.msk [tilespmem:v63+s4+$0x0], $0xffff;
	[tilespmem:s2+$0xD0] =	vst v62;
	v42 =	vadd.f32 v9, v56  }
0x3c0: {  	[tilespmem:s0+$0x1F0] =	vst v10;
	v39 =	vld.idx.msk [tilespmem:v38+s4+$0x0], $0xffff  }
0x3c1: {  	v40 =	vld [tilespmem:s5+$0x58];
	[tilespmem:s2+$0xFFFFFE90] =	vst v42  }
0x3c2: {  	v24 =	vor.u32 v3, v24;
	v46 =	vld.idx.msk [tilespmem:v41+s4+$0x0], $0xffff  }
0x3c3: {  	v7 =	vor.u32 v3, v7  }
0x3c4: {  	v9 =	vadd.f32 v43, v55  }
0x3c5: {  	v30 =	vor.u32 v3, v30;
	v10 =	vadd.f32 v39, v51  }
0x3c6: {  	[tilespmem:s0+$0xFFFFFF20] =	vst v9  }
0x3c7: {  	v44 =	vshll.u32 v40, $0x5;
	[tilespmem:s2+$0x160] =	vst v10;
	v48 =	vld.idx.msk [tilespmem:v24+s4+$0x0], $0xffff;
	v47 =	vadd.f32 v46, v56  }
0x3c8: {  	v45 =	vor.u32 v6, v44;
	v7 =	vld.idx.msk [tilespmem:v7+s4+$0x0], $0xffff  }
0x3c9: {  	[tilespmem:s2+$0xFFFFFF20] =	vst v47  }
0x3ca: {  	v50 =	vld.idx.msk [tilespmem:v30+s4+$0x0], $0xffff;
	_ =	sdelay $0x1  }
0x3cb: {  	v49 =	vld [tilespmem:s6+$0x8070];
	v10 =	vadd.f32 v48, v55  }
0x3cc: {  	v8 =	vld.idx.msk [tilespmem:v45+s4+$0x0], $0xffff;
	v7 =	vadd.f32 v7, v51  }
0x3cd: {  	[tilespmem:s0+$0xFFFFFFB0] =	vst v10  }
0x3ce: {  	[tilespmem:s2+$0x1F0] =	vst v7;
	v53 =	vld [tilespmem:s5+$0xFFFFFFD8];
	v7 =	vadd.f32 v50, v56  }
0x3cf: {  	v51 =	vld [tilespmem:s9+$0x58]  }
0x3d0: {  	v52 =	vor.u32 v5, v44;
	[tilespmem:s2+$0xFFFFFFB0] =	vst v7  }
0x3d1: {  	v8 =	vadd.f32 v8, v49;
	v7 =	vld [tilespmem:s9+$0xFFFFFFD8];
	_ =	sdelay $0x1  }
0x3d2: {  	[tilespmem:s0+$0x50] =	vst v8;
	v8 =	vshll.u32 v53, $0x5  }
0x3d3: {  	v9 =	vshll.u32 v51, $0x5;
	v57 =	vor.u32 v6, v8  }
0x3d4: {  	v54 =	vld.idx.msk [tilespmem:v52+s4+$0x0], $0xffff;
	v55 =	vor.u32 v6, v9  }
0x3d5: {  	v7 =	vshll.u32 v7, $0x5  }
0x3d6: {  	v60 =	vld [tilespmem:s3+$0x8070];
	v59 =	vor.u32 v6, v7  }
0x3d7: {  	v58 =	vld [tilespmem:s17+$0x8070];
	v56 =	vor.u32 v4, v44  }
0x3d8: {  	v32 =	vld.idx.msk [tilespmem:v57+s4+$0x0], $0xffff  }
0x3d9: {  	v10 =	vadd.f32 v54, v49;
	v30 =	vld.idx.msk [tilespmem:v55+s4+$0x0], $0xffff  }
0x3da: {  	v62 =	vld [tilespmem:s16+$0x8070]  }
0x3db: {  	[tilespmem:s0+$0xE0] =	vst v10;
	v63 =	vor.u32 v5, v8;
	v10 =	vld.idx.msk [tilespmem:v59+s4+$0x0], $0xffff  }
0x3dc: {  	v61 =	vor.u32 v5, v9;
	v31 =	vld.idx.msk [tilespmem:v56+s4+$0x0], $0xffff  }
0x3dd: {  	v32 =	vadd.f32 v32, v60  }
0x3de: {  	v40 =	vor.u32 v5, v7;
	v30 =	vadd.f32 v30, v58  }
0x3df: {  	v28 =	vor.u32 v3, v44;
	[tilespmem:s0+$0xFFFFFE10] =	vst v32  }
0x3e0: {  	[tilespmem:s2+$0x50] =	vst v30;
	v30 =	vld.idx.msk [tilespmem:v63+s4+$0x0], $0xffff;
	v10 =	vadd.f32 v10, v62  }
0x3e1: {  	[tilespmem:s26+$0xFFFFFEA0] =	vst v33;
	v31 =	vadd.f32 v31, v49;
	v36 =	vld.idx.msk [tilespmem:v61+s4+$0x0], $0xffff  }
0x3e2: {  	v26 =	vld.idx.msk [tilespmem:v26+s4+$0x0], $0xffff;
	[tilespmem:s2+$0xFFFFFE10] =	vst v10  }
0x3e3: {  	v43 =	vor.u32 v4, v8;
	[tilespmem:s0+$0x170] =	vst v31;
	v10 =	vld.idx.msk [tilespmem:v40+s4+$0x0], $0xffff  }
0x3e4: {  	v41 =	vor.u32 v4, v9;
	v28 =	vld.idx.msk [tilespmem:v28+s4+$0x0], $0xffff  }
0x3e5: {  	v44 =	vadd.f32 v30, v60  }
0x3e6: {  	v45 =	vor.u32 v4, v7;
	v42 =	vadd.f32 v36, v58  }
0x3e7: {  	v26 =	vadd.f32 v26, v17;
	[tilespmem:s0+$0xFFFFFEA0] =	vst v44  }
0x3e8: {  	[tilespmem:s2+$0xE0] =	vst v42;
	v46 =	vld.idx.msk [tilespmem:v43+s4+$0x0], $0xffff;
	v10 =	vadd.f32 v10, v62  }
0x3e9: {  	[tilespmem:s26+$0xFFFFFF30] =	vst v26;
	v24 =	vadd.f32 v28, v49;
	v31 =	vld.idx.msk [tilespmem:v41+s4+$0x0], $0xffff  }
0x3ea: {  	v22 =	vld.idx.msk [tilespmem:v22+s4+$0x0], $0xffff;
	[tilespmem:s2+$0xFFFFFEA0] =	vst v10  }
0x3eb: {  	v8 =	vor.u32 v3, v8;
	[tilespmem:s0+$0x200] =	vst v24;
	v10 =	vld.idx.msk [tilespmem:v45+s4+$0x0], $0xffff  }
0x3ec: {  	v9 =	vor.u32 v3, v9;
	v47 =	vld [tilespmem:s5+$0x68]  }
0x3ed: {  	v50 =	vadd.f32 v46, v60  }
0x3ee: {  	v7 =	vor.u32 v3, v7;
	v48 =	vadd.f32 v31, v58  }
0x3ef: {  	v49 =	vadd.f32 v22, v17;
	[tilespmem:s0+$0xFFFFFF30] =	vst v50  }
0x3f0: {  	[tilespmem:s2+$0x170] =	vst v48;
	v8 =	vld.idx.msk [tilespmem:v8+s4+$0x0], $0xffff;
	v10 =	vadd.f32 v10, v62  }
0x3f1: {  	[tilespmem:s26+$0xFFFFFFC0] =	vst v49;
	v52 =	vshll.u32 v47, $0x5;
	v9 =	vld.idx.msk [tilespmem:v9+s4+$0x0], $0xffff  }
0x3f2: {  	v57 =	vadd.f32 v27, v20;
	v51 =	vld [tilespmem:s29+$0xFFFFFFE8];
	v53 =	vor.u32 v6, v52;
	[tilespmem:s2+$0xFFFFFF30] =	vst v10  }
0x3f3: {  	v7 =	vld.idx.msk [tilespmem:v7+s4+$0x0], $0xffff  }
0x3f4: {  	[tilespmem:s26+$0xF0] =	vst v57  }
0x3f5: {  	v29 =	vld.idx.msk [tilespmem:v29+s4+$0x0], $0xffff;
	v8 =	vadd.f32 v8, v60  }
0x3f6: {  	v26 =	vld [tilespmem:s6+$0x8080];
	v9 =	vadd.f32 v9, v58  }
0x3f7: {  	v17 =	vld.idx.msk [tilespmem:v53+s4+$0x0], $0xffff;
	[tilespmem:s0+$0xFFFFFFC0] =	vst v8  }
0x3f8: {  	v10 =	vshll.u32 v51, $0x5;
	[tilespmem:s2+$0x200] =	vst v9;
	v8 =	vld [tilespmem:s5+$0xFFFFFFE8];
	v7 =	vadd.f32 v7, v62  }
0x3f9: {  	v54 =	vor.u32 v6, v10;
	v55 =	vld [tilespmem:s9+$0x68]  }
0x3fa: {  	v21 =	vor.u32 v3, v21;
	[tilespmem:s2+$0xFFFFFFC0] =	vst v7  }
0x3fb: {  	v59 =	vld [tilespmem:s9+$0xFFFFFFE8]  }
0x3fc: {  	v29 =	vadd.f32 v29, v20;
	v56 =	vor.u32 v5, v52  }
0x3fd: {  	v28 =	vld [tilespmem:s31+$0x8080];
	v8 =	vshll.u32 v8, $0x5  }
0x3fe: {  	[tilespmem:s26+$0x180] =	vst v29;
	v17 =	vadd.f32 v17, v26;
	v9 =	vld.idx.msk [tilespmem:v54+s4+$0x0], $0xffff;
	v22 =	vshll.u32 v55, $0x5;
	v61 =	vor.u32 v6, v8  }
0x3ff: {  	v21 =	vld.idx.msk [tilespmem:v21+s4+$0x0], $0xffff;
	v58 =	vor.u32 v6, v22  }
0x400: {  	v34 =	vld [tilespmem:s3+$0x8080];
	[tilespmem:s0+$0x60] =	vst v17;
	v31 =	vshll.u32 v59, $0x5  }
0x401: {  	v17 =	vld.idx.msk [tilespmem:v56+s4+$0x0], $0xffff;
	v62 =	vor.u32 v6, v31  }
0x402: {  	v36 =	vld [tilespmem:s16+$0x8080]  }
0x403: {  	v9 =	vadd.f32 v9, v28;
	v30 =	vld.idx.msk [tilespmem:v61+s4+$0x0], $0xffff  }
0x404: {  	v63 =	vor.u32 v4, v52;
	v27 =	vld.idx.msk [tilespmem:v58+s4+$0x0], $0xffff  }
0x405: {  	v60 =	vor.u32 v5, v10;
	[tilespmem:s26+$0xFFFFFE20] =	vst v9;
	v9 =	vld [tilespmem:s17+$0x8080]  }
0x406: {  	v17 =	vadd.f32 v17, v26;
	v42 =	vld.idx.msk [tilespmem:v62+s4+$0x0], $0xffff  }
0x407: {  	v44 =	vor.u32 v5, v8  }
0x408: {  	v55 =	vadd.f32 v21, v20;
	v40 =	vor.u32 v5, v22;
	[tilespmem:s0+$0xF0] =	vst v17  }
0x409: {  	v43 =	vld.idx.msk [tilespmem:v63+s4+$0x0], $0xffff;
	v48 =	vor.u32 v5, v31;
	v46 =	vadd.f32 v30, v34  }
0x40a: {  	[tilespmem:s26+$0x210] =	vst v55;
	v7 =	vld.idx.msk [tilespmem:v60+s4+$0x0], $0xffff;
	v41 =	vadd.f32 v27, v9  }
0x40b: {  	v61 =	vld [tilespmem:s29+$0x78];
	[tilespmem:s0+$0xFFFFFE20] =	vst v46;
	v49 =	vadd.f32 v42, v36  }
0x40c: {  	[tilespmem:s2+$0x60] =	vst v41;
	v51 =	vld.idx.msk [tilespmem:v44+s4+$0x0], $0xffff  }
0x40d: {  	v45 =	vor.u32 v4, v10;
	v47 =	vld.idx.msk [tilespmem:v40+s4+$0x0], $0xffff;
	[tilespmem:s2+$0xFFFFFE20] =	vst v49  }
0x40e: {  	v24 =	vor.u32 v3, v52;
	v17 =	vld.idx.msk [tilespmem:v48+s4+$0x0], $0xffff  }
0x40f: {  	v57 =	vor.u32 v4, v8;
	v7 =	vadd.f32 v7, v28  }
0x410: {  	v52 =	vor.u32 v4, v22;
	v50 =	vadd.f32 v43, v26  }
0x411: {  	v60 =	vor.u32 v4, v31;
	[tilespmem:s26+$0xFFFFFEB0] =	vst v7;
	v58 =	vadd.f32 v51, v34  }
0x412: {  	[tilespmem:s0+$0x180] =	vst v50;
	v53 =	vld.idx.msk [tilespmem:v45+s4+$0x0], $0xffff;
	v54 =	vadd.f32 v47, v9  }
0x413: {  	v20 =	vshll.u32 v61, $0x5;
	v56 =	vld.idx.msk [tilespmem:v24+s4+$0x0], $0xffff;
	[tilespmem:s0+$0xFFFFFEB0] =	vst v58;
	v63 =	vadd.f32 v17, v36  }
0x414: {  	v38 =	vor.u32 v6, v20;
	[tilespmem:s2+$0xF0] =	vst v54;
	v32 =	vld.idx.msk [tilespmem:v57+s4+$0x0], $0xffff  }
0x415: {  	v10 =	vor.u32 v3, v10;
	v59 =	vld.idx.msk [tilespmem:v52+s4+$0x0], $0xffff;
	[tilespmem:s2+$0xFFFFFEB0] =	vst v63  }
0x416: {  	v35 =	vld.idx.msk [tilespmem:v60+s4+$0x0], $0xffff  }
0x417: {  	v8 =	vor.u32 v3, v8;
	v62 =	vadd.f32 v53, v28  }
0x418: {  	v22 =	vor.u32 v3, v22;
	v21 =	vld [tilespmem:s30+$0x8090];
	v30 =	vadd.f32 v56, v26  }
0x419: {  	v41 =	vor.u32 v3, v31;
	v43 =	vld.idx.msk [tilespmem:v38+s4+$0x0], $0xffff;
	[tilespmem:s26+$0xFFFFFF40] =	vst v62;
	v39 =	vadd.f32 v32, v34  }
0x41a: {  	[tilespmem:s0+$0x210] =	vst v30;
	v10 =	vld.idx.msk [tilespmem:v10+s4+$0x0], $0xffff;
	v33 =	vadd.f32 v59, v9  }
0x41b: {  	v37 =	vld [tilespmem:s5+$0x78];
	[tilespmem:s0+$0xFFFFFF40] =	vst v39;
	v42 =	vadd.f32 v35, v36  }
0x41c: {  	[tilespmem:s2+$0x180] =	vst v33;
	v8 =	vld.idx.msk [tilespmem:v8+s4+$0x0], $0xffff  }
0x41d: {  	v40 =	vld.idx.msk [tilespmem:v22+s4+$0x0], $0xffff;
	[tilespmem:s2+$0xFFFFFF40] =	vst v42  }
0x41e: {  	v50 =	vor.u32 v5, v20;
	v46 =	vld.idx.msk [tilespmem:v41+s4+$0x0], $0xffff  }
0x41f: {  	v25 =	vld.idx.msk [tilespmem:v25+s4+$0x0], $0xffff;
	v10 =	vadd.f32 v10, v28  }
0x420: {  	v24 =	vadd.f32 v43, v21  }
0x421: {  	v27 =	vld [tilespmem:s6+$0x8090];
	[tilespmem:s26+$0xFFFFFFD0] =	vst v10;
	v47 =	vadd.f32 v8, v34  }
0x422: {  	[tilespmem:s26+$0x70] =	vst v24;
	v17 =	vshll.u32 v37, $0x5;
	v10 =	vld [tilespmem:s29+$0xFFFFFFF8];
	v45 =	vadd.f32 v40, v9  }
0x423: {  	v26 =	vld.idx.msk [tilespmem:v50+s4+$0x0], $0xffff;
	v44 =	vor.u32 v6, v17;
	[tilespmem:s0+$0xFFFFFFD0] =	vst v47;
	v51 =	vadd.f32 v46, v36  }
0x424: {  	v52 =	vadd.f32 v25, v16;
	[tilespmem:s2+$0x210] =	vst v45;
	v53 =	vld [tilespmem:s5+$0xFFFFFFF8]  }
0x425: {  	v48 =	vld [tilespmem:s9+$0x78];
	[tilespmem:s2+$0xFFFFFFD0] =	vst v51  }
0x426: {  	[tilespmem:s24+$0xFFFFFE30] =	vst v52;
	v60 =	vor.u32 v4, v20;
	v56 =	vld [tilespmem:s9+$0xFFFFFFF8]  }
0x427: {  	v19 =	vld.idx.msk [tilespmem:v19+s4+$0x0], $0xffff;
	v10 =	vshll.u32 v10, $0x5  }
0x428: {  	v26 =	vadd.f32 v26, v21;
	v49 =	vld.idx.msk [tilespmem:v44+s4+$0x0], $0xffff;
	v54 =	vor.u32 v6, v10  }
0x429: {  	v29 =	vld [tilespmem:s31+$0x8090];
	v25 =	vshll.u32 v53, $0x5  }
0x42a: {  	[tilespmem:s26+$0x100] =	vst v26;
	v34 =	vld [tilespmem:s3+$0x8090];
	v8 =	vshll.u32 v48, $0x5;
	v58 =	vor.u32 v6, v25  }
0x42b: {  	v41 =	vld.idx.msk [tilespmem:v60+s4+$0x0], $0xffff;
	v57 =	vor.u32 v6, v8;
	v9 =	vshll.u32 v56, $0x5  }
0x42c: {  	v32 =	vld [tilespmem:s17+$0x8090];
	v59 =	vor.u32 v6, v9  }
0x42d: {  	v22 =	vadd.f32 v49, v27;
	v28 =	vld.idx.msk [tilespmem:v54+s4+$0x0], $0xffff  }
0x42e: {  	v46 =	vor.u32 v3, v20;
	v36 =	vld [tilespmem:s16+$0x8090]  }
0x42f: {  	v55 =	vor.u32 v5, v17;
	[tilespmem:s0+$0x70] =	vst v22;
	v22 =	vld.idx.msk [tilespmem:v58+s4+$0x0], $0xffff  }
0x430: {  	v61 =	vor.u32 v5, v10;
	v50 =	vadd.f32 v41, v21;
	v24 =	vld.idx.msk [tilespmem:v57+s4+$0x0], $0xffff  }
0x431: {  	v63 =	vor.u32 v4, v23;
	v19 =	vadd.f32 v19, v16;
	v40 =	vld.idx.msk [tilespmem:v59+s4+$0x0], $0xffff  }
0x432: {  	v42 =	vor.u32 v5, v25;
	[tilespmem:s26+$0x190] =	vst v50;
	v28 =	vadd.f32 v28, v29  }
0x433: {  	[tilespmem:s24+$0xFFFFFEC0] =	vst v19;
	v62 =	vor.u32 v5, v8;
	v19 =	vld.idx.msk [tilespmem:v46+s4+$0x0], $0xffff  }
0x434: {  	v7 =	vld.idx.msk [tilespmem:v55+s4+$0x0], $0xffff;
	[tilespmem:s26+$0xFFFFFE30] =	vst v28;
	v45 =	vor.u32 v5, v9;
	v22 =	vadd.f32 v22, v34  }
0x435: {  	v43 =	vld.idx.msk [tilespmem:v61+s4+$0x0], $0xffff;
	v24 =	vadd.f32 v24, v32  }
0x436: {  	v48 =	vld.idx.msk [tilespmem:v63+s4+$0x0], $0xffff;
	[tilespmem:s0+$0xFFFFFE30] =	vst v22;
	v26 =	vadd.f32 v40, v36  }
0x437: {  	v44 =	vor.u32 v4, v17;
	[tilespmem:s2+$0x70] =	vst v24;
	v28 =	vld.idx.msk [tilespmem:v42+s4+$0x0], $0xffff  }
0x438: {  	v49 =	vor.u32 v4, v10;
	v19 =	vadd.f32 v19, v21;
	v47 =	vld.idx.msk [tilespmem:v62+s4+$0x0], $0xffff;
	[tilespmem:s2+$0xFFFFFE30] =	vst v26  }
0x439: {  	v54 =	vor.u32 v3, v23;
	v7 =	vadd.f32 v7, v27;
	v55 =	vld.idx.msk [tilespmem:v45+s4+$0x0], $0xffff  }
0x43a: {  	v56 =	vor.u32 v4, v25;
	[tilespmem:s26+$0x220] =	vst v19;
	v51 =	vadd.f32 v43, v29  }
0x43b: {  	v53 =	vor.u32 v4, v8;
	[tilespmem:s0+$0x100] =	vst v7;
	v57 =	vadd.f32 v48, v16;
	v62 =	vld [tilespmem:s29+$0x80]  }
0x43c: {  	v52 =	vld.idx.msk [tilespmem:v44+s4+$0x0], $0xffff;
	v58 =	vor.u32 v4, v9;
	[tilespmem:s26+$0xFFFFFEC0] =	vst v51;
	v28 =	vadd.f32 v28, v34  }
0x43d: {  	[tilespmem:s24+$0xFFFFFF50] =	vst v57;
	v22 =	vld.idx.msk [tilespmem:v49+s4+$0x0], $0xffff;
	v20 =	vadd.f32 v47, v32  }
0x43e: {  	v7 =	vld.idx.msk [tilespmem:v54+s4+$0x0], $0xffff;
	[tilespmem:s0+$0xFFFFFEC0] =	vst v28;
	v23 =	vadd.f32 v55, v36  }
0x43f: {  	v17 =	vor.u32 v3, v17;
	[tilespmem:s2+$0x100] =	vst v20;
	v60 =	vld.idx.msk [tilespmem:v56+s4+$0x0], $0xffff  }
0x440: {  	v10 =	vor.u32 v3, v10;
	v19 =	vshll.u32 v62, $0x5;
	v26 =	vld.idx.msk [tilespmem:v53+s4+$0x0], $0xffff;
	[tilespmem:s2+$0xFFFFFEC0] =	vst v23  }
0x441: {  	v59 =	vadd.f32 v52, v27;
	v33 =	vor.u32 v6, v19;
	v61 =	vld.idx.msk [tilespmem:v58+s4+$0x0], $0xffff  }
0x442: {  	v63 =	vor.u32 v3, v25;
	v22 =	vadd.f32 v22, v29  }
0x443: {  	v8 =	vor.u32 v3, v8;
	[tilespmem:s0+$0x190] =	vst v59  }
0x444: {  	v9 =	vor.u32 v3, v9;
	v17 =	vld.idx.msk [tilespmem:v17+s4+$0x0], $0xffff;
	[tilespmem:s26+$0xFFFFFF50] =	vst v22;
	v25 =	vadd.f32 v60, v34  }
0x445: {  	v10 =	vld.idx.msk [tilespmem:v10+s4+$0x0], $0xffff;
	v24 =	vadd.f32 v26, v32  }
0x446: {  	v7 =	vadd.f32 v7, v16;
	v16 =	vld.idx.msk [tilespmem:v33+s4+$0x0], $0xffff;
	[tilespmem:s0+$0xFFFFFF50] =	vst v25;
	v28 =	vadd.f32 v61, v36  }
0x447: {  	[tilespmem:s2+$0x190] =	vst v24;
	v30 =	vld.idx.msk [tilespmem:v63+s4+$0x0], $0xffff  }
0x448: {  	v8 =	vld.idx.msk [tilespmem:v8+s4+$0x0], $0xffff;
	[tilespmem:s2+$0xFFFFFF50] =	vst v28  }
0x449: {  	[tilespmem:s24+$0xFFFFFFE0] =	vst v7;
	v26 =	vadd.f32 v17, v27;
	v9 =	vld.idx.msk [tilespmem:v9+s4+$0x0], $0xffff  }
0x44a: {  	v27 =	vld [tilespmem:s25+$0x0];
	v10 =	vadd.f32 v10, v29  }
0x44b: {  	v23 =	vld [tilespmem:s30+$0x8098];
	[tilespmem:s0+$0x220] =	vst v26  }
0x44c: {  	v31 =	vld [tilespmem:s5+$0x80];
	[tilespmem:s26+$0xFFFFFFE0] =	vst v10;
	v7 =	vadd.f32 v30, v34  }
0x44d: {  	v10 =	vld [tilespmem:s29+$0x0];
	v8 =	vadd.f32 v8, v32  }
0x44e: {  	v25 =	vld [tilespmem:s28+$0x8098];
	[tilespmem:s0+$0xFFFFFFE0] =	vst v7;
	v37 =	vadd.f32 v9, v36  }
0x44f: {  	[tilespmem:s2+$0x220] =	vst v8;
	v39 =	vld [tilespmem:s5+$0x0]  }
0x450: {  	v17 =	vshll.u32 v27, $0x5;
	v35 =	vld [tilespmem:s9+$0x80];
	[tilespmem:s2+$0xFFFFFFE0] =	vst v37  }
0x451: {  	v34 =	vor.u32 v6, v17;
	v20 =	vshll.u32 v31, $0x5;
	v41 =	vld [tilespmem:s9+$0x0]  }
0x452: {  	v29 =	vld [tilespmem:s31+$0x8098];
	v38 =	vor.u32 v6, v20;
	v10 =	vshll.u32 v10, $0x5  }
0x453: {  	v27 =	vld [tilespmem:s6+$0x8098];
	v40 =	vor.u32 v6, v10  }
0x454: {  	v32 =	vld [tilespmem:s3+$0x8098];
	v22 =	vshll.u32 v39, $0x5  }
0x455: {  	v30 =	vld [tilespmem:s17+$0x8098];
	v21 =	vshll.u32 v35, $0x5;
	v43 =	vor.u32 v6, v22  }
0x456: {  	v8 =	vld.idx.msk [tilespmem:v34+s4+$0x0], $0xffff;
	v42 =	vor.u32 v6, v21;
	v24 =	vshll.u32 v41, $0x5  }
0x457: {  	v9 =	vld.idx.msk [tilespmem:v38+s4+$0x0], $0xffff;
	v44 =	vor.u32 v6, v24  }
0x458: {  	v7 =	vld.idx.msk [tilespmem:v40+s4+$0x0], $0xffff  }
0x459: {  	v45 =	vor.u32 v5, v19;
	v34 =	vld [tilespmem:s16+$0x8098]  }
0x45a: {  	v15 =	vadd.f32 v18, v15;
	v46 =	vor.u32 v5, v17;
	v28 =	vld.idx.msk [tilespmem:v43+s4+$0x0], $0xffff  }
0x45b: {  	v16 =	vadd.f32 v16, v23;
	v47 =	vor.u32 v5, v20;
	v26 =	vld.idx.msk [tilespmem:v42+s4+$0x0], $0xffff  }
0x45c: {  	[tilespmem:s24+$0x228] =	vst v15;
	v48 =	vor.u32 v5, v10;
	v8 =	vadd.f32 v8, v25;
	v6 =	vld.idx.msk [tilespmem:v44+s4+$0x0], $0xffff  }
0x45d: {  	v14 =	vld.idx.msk [tilespmem:v14+s4+$0x0], $0xffff;
	[tilespmem:s26+$0x78] =	vst v16;
	v50 =	vor.u32 v5, v22;
	v9 =	vadd.f32 v9, v27  }
0x45e: {  	v31 =	vld.idx.msk [tilespmem:v45+s4+$0x0], $0xffff;
	v49 =	vor.u32 v5, v21;
	[tilespmem:s24+$0xFFFFFE38] =	vst v8;
	v7 =	vadd.f32 v7, v29  }
0x45f: {  	v51 =	vld.idx.msk [tilespmem:v46+s4+$0x0], $0xffff;
	[tilespmem:s0+$0x78] =	vst v9;
	v53 =	vor.u32 v5, v24;
	v55 =	vadd.f32 v28, v32  }
0x460: {  	[tilespmem:s26+$0xFFFFFE38] =	vst v7;
	v54 =	vld.idx.msk [tilespmem:v47+s4+$0x0], $0xffff;
	v52 =	vadd.f32 v26, v30  }
0x461: {  	v56 =	vor.u32 v4, v19;
	v15 =	vld.idx.msk [tilespmem:v48+s4+$0x0], $0xffff;
	[tilespmem:s0+$0xFFFFFE38] =	vst v55;
	v6 =	vadd.f32 v6, v34  }
0x462: {  	v14 =	vadd.f32 v14, v11;
	v57 =	vor.u32 v4, v17;
	[tilespmem:s2+$0x78] =	vst v52;
	v8 =	vld.idx.msk [tilespmem:v50+s4+$0x0], $0xffff  }
0x463: {  	v59 =	vor.u32 v4, v20;
	v58 =	vadd.f32 v31, v23;
	v16 =	vld.idx.msk [tilespmem:v49+s4+$0x0], $0xffff;
	[tilespmem:s2+$0xFFFFFE38] =	vst v6  }
0x464: {  	[tilespmem:s23+$0xFFFFFEC8] =	vst v14;
	v61 =	vor.u32 v4, v10;
	v60 =	vadd.f32 v51, v25;
	v5 =	vld.idx.msk [tilespmem:v53+s4+$0x0], $0xffff  }
0x465: {  	v13 =	vld.idx.msk [tilespmem:v13+s4+$0x0], $0xffff;
	[tilespmem:s26+$0x108] =	vst v58;
	v35 =	vor.u32 v4, v22;
	v62 =	vadd.f32 v54, v27  }
0x466: {  	v63 =	vor.u32 v4, v21;
	v28 =	vld.idx.msk [tilespmem:v56+s4+$0x0], $0xffff;
	[tilespmem:s24+$0xFFFFFEC8] =	vst v60;
	v33 =	vadd.f32 v15, v29  }
0x467: {  	v37 =	vor.u32 v4, v24;
	v18 =	vld.idx.msk [tilespmem:v57+s4+$0x0], $0xffff;
	[tilespmem:s0+$0x108] =	vst v62;
	v39 =	vadd.f32 v8, v32  }
0x468: {  	[tilespmem:s26+$0xFFFFFEC8] =	vst v33;
	v38 =	vld.idx.msk [tilespmem:v59+s4+$0x0], $0xffff;
	v36 =	vadd.f32 v16, v30  }
0x469: {  	v40 =	vor.u32 v3, v19;
	v9 =	vld.idx.msk [tilespmem:v61+s4+$0x0], $0xffff;
	[tilespmem:s0+$0xFFFFFEC8] =	vst v39;
	v5 =	vadd.f32 v5, v34  }
0x46a: {  	v42 =	vor.u32 v3, v17;
	v41 =	vadd.f32 v13, v11;
	[tilespmem:s2+$0x108] =	vst v36;
	v15 =	vld.idx.msk [tilespmem:v35+s4+$0x0], $0xffff  }
0x46b: {  	v44 =	vor.u32 v3, v20;
	v43 =	vadd.f32 v28, v23;
	v14 =	vld.idx.msk [tilespmem:v63+s4+$0x0], $0xffff;
	[tilespmem:s2+$0xFFFFFEC8] =	vst v5  }
0x46c: {  	v46 =	vor.u32 v3, v10;
	[tilespmem:s23+$0xFFFFFF58] =	vst v41;
	v45 =	vadd.f32 v18, v25;
	v4 =	vld.idx.msk [tilespmem:v37+s4+$0x0], $0xffff  }
0x46d: {  	v51 =	vor.u32 v3, v22;
	v47 =	vld.idx.msk [tilespmem:v12+s4+$0x0], $0xffff;
	[tilespmem:s26+$0x198] =	vst v43;
	v48 =	vadd.f32 v38, v27  }
0x46e: {  	v49 =	vor.u32 v3, v21;
	v8 =	vld.idx.msk [tilespmem:v40+s4+$0x0], $0xffff;
	[tilespmem:s24+$0xFFFFFF58] =	vst v45;
	v50 =	vadd.f32 v9, v29  }
0x46f: {  	v3 =	vor.u32 v3, v24;
	v13 =	vld.idx.msk [tilespmem:v42+s4+$0x0], $0xffff;
	[tilespmem:s0+$0x198] =	vst v48;
	v54 =	vadd.f32 v15, v32  }
0x470: {  	[tilespmem:s26+$0xFFFFFF58] =	vst v50;
	v53 =	vld.idx.msk [tilespmem:v44+s4+$0x0], $0xffff;
	v52 =	vadd.f32 v14, v30  }
0x471: {  	v7 =	vld.idx.msk [tilespmem:v46+s4+$0x0], $0xffff;
	[tilespmem:s0+$0xFFFFFF58] =	vst v54;
	v4 =	vadd.f32 v4, v34  }
0x472: {  	v55 =	vadd.f32 v47, v11;
	[tilespmem:s2+$0x198] =	vst v52;
	v58 =	vld.idx.msk [tilespmem:v51+s4+$0x0], $0xffff  }
0x473: {  	v57 =	vadd.f32 v8, v23;
	v56 =	vld.idx.msk [tilespmem:v49+s4+$0x0], $0xffff;
	[tilespmem:s2+$0xFFFFFF58] =	vst v4  }
0x474: {  	[tilespmem:s23+$0xFFFFFFE8] =	vst v55;
	v59 =	vadd.f32 v13, v25;
	v3 =	vld.idx.msk [tilespmem:v3+s4+$0x0], $0xffff  }
0x475: {  	[tilespmem:s26+$0x228] =	vst v57;
	v60 =	vadd.f32 v53, v27  }
0x476: {  	p2 =	sne.s32 s21, $0x0;
	[tilespmem:s24+$0xFFFFFFE8] =	vst v59;
	v61 =	vadd.f32 v7, v29  }
.Ltmp11:
0x477: {  	[tilespmem:s0+$0x228] =	vst v60;
	v63 =	vadd.f32 v58, v32;
	(pc) =	sbr.rel @p2 .LBB2_18-.Ltmp11, $4  }
0x478: {  	[tilespmem:s26+$0xFFFFFFE8] =	vst v61;
	v62 =	vadd.f32 v56, v30  }
0x479: {  	s30 =	smul.u32 $0x102000, s20;
	[tilespmem:s0+$0xFFFFFFE8] =	vst v63;
	v3 =	vadd.f32 v3, v34  }
0x47a: {  	s31 =	sshll.u32 s12, $0xD;
	[tilespmem:s2+$0x228] =	vst v62  }
0x47b: {  	s1 =	sadd.s32 s30, s31;
	s0 =	sshll.u32 s22, $0xA;
	[tilespmem:s2+$0xFFFFFFE8] =	vst v3  }
0x47c: {  	s2 =	sor.u32 s0, s1  }
0x47d: {  	s3 =	rddreg [dreg:$0x6];
	s2 =	sshrl.u32 s2, $0x3  }
0x47e: {  	s28 =	simm.s32 $0xD350;
	s2 =	sadd.s32 s3, s2  }
0x47f: {  	s29 =	simm.s32 $0xD3E0;
	s30 =	simm.s32 $0xD470;
	s5 =	sadd.s32 $0x0, s2  }
0x480: {  	[hbm4b:s5+s4] =	stream.linear.scatter [tilespmem:s28], [sflag:$0x1], $0x88, $0x38;
	[tilespmem:$0x11B50] =	vst v63  }
0x481: {  	s3 =	simm.s32 $0x400;
	s6 =	sadd.s32 $0x20, s5;
	s31 =	sadd.s32 $0x40, s5  }
0x482: {  	[hbm4b:s6+s4] =	stream.linear.scatter [tilespmem:s29], [sflag:$0x1], $0x88, $0x38;
	[tilespmem:$0x11B50] =	vst v63  }
0x483: {  	s7 =	sadd.s32 $0x60, s5;
	s5 =	simm.s32 $0xD590;
	s6 =	simm.s32 $0xD500  }
0x484: {  	[hbm4b:s31+s4] =	stream.linear.scatter [tilespmem:s30], [sflag:$0x1], $0x88, $0x38;
	[tilespmem:$0x11B50] =	vst v63  }
.LBB2_16:
0x485: {  	[hbm4b:s7+s4] =	stream.linear.scatter [tilespmem:s6], [sflag:$0x1], $0x88, $0x38;
	[tilespmem:$0x11B50] =	vst v63  }
0x486: {  	s7 =	sadd.s32 s3, s2;
	p2 =	sne.s32 s3, $0x3C00;
	s3 =	sadd.s32 $0x400, s3  }
0x487: {  	[hbm4b:s7+s4] =	stream.linear.scatter [tilespmem:s5], [sflag:$0x1], $0x88, $0x38;
	[tilespmem:$0x11B50] =	vst v63  }
.Ltmp12:
0x488: {  	s6 =	sadd.s32 $0x90, s5;
	s8 =	sadd.s32 $0x20, s7;
	(pc) =	sbr.rel @p2 .LBB2_16-.Ltmp12, $4  }
0x489: {  	[hbm4b:s8+s4] =	stream.linear.scatter [tilespmem:s6], [sflag:$0x1], $0x88, $0x38;
	[tilespmem:$0x11B50] =	vst v63  }
0x48a: {  	s6 =	sadd.s32 $0x120, s5;
	s8 =	sadd.s32 $0x40, s7  }
0x48b: {  	[hbm4b:s8+s4] =	stream.linear.scatter [tilespmem:s6], [sflag:$0x1], $0x88, $0x38;
	[tilespmem:$0x11B50] =	vst v63  }
0x48c: {  	s7 =	sadd.s32 $0x60, s7;
	s6 =	sadd.s32 $0x1B0, s5;
	s5 =	sadd.s32 $0x240, s5  }
0x48d: {  	[hbm4b:s7+s4] =	stream.linear.scatter [tilespmem:s6], [sflag:$0x1], $0x88, $0x38;
	[tilespmem:$0x11B50] =	vst v63  }
.LBB2_18:
.Ltmp13:
0x48e: {  	(pc) =	sbr.rel @!p1 .LBB2_22-.Ltmp13, $1  }
0x48f: {  	_ =	sdelay $0x3  }
0x490: {  	s0 =	sor.u32 s0, s1  }
0x491: {  	s26 =	rddreg [dreg:$0x6];
	s0 =	sshrl.u32 s0, $0x3  }
0x492: {  	s28 =	simm.s32 $0xF750;
	s0 =	sadd.s32 s26, s0  }
0x493: {  	s29 =	simm.s32 $0xF7E0;
	s30 =	simm.s32 $0xF870;
	s2 =	sadd.s32 $0x0, s0  }
0x494: {  	[hbm4b:s2+s4] =	stream.linear.scatter [tilespmem:s28], [sflag:$0x2], $0x88, $0x38;
	[tilespmem:$0x11B50] =	vst v63  }
0x495: {  	s1 =	simm.s32 $0x400;
	s3 =	sadd.s32 $0x20, s2;
	s31 =	sadd.s32 $0x40, s2  }
0x496: {  	[hbm4b:s3+s4] =	stream.linear.scatter [tilespmem:s29], [sflag:$0x2], $0x88, $0x38;
	[tilespmem:$0x11B50] =	vst v63  }
0x497: {  	s5 =	sadd.s32 $0x60, s2;
	s2 =	simm.s32 $0xF990;
	s3 =	simm.s32 $0xF900  }
0x498: {  	[hbm4b:s31+s4] =	stream.linear.scatter [tilespmem:s30], [sflag:$0x2], $0x88, $0x38;
	[tilespmem:$0x11B50] =	vst v63  }
.LBB2_20:
0x499: {  	[hbm4b:s5+s4] =	stream.linear.scatter [tilespmem:s3], [sflag:$0x2], $0x88, $0x38;
	[tilespmem:$0x11B50] =	vst v63  }
0x49a: {  	s5 =	sadd.s32 s1, s0;
	p1 =	sne.s32 s1, $0x3C00;
	s1 =	sadd.s32 $0x400, s1  }
0x49b: {  	[hbm4b:s5+s4] =	stream.linear.scatter [tilespmem:s2], [sflag:$0x2], $0x88, $0x38;
	[tilespmem:$0x11B50] =	vst v63  }
.Ltmp14:
0x49c: {  	s3 =	sadd.s32 $0x90, s2;
	s6 =	sadd.s32 $0x20, s5;
	(pc) =	sbr.rel @p1 .LBB2_20-.Ltmp14, $4  }
0x49d: {  	[hbm4b:s6+s4] =	stream.linear.scatter [tilespmem:s3], [sflag:$0x2], $0x88, $0x38;
	[tilespmem:$0x11B50] =	vst v63  }
0x49e: {  	s3 =	sadd.s32 $0x120, s2;
	s6 =	sadd.s32 $0x40, s5  }
0x49f: {  	[hbm4b:s6+s4] =	stream.linear.scatter [tilespmem:s3], [sflag:$0x2], $0x88, $0x38;
	[tilespmem:$0x11B50] =	vst v63  }
0x4a0: {  	s5 =	sadd.s32 $0x60, s5;
	s3 =	sadd.s32 $0x1B0, s2;
	s2 =	sadd.s32 $0x240, s2  }
.Ltmp15:
0x4a1: {  	(pc) =	sbr.rel .LBB2_22-.Ltmp15, $2  }
0x4a2: {  	_ =	sdelay $0x2  }
0x4a3: {  	[hbm4b:s5+s4] =	stream.linear.scatter [tilespmem:s3], [sflag:$0x2], $0x88, $0x38;
	[tilespmem:$0x11B50] =	vst v63  }
.LBB2_24:
0x4a4: {  	_ =	sfence.sel $0x180000  }
0x4a5: {  	[bflag:$0x0] =	sbarrier.arrive $0xFFFF  }
0x4a6: {  	_ =	strace $0x90000047  }
0x4a7: {  	s0 =	stileid.u32;
	[bflag:$0x2] =	sbarrier.arrive $0xFFFF  }
0x4a8: {  	p0 =	sne.s32 s0, $0x0;
	s0 =	rddreg [dreg:$0x4]  }
0x4a9: {  	s0 =	sadd.s32 @!p0 $0x100000, s0  }
0x4aa: {  	[sflag:s0] =	ssyncadd.tile.s32 @!p0 $0x1;
	_ =	shalt  }
.Lfunc_end2:
_tile_overlayer_lowered:
.L_overlay_start_2:
0x4ab: {  	(tag) =	ssettag $0x2  }
0x4ac: {  	s0 =	rddreg [dreg:$0x0];
	s2 =	stileid.u32  }
0x4ad: {  	s1 =	rddreg [dreg:$0x1];
	p0 =	sne.s32 s2, $0x0  }
0x4ae: {  	s3 =	rddreg [dreg:$0x2];
	[bflag:$0x3] =	sbarrier.arrive $0xFFFF;
	s2 =	simm.s32 @!p0 $0x1C04  }
0x4af: {  	[timem:s3], [sflag:s2] =	dma.local @!p0 [hbm:s0], s1  }
0x4b0: {  	s0 =	simm.s32 @!p0 $0x4  }
0x4b1: {  	_ =	swait.ge @!p0 [sflag:s0], s1  }
0x4b2: {  	s1 =	ssub.s32 @!p0 $0x0, s1;
	[sflag:s0] =	ssyncset.done @!p0 $0x0  }
0x4b3: {  	[sflag:s0] =	ssyncadd.s32 @!p0 s1  }
0x4b4: {  	[bflag:$0x3] =	sbarrier.arrive $0xFFFF  }
0x4b5: {  	_ =	shalt  }

</sc_bundles>
